<compile_context>
chip_gen: v7x
topology: tpu7x:2x2x1
jax: 0.10.2.dev20260603
libtpu: 0.0.44.dev20260713+nightly
codegen_flags: <defaults>
</compile_context>

<pallas_src>
import jax
import jax.numpy as jnp
from jax import lax
from jax.experimental import pallas as pl
from jax.experimental.pallas import tpu as pltpu
from jax.experimental.pallas import tpu_sc as plsc

VOCAB = 100000
EMBED_DIM = 64
BATCH = 4096
HIST_LEN = 50
NC, NS = 2, 16
NW = NC * NS
BB = BATCH // NW
NF = EMBED_DIM // 8
WB = BATCH // 128
TP = BB + 1


def _gather_body(xT_hbm, table_hbm, out_hbm, idx_v,
                 G0, G1, G2, G3, T0, T1, T2, T3,
                 g0, g1, g2, g3, o0, o1, o2, o3):
    wid = lax.axis_index("s") * NC + lax.axis_index("c")
    pltpu.sync_copy(xT_hbm.at[:, wid], idx_v)

    G = [G0, G1, G2, G3]
    T = [T0, T1, T2, T3]
    gs = [g0, g1, g2, g3]
    os_ = [o0, o1, o2, o3]

    iota = lax.iota(jnp.int32, 16)
    fvec = [(iota + (k * 16)) // 8 for k in range(4)]
    rvec = iota % 8

    def gather(h, j):
        pltpu.async_copy(table_hbm.at[idx_v.at[h]], G[j], gs[j])

    def drain_gather(h, j):
        pltpu.make_async_copy(table_hbm.at[idx_v.at[h]], G[j], gs[j]).wait()

    def fire_out(h, j):
        pltpu.async_copy(T[j].at[:, :, pl.ds(0, BB)],
                         out_hbm.at[h, :, wid], os_[j])

    def drain_out(h, j):
        pltpu.make_async_copy(T[j].at[:, :, pl.ds(0, BB)],
                              out_hbm.at[h, :, wid], os_[j]).wait()

    def transpose(j):
        Gp, Tp = G[j], T[j]

        @plsc.parallel_loop(0, BB, unroll=8)
        def _(b):
            bvec = jnp.full((16,), b, jnp.int32)
            for k in range(4):
                v = Gp[b, pl.ds(k * 16, 16)]
                plsc.store_scatter(Tp, [fvec[k], rvec, bvec], v)

    for j in range(4):
        gather(j, j)

    def body(s, carry):
        for j in range(4):
            h = 4 * s + j
            drain_gather(h, j)

            @pl.when(s >= 1)
            def _():
                drain_out(h - 4, j)

            transpose(j)
            fire_out(h, j)

            @pl.when(h + 4 < HIST_LEN)
            def _():
                gather(h + 4, j)
        return carry

    lax.fori_loop(0, (HIST_LEN - 2) // 4, body, 0)
    for j in range(2):
        h = HIST_LEN - 2 + j
        drain_gather(h, j)
        drain_out(h - 4, j)
        transpose(j)
        fire_out(h, j)
    drain_out(HIST_LEN - 4, 2)
    drain_out(HIST_LEN - 3, 3)
    drain_out(HIST_LEN - 2, 0)
    drain_out(HIST_LEN - 1, 1)


VB = 16384
NVB = -(-VOCAB // VB)


def _pad_body(tT_ref, out_ref):
    t = tT_ref[...].T
    out_ref[...] = jnp.concatenate([t, jnp.zeros_like(t)], axis=1)


def kernel(x, table):
    xT = jnp.swapaxes(x, 0, 1).reshape(HIST_LEN, WB, BB) * 2
    mesh = plsc.VectorSubcoreMesh(core_axis_name="c", subcore_axis_name="s")
    k = pl.kernel(
        _gather_body,
        mesh=mesh,
        out_type=jax.ShapeDtypeStruct((HIST_LEN, NF, WB, 8, 128),
                                      jnp.float32),
        scratch_types=(
            [pltpu.VMEM((HIST_LEN, BB), jnp.int32)]
            + [pltpu.VMEM((BB, EMBED_DIM), jnp.float32)] * 4
            + [pltpu.VMEM((NF, 8, TP), jnp.float32)] * 4
            + [pltpu.SemaphoreType.DMA] * 8
        ),
        compiler_params=pltpu.CompilerParams(use_tc_tiling_on_sc=False,
                                             needs_layout_passes=False),
    )
    tT = jnp.swapaxes(table, 0, 1)
    tpad = pl.pallas_call(
        _pad_body,
        grid=(NVB,),
        in_specs=[pl.BlockSpec((EMBED_DIM, VB), lambda i: (0, i))],
        out_specs=pl.BlockSpec((VB, 2 * EMBED_DIM), lambda i: (i, 0)),
        out_shape=jax.ShapeDtypeStruct((VOCAB, 2 * EMBED_DIM), jnp.float32),
    )(tT).reshape(2 * VOCAB, EMBED_DIM)
    o5 = k(xT, tpad)
    return o5.transpose(2, 4, 0, 1, 3).reshape(BATCH, HIST_LEN, EMBED_DIM)

# --- scband reference (transcript-rebuilt; emitter-appended) ---
"""Pipeline reference for scband-text-embedding-3332894622695 (READ-ONLY COPY).

The authoritative reference and input builder live on the scoring server;
editing this copy changes nothing except your own understanding.
"""

import jax, jax.numpy as jnp
import numpy as np

VOCAB = 100000
EMBED_DIM = 64
BATCH = 4096
HIST_LEN = 50


def setup_inputs(seed: int = 0) -> dict:
    key = jax.random.key(seed)
    k1, k2 = jax.random.split(key)
    x = jax.random.randint(k1, (BATCH, HIST_LEN), 0, VOCAB, dtype=jnp.int64 if jax.config.jax_enable_x64 else jnp.int32).astype(jnp.int32)
    table = jax.random.normal(k2, (VOCAB, EMBED_DIM), dtype=jnp.float32)
    return {"x": x, "table": table}


def reference(x, table):
    # TextEmbedding.forward with p == 0: pure embedding lookup
    # (dropout branches are skipped since self.p == 0; also inactive at eval time)
    return jnp.take(table, x, axis=0)

if __name__ == "__main__":
    import jax
    _d = setup_inputs()
    print(jax.jit(kernel)(*tuple(_d.values())))

</pallas_src>

<mosaic_0001>
#map = affine_map<(d0, d1) -> (0, 0, 0)>
#map1 = affine_map<(d0, d1) -> (0, 0)>
#map2 = affine_map<(d0, d1) -> (0, 0, 0, 0, 0)>
module attributes {stable_mosaic.version = 14 : i64} {
  func.func @_gather_body(%arg0: i32, %arg1: i32, %arg2: memref<50x32x128xi32, #tpu.memory_space<hbm>>, %arg3: memref<200000x64xf32, #tpu.memory_space<hbm>>, %arg4: memref<50x8x32x8x128xf32, #tpu.memory_space<hbm>>, %arg5: memref<50x128xi32, #tpu.memory_space<vmem>>, %arg6: memref<128x64xf32, #tpu.memory_space<vmem>>, %arg7: memref<128x64xf32, #tpu.memory_space<vmem>>, %arg8: memref<128x64xf32, #tpu.memory_space<vmem>>, %arg9: memref<128x64xf32, #tpu.memory_space<vmem>>, %arg10: memref<8x8x129xf32, #tpu.memory_space<vmem>>, %arg11: memref<8x8x129xf32, #tpu.memory_space<vmem>>, %arg12: memref<8x8x129xf32, #tpu.memory_space<vmem>>, %arg13: memref<8x8x129xf32, #tpu.memory_space<vmem>>, %arg14: memref<!tpu.dma_semaphore, #tpu.memory_space<semaphore_mem>>, %arg15: memref<!tpu.dma_semaphore, #tpu.memory_space<semaphore_mem>>, %arg16: memref<!tpu.dma_semaphore, #tpu.memory_space<semaphore_mem>>, %arg17: memref<!tpu.dma_semaphore, #tpu.memory_space<semaphore_mem>>, %arg18: memref<!tpu.dma_semaphore, #tpu.memory_space<semaphore_mem>>, %arg19: memref<!tpu.dma_semaphore, #tpu.memory_space<semaphore_mem>>, %arg20: memref<!tpu.dma_semaphore, #tpu.memory_space<semaphore_mem>>, %arg21: memref<!tpu.dma_semaphore, #tpu.memory_space<semaphore_mem>>) attributes {dimension_semantics = [#tpu.dimension_semantics<core_parallel>, #tpu.dimension_semantics<subcore_parallel>], iteration_bounds = array<i64: 2, 16>, scalar_prefetch = 0 : i64, scratch_operands = 17 : i64, tpu.core_type = #tpu.core_type<sc_vector_subcore>, window_params = [{transform_indices = #map}, {transform_indices = #map1}, {transform_indices = #map2}]} {
    %mul3A = arith.constant 2 : i32
    %mul3A_0 = arith.muli %arg1, %mul3A : i32
    %add3A = arith.addi %mul3A_0, %arg0 : i32
    "tpu.region"() ({
      %run_scoped3A = tpu.sem_alloc : memref<!tpu.dma_semaphore, #tpu.memory_space<semaphore_mem>>
      %dma_start3A_351 = arith.constant 0 : i32
      %dma_start3A_352 = arith.constant 0 : i32
      %dma_start3A_353 = tpu.memref_slice %arg2[%dma_start3A_351, %add3A, %dma_start3A_352] : memref<50x32x128xi32, #tpu.memory_space<hbm>> -> memref<50x1x128xi32, #tpu.memory_space<hbm>>
      %dma_start3A_354 = tpu.memref_squeeze %dma_start3A_353 : memref<50x1x128xi32, #tpu.memory_space<hbm>> -> memref<50x128xi32, #tpu.memory_space<hbm>>
      %dma_start3A_355 = arith.constant 0 : i32
      %dma_start3A_356 = arith.constant 0 : i32
      %dma_start3A_357 = tpu.memref_slice %arg2[%dma_start3A_355, %add3A, %dma_start3A_356] : memref<50x32x128xi32, #tpu.memory_space<hbm>> -> memref<50x1x128xi32, #tpu.memory_space<hbm>>
      %dma_start3A_358 = tpu.memref_squeeze %dma_start3A_357 : memref<50x1x128xi32, #tpu.memory_space<hbm>> -> memref<50x128xi32, #tpu.memory_space<hbm>>
      tpu.enqueue_dma source(%dma_start3A_358 : memref<50x128xi32, #tpu.memory_space<hbm>>) target(%arg5 : memref<50x128xi32, #tpu.memory_space<vmem>>) target_semaphore(%run_scoped3A : memref<!tpu.dma_semaphore, #tpu.memory_space<semaphore_mem>>)
      %dma_wait3A_359 = arith.constant 0 : i32
      %dma_wait3A_360 = arith.constant 0 : i32
      %dma_wait3A_361 = tpu.memref_slice %arg2[%dma_wait3A_359, %add3A, %dma_wait3A_360] : memref<50x32x128xi32, #tpu.memory_space<hbm>> -> memref<50x1x128xi32, #tpu.memory_space<hbm>>
      %dma_wait3A_362 = tpu.memref_squeeze %dma_wait3A_361 : memref<50x1x128xi32, #tpu.memory_space<hbm>> -> memref<50x128xi32, #tpu.memory_space<hbm>>
      %dma_wait3A_363 = arith.constant 0 : i32
      %dma_wait3A_364 = arith.constant 0 : i32
      %dma_wait3A_365 = tpu.memref_slice %arg2[%dma_wait3A_363, %add3A, %dma_wait3A_364] : memref<50x32x128xi32, #tpu.memory_space<hbm>> -> memref<50x1x128xi32, #tpu.memory_space<hbm>>
      %dma_wait3A_366 = tpu.memref_squeeze %dma_wait3A_365 : memref<50x1x128xi32, #tpu.memory_space<hbm>> -> memref<50x128xi32, #tpu.memory_space<hbm>>
      tpu.wait_dma2 semaphore(%run_scoped3A : memref<!tpu.dma_semaphore, #tpu.memory_space<semaphore_mem>>) src(%dma_wait3A_366 : memref<50x128xi32, #tpu.memory_space<hbm>>) dst(%arg5 : memref<50x128xi32, #tpu.memory_space<vmem>>)
      tpu.yield
    }) : () -> ()
    %iota3A = tpu.iota {dimensions = array<i32: 0>} : vector<16xi32>
    %add3A_1 = arith.constant 0 : i32
    %add3A_2 = vector.broadcast %add3A_1 : i32 to vector<16xi32>
    %add3A_3 = arith.addi %iota3A, %add3A_2 : vector<16xi32>
    %jit3A = arith.constant 8 : i32
    %div3A = vector.broadcast %jit3A : i32 to vector<16xi32>
    %div3A_4 = arith.divsi %add3A_3, %div3A : vector<16xi32>
    %sign3A = arith.constant 0 : i32
    %sign3A_5 = vector.broadcast %sign3A : i32 to vector<16xi32>
    %sign3A_6 = arith.cmpi sgt, %add3A_3, %sign3A_5 : vector<16xi32>
    %sign3A_7 = arith.extui %sign3A_6 : vector<16xi1> to vector<16xi32>
    %sign3A_8 = arith.constant 0 : i32
    %sign3A_9 = vector.broadcast %sign3A_8 : i32 to vector<16xi32>
    %sign3A_10 = arith.cmpi slt, %add3A_3, %sign3A_9 : vector<16xi32>
    %sign3A_11 = arith.extui %sign3A_10 : vector<16xi1> to vector<16xi32>
    %sign3A_12 = arith.subi %sign3A_7, %sign3A_11 : vector<16xi32>
    %sign3A_13 = arith.constant 0 : i32
    %sign3A_14 = arith.cmpi sgt, %jit3A, %sign3A_13 : i32
    %sign3A_15 = arith.extui %sign3A_14 : i1 to i32
    %sign3A_16 = arith.constant 0 : i32
    %sign3A_17 = arith.cmpi slt, %jit3A, %sign3A_16 : i32
    %sign3A_18 = arith.extui %sign3A_17 : i1 to i32
    %sign3A_19 = arith.subi %sign3A_15, %sign3A_18 : i32
    %ne3A = vector.broadcast %sign3A_19 : i32 to vector<16xi32>
    %ne3A_20 = arith.cmpi ne, %sign3A_12, %ne3A : vector<16xi32>
    %rem3A = vector.broadcast %jit3A : i32 to vector<16xi32>
    %rem3A_21 = arith.remsi %add3A_3, %rem3A : vector<16xi32>
    %ne3A_22 = arith.constant 0 : i32
    %ne3A_23 = vector.broadcast %ne3A_22 : i32 to vector<16xi32>
    %ne3A_24 = arith.cmpi ne, %rem3A_21, %ne3A_23 : vector<16xi32>
    %and3A = arith.andi %ne3A_20, %ne3A_24 : vector<16xi1>
    %sub3A = arith.constant 1 : i32
    %sub3A_25 = vector.broadcast %sub3A : i32 to vector<16xi32>
    %sub3A_26 = arith.subi %div3A_4, %sub3A_25 : vector<16xi32>
    %select_n3A = arith.select %and3A, %sub3A_26, %div3A_4 : vector<16xi1>, vector<16xi32>
    %add3A_27 = arith.constant 16 : i32
    %add3A_28 = vector.broadcast %add3A_27 : i32 to vector<16xi32>
    %add3A_29 = arith.addi %iota3A, %add3A_28 : vector<16xi32>
    %jit3A_30 = arith.constant 8 : i32
    %div3A_31 = vector.broadcast %jit3A_30 : i32 to vector<16xi32>
    %div3A_32 = arith.divsi %add3A_29, %div3A_31 : vector<16xi32>
    %sign3A_33 = arith.constant 0 : i32
    %sign3A_34 = vector.broadcast %sign3A_33 : i32 to vector<16xi32>
    %sign3A_35 = arith.cmpi sgt, %add3A_29, %sign3A_34 : vector<16xi32>
    %sign3A_36 = arith.extui %sign3A_35 : vector<16xi1> to vector<16xi32>
    %sign3A_37 = arith.constant 0 : i32
    %sign3A_38 = vector.broadcast %sign3A_37 : i32 to vector<16xi32>
    %sign3A_39 = arith.cmpi slt, %add3A_29, %sign3A_38 : vector<16xi32>
    %sign3A_40 = arith.extui %sign3A_39 : vector<16xi1> to vector<16xi32>
    %sign3A_41 = arith.subi %sign3A_36, %sign3A_40 : vector<16xi32>
    %sign3A_42 = arith.constant 0 : i32
    %sign3A_43 = arith.cmpi sgt, %jit3A_30, %sign3A_42 : i32
    %sign3A_44 = arith.extui %sign3A_43 : i1 to i32
    %sign3A_45 = arith.constant 0 : i32
    %sign3A_46 = arith.cmpi slt, %jit3A_30, %sign3A_45 : i32
    %sign3A_47 = arith.extui %sign3A_46 : i1 to i32
    %sign3A_48 = arith.subi %sign3A_44, %sign3A_47 : i32
    %ne3A_49 = vector.broadcast %sign3A_48 : i32 to vector<16xi32>
    %ne3A_50 = arith.cmpi ne, %sign3A_41, %ne3A_49 : vector<16xi32>
    %rem3A_51 = vector.broadcast %jit3A_30 : i32 to vector<16xi32>
    %rem3A_52 = arith.remsi %add3A_29, %rem3A_51 : vector<16xi32>
    %ne3A_53 = arith.constant 0 : i32
    %ne3A_54 = vector.broadcast %ne3A_53 : i32 to vector<16xi32>
    %ne3A_55 = arith.cmpi ne, %rem3A_52, %ne3A_54 : vector<16xi32>
    %and3A_56 = arith.andi %ne3A_50, %ne3A_55 : vector<16xi1>
    %sub3A_57 = arith.constant 1 : i32
    %sub3A_58 = vector.broadcast %sub3A_57 : i32 to vector<16xi32>
    %sub3A_59 = arith.subi %div3A_32, %sub3A_58 : vector<16xi32>
    %select_n3A_60 = arith.select %and3A_56, %sub3A_59, %div3A_32 : vector<16xi1>, vector<16xi32>
    %add3A_61 = arith.constant 32 : i32
    %add3A_62 = vector.broadcast %add3A_61 : i32 to vector<16xi32>
    %add3A_63 = arith.addi %iota3A, %add3A_62 : vector<16xi32>
    %jit3A_64 = arith.constant 8 : i32
    %div3A_65 = vector.broadcast %jit3A_64 : i32 to vector<16xi32>
    %div3A_66 = arith.divsi %add3A_63, %div3A_65 : vector<16xi32>
    %sign3A_67 = arith.constant 0 : i32
    %sign3A_68 = vector.broadcast %sign3A_67 : i32 to vector<16xi32>
    %sign3A_69 = arith.cmpi sgt, %add3A_63, %sign3A_68 : vector<16xi32>
    %sign3A_70 = arith.extui %sign3A_69 : vector<16xi1> to vector<16xi32>
    %sign3A_71 = arith.constant 0 : i32
    %sign3A_72 = vector.broadcast %sign3A_71 : i32 to vector<16xi32>
    %sign3A_73 = arith.cmpi slt, %add3A_63, %sign3A_72 : vector<16xi32>
    %sign3A_74 = arith.extui %sign3A_73 : vector<16xi1> to vector<16xi32>
    %sign3A_75 = arith.subi %sign3A_70, %sign3A_74 : vector<16xi32>
    %sign3A_76 = arith.constant 0 : i32
    %sign3A_77 = arith.cmpi sgt, %jit3A_64, %sign3A_76 : i32
    %sign3A_78 = arith.extui %sign3A_77 : i1 to i32
    %sign3A_79 = arith.constant 0 : i32
    %sign3A_80 = arith.cmpi slt, %jit3A_64, %sign3A_79 : i32
    %sign3A_81 = arith.extui %sign3A_80 : i1 to i32
    %sign3A_82 = arith.subi %sign3A_78, %sign3A_81 : i32
    %ne3A_83 = vector.broadcast %sign3A_82 : i32 to vector<16xi32>
    %ne3A_84 = arith.cmpi ne, %sign3A_75, %ne3A_83 : vector<16xi32>
    %rem3A_85 = vector.broadcast %jit3A_64 : i32 to vector<16xi32>
    %rem3A_86 = arith.remsi %add3A_63, %rem3A_85 : vector<16xi32>
    %ne3A_87 = arith.constant 0 : i32
    %ne3A_88 = vector.broadcast %ne3A_87 : i32 to vector<16xi32>
    %ne3A_89 = arith.cmpi ne, %rem3A_86, %ne3A_88 : vector<16xi32>
    %and3A_90 = arith.andi %ne3A_84, %ne3A_89 : vector<16xi1>
    %sub3A_91 = arith.constant 1 : i32
    %sub3A_92 = vector.broadcast %sub3A_91 : i32 to vector<16xi32>
    %sub3A_93 = arith.subi %div3A_66, %sub3A_92 : vector<16xi32>
    %select_n3A_94 = arith.select %and3A_90, %sub3A_93, %div3A_66 : vector<16xi1>, vector<16xi32>
    %add3A_95 = arith.constant 48 : i32
    %add3A_96 = vector.broadcast %add3A_95 : i32 to vector<16xi32>
    %add3A_97 = arith.addi %iota3A, %add3A_96 : vector<16xi32>
    %jit3A_98 = arith.constant 8 : i32
    %div3A_99 = vector.broadcast %jit3A_98 : i32 to vector<16xi32>
    %div3A_100 = arith.divsi %add3A_97, %div3A_99 : vector<16xi32>
    %sign3A_101 = arith.constant 0 : i32
    %sign3A_102 = vector.broadcast %sign3A_101 : i32 to vector<16xi32>
    %sign3A_103 = arith.cmpi sgt, %add3A_97, %sign3A_102 : vector<16xi32>
    %sign3A_104 = arith.extui %sign3A_103 : vector<16xi1> to vector<16xi32>
    %sign3A_105 = arith.constant 0 : i32
    %sign3A_106 = vector.broadcast %sign3A_105 : i32 to vector<16xi32>
    %sign3A_107 = arith.cmpi slt, %add3A_97, %sign3A_106 : vector<16xi32>
    %sign3A_108 = arith.extui %sign3A_107 : vector<16xi1> to vector<16xi32>
    %sign3A_109 = arith.subi %sign3A_104, %sign3A_108 : vector<16xi32>
    %sign3A_110 = arith.constant 0 : i32
    %sign3A_111 = arith.cmpi sgt, %jit3A_98, %sign3A_110 : i32
    %sign3A_112 = arith.extui %sign3A_111 : i1 to i32
    %sign3A_113 = arith.constant 0 : i32
    %sign3A_114 = arith.cmpi slt, %jit3A_98, %sign3A_113 : i32
    %sign3A_115 = arith.extui %sign3A_114 : i1 to i32
    %sign3A_116 = arith.subi %sign3A_112, %sign3A_115 : i32
    %ne3A_117 = vector.broadcast %sign3A_116 : i32 to vector<16xi32>
    %ne3A_118 = arith.cmpi ne, %sign3A_109, %ne3A_117 : vector<16xi32>
    %rem3A_119 = vector.broadcast %jit3A_98 : i32 to vector<16xi32>
    %rem3A_120 = arith.remsi %add3A_97, %rem3A_119 : vector<16xi32>
    %ne3A_121 = arith.constant 0 : i32
    %ne3A_122 = vector.broadcast %ne3A_121 : i32 to vector<16xi32>
    %ne3A_123 = arith.cmpi ne, %rem3A_120, %ne3A_122 : vector<16xi32>
    %and3A_124 = arith.andi %ne3A_118, %ne3A_123 : vector<16xi1>
    %sub3A_125 = arith.constant 1 : i32
    %sub3A_126 = vector.broadcast %sub3A_125 : i32 to vector<16xi32>
    %sub3A_127 = arith.subi %div3A_100, %sub3A_126 : vector<16xi32>
    %select_n3A_128 = arith.select %and3A_124, %sub3A_127, %div3A_100 : vector<16xi1>, vector<16xi32>
    %jit3A_129 = arith.constant 8 : i32
    %eq3A = arith.constant 0 : i32
    %eq3A_130 = arith.cmpi eq, %jit3A_129, %eq3A : i32
    %jit3A_131 = arith.constant 1 : i32
    %select_n3A_132 = arith.select %eq3A_130, %jit3A_131, %jit3A_129 : i32
    %rem3A_133 = vector.broadcast %select_n3A_132 : i32 to vector<16xi32>
    %rem3A_134 = arith.remsi %iota3A, %rem3A_133 : vector<16xi32>
    %ne3A_135 = arith.constant 0 : i32
    %ne3A_136 = vector.broadcast %ne3A_135 : i32 to vector<16xi32>
    %ne3A_137 = arith.cmpi ne, %rem3A_134, %ne3A_136 : vector<16xi32>
    %lt3A = arith.constant 0 : i32
    %lt3A_138 = vector.broadcast %lt3A : i32 to vector<16xi32>
    %lt3A_139 = arith.cmpi slt, %rem3A_134, %lt3A_138 : vector<16xi32>
    %lt3A_140 = arith.constant 0 : i32
    %lt3A_141 = arith.cmpi slt, %select_n3A_132, %lt3A_140 : i32
    %ne3A_142 = vector.broadcast %lt3A_141 : i1 to vector<16xi1>
    %ne3A_143 = vector.broadcast %ne3A_142 : vector<16xi1> to vector<16xi1>
    %ne3A_144 = arith.xori %lt3A_139, %ne3A_143 : vector<16xi1>
    %and3A_145 = arith.andi %ne3A_144, %ne3A_137 : vector<16xi1>
    %add3A_146 = vector.broadcast %select_n3A_132 : i32 to vector<16xi32>
    %add3A_147 = arith.addi %rem3A_134, %add3A_146 : vector<16xi32>
    %select_n3A_148 = arith.select %and3A_145, %add3A_147, %rem3A_134 : vector<16xi1>, vector<16xi32>
    %dma_start3A = arith.constant 0 : i32
    %dma_start3A_149 = arith.constant 0 : i32
    %dma_start3A_150 = tpu.memref_slice %arg5[%dma_start3A, %dma_start3A_149] : memref<50x128xi32, #tpu.memory_space<vmem>> -> memref<1x128xi32, #tpu.memory_space<vmem>>
    %dma_start3A_151 = tpu.memref_squeeze %dma_start3A_150 : memref<1x128xi32, #tpu.memory_space<vmem>> -> memref<128xi32, #tpu.memory_space<vmem>>
    %dma_start3A_152 = arith.constant 0 : i32
    %dma_start3A_153 = arith.constant 0 : i32
    %dma_start3A_154 = tpu.memref_slice %arg3[%dma_start3A_152, %dma_start3A_153] : memref<200000x64xf32, #tpu.memory_space<hbm>> -> memref<200000x64xf32, #tpu.memory_space<hbm>>
    tpu.enqueue_indirect_dma source(%dma_start3A_154 : memref<200000x64xf32, #tpu.memory_space<hbm>>) target(%arg6 : memref<128x64xf32, #tpu.memory_space<vmem>>) offsets(%dma_start3A_151 : memref<128xi32, #tpu.memory_space<vmem>>) semaphore(%arg14 : memref<!tpu.dma_semaphore, #tpu.memory_space<semaphore_mem>>)
    %dma_start3A_155 = arith.constant 1 : i32
    %dma_start3A_156 = arith.constant 0 : i32
    %dma_start3A_157 = tpu.memref_slice %arg5[%dma_start3A_155, %dma_start3A_156] : memref<50x128xi32, #tpu.memory_space<vmem>> -> memref<1x128xi32, #tpu.memory_space<vmem>>
    %dma_start3A_158 = tpu.memref_squeeze %dma_start3A_157 : memref<1x128xi32, #tpu.memory_space<vmem>> -> memref<128xi32, #tpu.memory_space<vmem>>
    %dma_start3A_159 = arith.constant 0 : i32
    %dma_start3A_160 = arith.constant 0 : i32
    %dma_start3A_161 = tpu.memref_slice %arg3[%dma_start3A_159, %dma_start3A_160] : memref<200000x64xf32, #tpu.memory_space<hbm>> -> memref<200000x64xf32, #tpu.memory_space<hbm>>
    tpu.enqueue_indirect_dma source(%dma_start3A_161 : memref<200000x64xf32, #tpu.memory_space<hbm>>) target(%arg7 : memref<128x64xf32, #tpu.memory_space<vmem>>) offsets(%dma_start3A_158 : memref<128xi32, #tpu.memory_space<vmem>>) semaphore(%arg15 : memref<!tpu.dma_semaphore, #tpu.memory_space<semaphore_mem>>)
    %dma_start3A_162 = arith.constant 2 : i32
    %dma_start3A_163 = arith.constant 0 : i32
    %dma_start3A_164 = tpu.memref_slice %arg5[%dma_start3A_162, %dma_start3A_163] : memref<50x128xi32, #tpu.memory_space<vmem>> -> memref<1x128xi32, #tpu.memory_space<vmem>>
    %dma_start3A_165 = tpu.memref_squeeze %dma_start3A_164 : memref<1x128xi32, #tpu.memory_space<vmem>> -> memref<128xi32, #tpu.memory_space<vmem>>
    %dma_start3A_166 = arith.constant 0 : i32
    %dma_start3A_167 = arith.constant 0 : i32
    %dma_start3A_168 = tpu.memref_slice %arg3[%dma_start3A_166, %dma_start3A_167] : memref<200000x64xf32, #tpu.memory_space<hbm>> -> memref<200000x64xf32, #tpu.memory_space<hbm>>
    tpu.enqueue_indirect_dma source(%dma_start3A_168 : memref<200000x64xf32, #tpu.memory_space<hbm>>) target(%arg8 : memref<128x64xf32, #tpu.memory_space<vmem>>) offsets(%dma_start3A_165 : memref<128xi32, #tpu.memory_space<vmem>>) semaphore(%arg16 : memref<!tpu.dma_semaphore, #tpu.memory_space<semaphore_mem>>)
    %dma_start3A_169 = arith.constant 3 : i32
    %dma_start3A_170 = arith.constant 0 : i32
    %dma_start3A_171 = tpu.memref_slice %arg5[%dma_start3A_169, %dma_start3A_170] : memref<50x128xi32, #tpu.memory_space<vmem>> -> memref<1x128xi32, #tpu.memory_space<vmem>>
    %dma_start3A_172 = tpu.memref_squeeze %dma_start3A_171 : memref<1x128xi32, #tpu.memory_space<vmem>> -> memref<128xi32, #tpu.memory_space<vmem>>
    %dma_start3A_173 = arith.constant 0 : i32
    %dma_start3A_174 = arith.constant 0 : i32
    %dma_start3A_175 = tpu.memref_slice %arg3[%dma_start3A_173, %dma_start3A_174] : memref<200000x64xf32, #tpu.memory_space<hbm>> -> memref<200000x64xf32, #tpu.memory_space<hbm>>
    tpu.enqueue_indirect_dma source(%dma_start3A_175 : memref<200000x64xf32, #tpu.memory_space<hbm>>) target(%arg9 : memref<128x64xf32, #tpu.memory_space<vmem>>) offsets(%dma_start3A_172 : memref<128xi32, #tpu.memory_space<vmem>>) semaphore(%arg17 : memref<!tpu.dma_semaphore, #tpu.memory_space<semaphore_mem>>)
    %scan3A = arith.constant 0 : i32
    %scan3A_176 = arith.constant 0 : i32
    %scan3A_177 = arith.constant 12 : i32
    %scan3A_178 = arith.addi %scan3A_176, %scan3A_177 : i32
    %scan3A_179 = arith.constant 1 : i32
    scf.for %scan3A_351 = %scan3A_176 to %scan3A_178 step %scan3A_179  : i32 {
      %mul3A_352 = arith.constant 4 : i32
      %mul3A_353 = arith.muli %mul3A_352, %scan3A_351 : i32
      %add3A_354 = arith.constant 0 : i32
      %add3A_355 = arith.addi %mul3A_353, %add3A_354 : i32
      %dma_wait3A_356 = arith.constant 0 : i32
      %dma_wait3A_357 = tpu.memref_slice %arg5[%add3A_355, %dma_wait3A_356] : memref<50x128xi32, #tpu.memory_space<vmem>> -> memref<1x128xi32, #tpu.memory_space<vmem>>
      %dma_wait3A_358 = tpu.memref_squeeze %dma_wait3A_357 : memref<1x128xi32, #tpu.memory_space<vmem>> -> memref<128xi32, #tpu.memory_space<vmem>>
      %dma_wait3A_359 = arith.constant 0 : i32
      %dma_wait3A_360 = arith.constant 0 : i32
      %dma_wait3A_361 = tpu.memref_slice %arg3[%dma_wait3A_359, %dma_wait3A_360] : memref<200000x64xf32, #tpu.memory_space<hbm>> -> memref<200000x64xf32, #tpu.memory_space<hbm>>
      tpu.wait_indirect_dma semaphore(%arg14 : memref<!tpu.dma_semaphore, #tpu.memory_space<semaphore_mem>>) src(%dma_wait3A_361 : memref<200000x64xf32, #tpu.memory_space<hbm>>) dst(%arg6 : memref<128x64xf32, #tpu.memory_space<vmem>>)
      %ge3A = arith.constant 1 : i32
      %ge3A_362 = arith.cmpi sge, %scan3A_351, %ge3A : i32
      %convert_element_type3A = arith.extui %ge3A_362 : i1 to i32
      %cond3A = arith.constant 0 : i32
      %cond3A_363 = arith.cmpi ne, %convert_element_type3A, %cond3A : i32
      scf.if %cond3A_363 {
        %sub3A_521 = arith.constant 4 : i32
        %sub3A_522 = arith.subi %add3A_355, %sub3A_521 : i32
        %dma_wait3A_523 = arith.constant 0 : i32
        %dma_wait3A_524 = arith.constant 0 : i32
        %dma_wait3A_525 = arith.constant 0 : i32
        %dma_wait3A_526 = tpu.memref_slice %arg10[%dma_wait3A_523, %dma_wait3A_524, %dma_wait3A_525] : memref<8x8x129xf32, #tpu.memory_space<vmem>> -> memref<8x8x128xf32, #tpu.memory_space<vmem>>
        %dma_wait3A_527 = arith.constant 0 : i32
        %dma_wait3A_528 = arith.constant 0 : i32
        %dma_wait3A_529 = arith.constant 0 : i32
        %dma_wait3A_530 = tpu.memref_slice %arg4[%sub3A_522, %dma_wait3A_527, %add3A, %dma_wait3A_528, %dma_wait3A_529] : memref<50x8x32x8x128xf32, #tpu.memory_space<hbm>> -> memref<1x8x1x8x128xf32, #tpu.memory_space<hbm>>
        %dma_wait3A_531 = tpu.memref_squeeze %dma_wait3A_530 : memref<1x8x1x8x128xf32, #tpu.memory_space<hbm>> -> memref<8x8x128xf32, #tpu.memory_space<hbm>>
        %dma_wait3A_532 = arith.constant 0 : i32
        %dma_wait3A_533 = arith.constant 0 : i32
        %dma_wait3A_534 = arith.constant 0 : i32
        %dma_wait3A_535 = tpu.memref_slice %arg4[%sub3A_522, %dma_wait3A_532, %add3A, %dma_wait3A_533, %dma_wait3A_534] : memref<50x8x32x8x128xf32, #tpu.memory_space<hbm>> -> memref<1x8x1x8x128xf32, #tpu.memory_space<hbm>>
        %dma_wait3A_536 = tpu.memref_squeeze %dma_wait3A_535 : memref<1x8x1x8x128xf32, #tpu.memory_space<hbm>> -> memref<8x8x128xf32, #tpu.memory_space<hbm>>
        %dma_wait3A_537 = arith.constant 0 : i32
        %dma_wait3A_538 = arith.constant 0 : i32
        %dma_wait3A_539 = arith.constant 0 : i32
        %dma_wait3A_540 = tpu.memref_slice %arg10[%dma_wait3A_537, %dma_wait3A_538, %dma_wait3A_539] : memref<8x8x129xf32, #tpu.memory_space<vmem>> -> memref<8x8x128xf32, #tpu.memory_space<vmem>>
        tpu.wait_dma2 semaphore(%arg18 : memref<!tpu.dma_semaphore, #tpu.memory_space<semaphore_mem>>) src(%dma_wait3A_540 : memref<8x8x128xf32, #tpu.memory_space<vmem>>) dst(%dma_wait3A_536 : memref<8x8x128xf32, #tpu.memory_space<hbm>>)
      } else {
      }
      %parallel_loop3A_364 = arith.constant 0 : i32
      %parallel_loop3A_365 = arith.constant 128 : i32
      %parallel_loop3A_366 = arith.constant 1 : i32
      scf.for %parallel_loop3A_521 = %parallel_loop3A_364 to %parallel_loop3A_365 step %parallel_loop3A_366  : i32 {
        %parallel_loop3A_522 = vector.broadcast %parallel_loop3A_521 : i32 to vector<16xi32>
        %parallel_loop3A_523 = arith.index_cast %parallel_loop3A_521 : i32 to index
        %parallel_loop3A_524 = arith.constant 0 : index
        %parallel_loop3A_525 = tpu.vector_load %arg6[%parallel_loop3A_523, %parallel_loop3A_524] {strides = array<i32>} : memref<128x64xf32, #tpu.memory_space<vmem>>, vector<16xf32>,
        tpu.vector_store_idx %arg10[%select_n3A, %select_n3A_148, %parallel_loop3A_522], %parallel_loop3A_525 : memref<8x8x129xf32, #tpu.memory_space<vmem>>[vector<16xi32>, vector<16xi32>, vector<16xi32>], vector<16xf32>,
        %parallel_loop3A_526 = arith.index_cast %parallel_loop3A_521 : i32 to index
        %parallel_loop3A_527 = arith.constant 16 : index
        %parallel_loop3A_528 = tpu.vector_load %arg6[%parallel_loop3A_526, %parallel_loop3A_527] {strides = array<i32>} : memref<128x64xf32, #tpu.memory_space<vmem>>, vector<16xf32>,
        tpu.vector_store_idx %arg10[%select_n3A_60, %select_n3A_148, %parallel_loop3A_522], %parallel_loop3A_528 : memref<8x8x129xf32, #tpu.memory_space<vmem>>[vector<16xi32>, vector<16xi32>, vector<16xi32>], vector<16xf32>,
        %parallel_loop3A_529 = arith.index_cast %parallel_loop3A_521 : i32 to index
        %parallel_loop3A_530 = arith.constant 32 : index
        %parallel_loop3A_531 = tpu.vector_load %arg6[%parallel_loop3A_529, %parallel_loop3A_530] {strides = array<i32>} : memref<128x64xf32, #tpu.memory_space<vmem>>, vector<16xf32>,
        tpu.vector_store_idx %arg10[%select_n3A_94, %select_n3A_148, %parallel_loop3A_522], %parallel_loop3A_531 : memref<8x8x129xf32, #tpu.memory_space<vmem>>[vector<16xi32>, vector<16xi32>, vector<16xi32>], vector<16xf32>,
        %parallel_loop3A_532 = arith.index_cast %parallel_loop3A_521 : i32 to index
        %parallel_loop3A_533 = arith.constant 48 : index
        %parallel_loop3A_534 = tpu.vector_load %arg6[%parallel_loop3A_532, %parallel_loop3A_533] {strides = array<i32>} : memref<128x64xf32, #tpu.memory_space<vmem>>, vector<16xf32>,
        tpu.vector_store_idx %arg10[%select_n3A_128, %select_n3A_148, %parallel_loop3A_522], %parallel_loop3A_534 : memref<8x8x129xf32, #tpu.memory_space<vmem>>[vector<16xi32>, vector<16xi32>, vector<16xi32>], vector<16xf32>,
      } {sc.loop_unroll_factor = 8 : i64, sc.parallel_access}
      %dma_start3A_367 = arith.constant 0 : i32
      %dma_start3A_368 = arith.constant 0 : i32
      %dma_start3A_369 = arith.constant 0 : i32
      %dma_start3A_370 = tpu.memref_slice %arg10[%dma_start3A_367, %dma_start3A_368, %dma_start3A_369] : memref<8x8x129xf32, #tpu.memory_space<vmem>> -> memref<8x8x128xf32, #tpu.memory_space<vmem>>
      %dma_start3A_371 = arith.constant 0 : i32
      %dma_start3A_372 = arith.constant 0 : i32
      %dma_start3A_373 = arith.constant 0 : i32
      %dma_start3A_374 = tpu.memref_slice %arg4[%add3A_355, %dma_start3A_371, %add3A, %dma_start3A_372, %dma_start3A_373] : memref<50x8x32x8x128xf32, #tpu.memory_space<hbm>> -> memref<1x8x1x8x128xf32, #tpu.memory_space<hbm>>
      %dma_start3A_375 = tpu.memref_squeeze %dma_start3A_374 : memref<1x8x1x8x128xf32, #tpu.memory_space<hbm>> -> memref<8x8x128xf32, #tpu.memory_space<hbm>>
      %dma_start3A_376 = arith.constant 0 : i32
      %dma_start3A_377 = arith.constant 0 : i32
      %dma_start3A_378 = arith.constant 0 : i32
      %dma_start3A_379 = tpu.memref_slice %arg4[%add3A_355, %dma_start3A_376, %add3A, %dma_start3A_377, %dma_start3A_378] : memref<50x8x32x8x128xf32, #tpu.memory_space<hbm>> -> memref<1x8x1x8x128xf32, #tpu.memory_space<hbm>>
      %dma_start3A_380 = tpu.memref_squeeze %dma_start3A_379 : memref<1x8x1x8x128xf32, #tpu.memory_space<hbm>> -> memref<8x8x128xf32, #tpu.memory_space<hbm>>
      %dma_start3A_381 = arith.constant 0 : i32
      %dma_start3A_382 = arith.constant 0 : i32
      %dma_start3A_383 = arith.constant 0 : i32
      %dma_start3A_384 = tpu.memref_slice %arg10[%dma_start3A_381, %dma_start3A_382, %dma_start3A_383] : memref<8x8x129xf32, #tpu.memory_space<vmem>> -> memref<8x8x128xf32, #tpu.memory_space<vmem>>
      tpu.enqueue_dma source(%dma_start3A_384 : memref<8x8x128xf32, #tpu.memory_space<vmem>>) target(%dma_start3A_380 : memref<8x8x128xf32, #tpu.memory_space<hbm>>) target_semaphore(%arg18 : memref<!tpu.dma_semaphore, #tpu.memory_space<semaphore_mem>>)
      %add3A_385 = arith.constant 4 : i32
      %add3A_386 = arith.addi %add3A_355, %add3A_385 : i32
      %lt3A_387 = arith.constant 50 : i32
      %lt3A_388 = arith.cmpi slt, %add3A_386, %lt3A_387 : i32
      %convert_element_type3A_389 = arith.extui %lt3A_388 : i1 to i32
      %cond3A_390 = arith.constant 0 : i32
      %cond3A_391 = arith.cmpi ne, %convert_element_type3A_389, %cond3A_390 : i32
      scf.if %cond3A_391 {
        %add3A_521 = arith.constant 4 : i32
        %add3A_522 = arith.addi %add3A_355, %add3A_521 : i32
        %dma_start3A_523 = arith.constant 0 : i32
        %dma_start3A_524 = tpu.memref_slice %arg5[%add3A_522, %dma_start3A_523] : memref<50x128xi32, #tpu.memory_space<vmem>> -> memref<1x128xi32, #tpu.memory_space<vmem>>
        %dma_start3A_525 = tpu.memref_squeeze %dma_start3A_524 : memref<1x128xi32, #tpu.memory_space<vmem>> -> memref<128xi32, #tpu.memory_space<vmem>>
        %dma_start3A_526 = arith.constant 0 : i32
        %dma_start3A_527 = arith.constant 0 : i32
        %dma_start3A_528 = tpu.memref_slice %arg3[%dma_start3A_526, %dma_start3A_527] : memref<200000x64xf32, #tpu.memory_space<hbm>> -> memref<200000x64xf32, #tpu.memory_space<hbm>>
        tpu.enqueue_indirect_dma source(%dma_start3A_528 : memref<200000x64xf32, #tpu.memory_space<hbm>>) target(%arg6 : memref<128x64xf32, #tpu.memory_space<vmem>>) offsets(%dma_start3A_525 : memref<128xi32, #tpu.memory_space<vmem>>) semaphore(%arg14 : memref<!tpu.dma_semaphore, #tpu.memory_space<semaphore_mem>>)
      } else {
      }
      %mul3A_392 = arith.constant 4 : i32
      %mul3A_393 = arith.muli %mul3A_392, %scan3A_351 : i32
      %add3A_394 = arith.constant 1 : i32
      %add3A_395 = arith.addi %mul3A_393, %add3A_394 : i32
      %dma_wait3A_396 = arith.constant 0 : i32
      %dma_wait3A_397 = tpu.memref_slice %arg5[%add3A_395, %dma_wait3A_396] : memref<50x128xi32, #tpu.memory_space<vmem>> -> memref<1x128xi32, #tpu.memory_space<vmem>>
      %dma_wait3A_398 = tpu.memref_squeeze %dma_wait3A_397 : memref<1x128xi32, #tpu.memory_space<vmem>> -> memref<128xi32, #tpu.memory_space<vmem>>
      %dma_wait3A_399 = arith.constant 0 : i32
      %dma_wait3A_400 = arith.constant 0 : i32
      %dma_wait3A_401 = tpu.memref_slice %arg3[%dma_wait3A_399, %dma_wait3A_400] : memref<200000x64xf32, #tpu.memory_space<hbm>> -> memref<200000x64xf32, #tpu.memory_space<hbm>>
      tpu.wait_indirect_dma semaphore(%arg15 : memref<!tpu.dma_semaphore, #tpu.memory_space<semaphore_mem>>) src(%dma_wait3A_401 : memref<200000x64xf32, #tpu.memory_space<hbm>>) dst(%arg7 : memref<128x64xf32, #tpu.memory_space<vmem>>)
      %ge3A_402 = arith.constant 1 : i32
      %ge3A_403 = arith.cmpi sge, %scan3A_351, %ge3A_402 : i32
      %convert_element_type3A_404 = arith.extui %ge3A_403 : i1 to i32
      %cond3A_405 = arith.constant 0 : i32
      %cond3A_406 = arith.cmpi ne, %convert_element_type3A_404, %cond3A_405 : i32
      scf.if %cond3A_406 {
        %sub3A_521 = arith.constant 4 : i32
        %sub3A_522 = arith.subi %add3A_395, %sub3A_521 : i32
        %dma_wait3A_523 = arith.constant 0 : i32
        %dma_wait3A_524 = arith.constant 0 : i32
        %dma_wait3A_525 = arith.constant 0 : i32
        %dma_wait3A_526 = tpu.memref_slice %arg11[%dma_wait3A_523, %dma_wait3A_524, %dma_wait3A_525] : memref<8x8x129xf32, #tpu.memory_space<vmem>> -> memref<8x8x128xf32, #tpu.memory_space<vmem>>
        %dma_wait3A_527 = arith.constant 0 : i32
        %dma_wait3A_528 = arith.constant 0 : i32
        %dma_wait3A_529 = arith.constant 0 : i32
        %dma_wait3A_530 = tpu.memref_slice %arg4[%sub3A_522, %dma_wait3A_527, %add3A, %dma_wait3A_528, %dma_wait3A_529] : memref<50x8x32x8x128xf32, #tpu.memory_space<hbm>> -> memref<1x8x1x8x128xf32, #tpu.memory_space<hbm>>
        %dma_wait3A_531 = tpu.memref_squeeze %dma_wait3A_530 : memref<1x8x1x8x128xf32, #tpu.memory_space<hbm>> -> memref<8x8x128xf32, #tpu.memory_space<hbm>>
        %dma_wait3A_532 = arith.constant 0 : i32
        %dma_wait3A_533 = arith.constant 0 : i32
        %dma_wait3A_534 = arith.constant 0 : i32
        %dma_wait3A_535 = tpu.memref_slice %arg4[%sub3A_522, %dma_wait3A_532, %add3A, %dma_wait3A_533, %dma_wait3A_534] : memref<50x8x32x8x128xf32, #tpu.memory_space<hbm>> -> memref<1x8x1x8x128xf32, #tpu.memory_space<hbm>>
        %dma_wait3A_536 = tpu.memref_squeeze %dma_wait3A_535 : memref<1x8x1x8x128xf32, #tpu.memory_space<hbm>> -> memref<8x8x128xf32, #tpu.memory_space<hbm>>
        %dma_wait3A_537 = arith.constant 0 : i32
        %dma_wait3A_538 = arith.constant 0 : i32
        %dma_wait3A_539 = arith.constant 0 : i32
        %dma_wait3A_540 = tpu.memref_slice %arg11[%dma_wait3A_537, %dma_wait3A_538, %dma_wait3A_539] : memref<8x8x129xf32, #tpu.memory_space<vmem>> -> memref<8x8x128xf32, #tpu.memory_space<vmem>>
        tpu.wait_dma2 semaphore(%arg19 : memref<!tpu.dma_semaphore, #tpu.memory_space<semaphore_mem>>) src(%dma_wait3A_540 : memref<8x8x128xf32, #tpu.memory_space<vmem>>) dst(%dma_wait3A_536 : memref<8x8x128xf32, #tpu.memory_space<hbm>>)
      } else {
      }
      %parallel_loop3A_407 = arith.constant 0 : i32
      %parallel_loop3A_408 = arith.constant 128 : i32
      %parallel_loop3A_409 = arith.constant 1 : i32
      scf.for %parallel_loop3A_521 = %parallel_loop3A_407 to %parallel_loop3A_408 step %parallel_loop3A_409  : i32 {
        %parallel_loop3A_522 = vector.broadcast %parallel_loop3A_521 : i32 to vector<16xi32>
        %parallel_loop3A_523 = arith.index_cast %parallel_loop3A_521 : i32 to index
        %parallel_loop3A_524 = arith.constant 0 : index
        %parallel_loop3A_525 = tpu.vector_load %arg7[%parallel_loop3A_523, %parallel_loop3A_524] {strides = array<i32>} : memref<128x64xf32, #tpu.memory_space<vmem>>, vector<16xf32>,
        tpu.vector_store_idx %arg11[%select_n3A, %select_n3A_148, %parallel_loop3A_522], %parallel_loop3A_525 : memref<8x8x129xf32, #tpu.memory_space<vmem>>[vector<16xi32>, vector<16xi32>, vector<16xi32>], vector<16xf32>,
        %parallel_loop3A_526 = arith.index_cast %parallel_loop3A_521 : i32 to index
        %parallel_loop3A_527 = arith.constant 16 : index
        %parallel_loop3A_528 = tpu.vector_load %arg7[%parallel_loop3A_526, %parallel_loop3A_527] {strides = array<i32>} : memref<128x64xf32, #tpu.memory_space<vmem>>, vector<16xf32>,
        tpu.vector_store_idx %arg11[%select_n3A_60, %select_n3A_148, %parallel_loop3A_522], %parallel_loop3A_528 : memref<8x8x129xf32, #tpu.memory_space<vmem>>[vector<16xi32>, vector<16xi32>, vector<16xi32>], vector<16xf32>,
        %parallel_loop3A_529 = arith.index_cast %parallel_loop3A_521 : i32 to index
        %parallel_loop3A_530 = arith.constant 32 : index
        %parallel_loop3A_531 = tpu.vector_load %arg7[%parallel_loop3A_529, %parallel_loop3A_530] {strides = array<i32>} : memref<128x64xf32, #tpu.memory_space<vmem>>, vector<16xf32>,
        tpu.vector_store_idx %arg11[%select_n3A_94, %select_n3A_148, %parallel_loop3A_522], %parallel_loop3A_531 : memref<8x8x129xf32, #tpu.memory_space<vmem>>[vector<16xi32>, vector<16xi32>, vector<16xi32>], vector<16xf32>,
        %parallel_loop3A_532 = arith.index_cast %parallel_loop3A_521 : i32 to index
        %parallel_loop3A_533 = arith.constant 48 : index
        %parallel_loop3A_534 = tpu.vector_load %arg7[%parallel_loop3A_532, %parallel_loop3A_533] {strides = array<i32>} : memref<128x64xf32, #tpu.memory_space<vmem>>, vector<16xf32>,
        tpu.vector_store_idx %arg11[%select_n3A_128, %select_n3A_148, %parallel_loop3A_522], %parallel_loop3A_534 : memref<8x8x129xf32, #tpu.memory_space<vmem>>[vector<16xi32>, vector<16xi32>, vector<16xi32>], vector<16xf32>,
      } {sc.loop_unroll_factor = 8 : i64, sc.parallel_access}
      %dma_start3A_410 = arith.constant 0 : i32
      %dma_start3A_411 = arith.constant 0 : i32
      %dma_start3A_412 = arith.constant 0 : i32
      %dma_start3A_413 = tpu.memref_slice %arg11[%dma_start3A_410, %dma_start3A_411, %dma_start3A_412] : memref<8x8x129xf32, #tpu.memory_space<vmem>> -> memref<8x8x128xf32, #tpu.memory_space<vmem>>
      %dma_start3A_414 = arith.constant 0 : i32
      %dma_start3A_415 = arith.constant 0 : i32
      %dma_start3A_416 = arith.constant 0 : i32
      %dma_start3A_417 = tpu.memref_slice %arg4[%add3A_395, %dma_start3A_414, %add3A, %dma_start3A_415, %dma_start3A_416] : memref<50x8x32x8x128xf32, #tpu.memory_space<hbm>> -> memref<1x8x1x8x128xf32, #tpu.memory_space<hbm>>
      %dma_start3A_418 = tpu.memref_squeeze %dma_start3A_417 : memref<1x8x1x8x128xf32, #tpu.memory_space<hbm>> -> memref<8x8x128xf32, #tpu.memory_space<hbm>>
      %dma_start3A_419 = arith.constant 0 : i32
      %dma_start3A_420 = arith.constant 0 : i32
      %dma_start3A_421 = arith.constant 0 : i32
      %dma_start3A_422 = tpu.memref_slice %arg4[%add3A_395, %dma_start3A_419, %add3A, %dma_start3A_420, %dma_start3A_421] : memref<50x8x32x8x128xf32, #tpu.memory_space<hbm>> -> memref<1x8x1x8x128xf32, #tpu.memory_space<hbm>>
      %dma_start3A_423 = tpu.memref_squeeze %dma_start3A_422 : memref<1x8x1x8x128xf32, #tpu.memory_space<hbm>> -> memref<8x8x128xf32, #tpu.memory_space<hbm>>
      %dma_start3A_424 = arith.constant 0 : i32
      %dma_start3A_425 = arith.constant 0 : i32
      %dma_start3A_426 = arith.constant 0 : i32
      %dma_start3A_427 = tpu.memref_slice %arg11[%dma_start3A_424, %dma_start3A_425, %dma_start3A_426] : memref<8x8x129xf32, #tpu.memory_space<vmem>> -> memref<8x8x128xf32, #tpu.memory_space<vmem>>
      tpu.enqueue_dma source(%dma_start3A_427 : memref<8x8x128xf32, #tpu.memory_space<vmem>>) target(%dma_start3A_423 : memref<8x8x128xf32, #tpu.memory_space<hbm>>) target_semaphore(%arg19 : memref<!tpu.dma_semaphore, #tpu.memory_space<semaphore_mem>>)
      %add3A_428 = arith.constant 4 : i32
      %add3A_429 = arith.addi %add3A_395, %add3A_428 : i32
      %lt3A_430 = arith.constant 50 : i32
      %lt3A_431 = arith.cmpi slt, %add3A_429, %lt3A_430 : i32
      %convert_element_type3A_432 = arith.extui %lt3A_431 : i1 to i32
      %cond3A_433 = arith.constant 0 : i32
      %cond3A_434 = arith.cmpi ne, %convert_element_type3A_432, %cond3A_433 : i32
      scf.if %cond3A_434 {
        %add3A_521 = arith.constant 4 : i32
        %add3A_522 = arith.addi %add3A_395, %add3A_521 : i32
        %dma_start3A_523 = arith.constant 0 : i32
        %dma_start3A_524 = tpu.memref_slice %arg5[%add3A_522, %dma_start3A_523] : memref<50x128xi32, #tpu.memory_space<vmem>> -> memref<1x128xi32, #tpu.memory_space<vmem>>
        %dma_start3A_525 = tpu.memref_squeeze %dma_start3A_524 : memref<1x128xi32, #tpu.memory_space<vmem>> -> memref<128xi32, #tpu.memory_space<vmem>>
        %dma_start3A_526 = arith.constant 0 : i32
        %dma_start3A_527 = arith.constant 0 : i32
        %dma_start3A_528 = tpu.memref_slice %arg3[%dma_start3A_526, %dma_start3A_527] : memref<200000x64xf32, #tpu.memory_space<hbm>> -> memref<200000x64xf32, #tpu.memory_space<hbm>>
        tpu.enqueue_indirect_dma source(%dma_start3A_528 : memref<200000x64xf32, #tpu.memory_space<hbm>>) target(%arg7 : memref<128x64xf32, #tpu.memory_space<vmem>>) offsets(%dma_start3A_525 : memref<128xi32, #tpu.memory_space<vmem>>) semaphore(%arg15 : memref<!tpu.dma_semaphore, #tpu.memory_space<semaphore_mem>>)
      } else {
      }
      %mul3A_435 = arith.constant 4 : i32
      %mul3A_436 = arith.muli %mul3A_435, %scan3A_351 : i32
      %add3A_437 = arith.constant 2 : i32
      %add3A_438 = arith.addi %mul3A_436, %add3A_437 : i32
      %dma_wait3A_439 = arith.constant 0 : i32
      %dma_wait3A_440 = tpu.memref_slice %arg5[%add3A_438, %dma_wait3A_439] : memref<50x128xi32, #tpu.memory_space<vmem>> -> memref<1x128xi32, #tpu.memory_space<vmem>>
      %dma_wait3A_441 = tpu.memref_squeeze %dma_wait3A_440 : memref<1x128xi32, #tpu.memory_space<vmem>> -> memref<128xi32, #tpu.memory_space<vmem>>
      %dma_wait3A_442 = arith.constant 0 : i32
      %dma_wait3A_443 = arith.constant 0 : i32
      %dma_wait3A_444 = tpu.memref_slice %arg3[%dma_wait3A_442, %dma_wait3A_443] : memref<200000x64xf32, #tpu.memory_space<hbm>> -> memref<200000x64xf32, #tpu.memory_space<hbm>>
      tpu.wait_indirect_dma semaphore(%arg16 : memref<!tpu.dma_semaphore, #tpu.memory_space<semaphore_mem>>) src(%dma_wait3A_444 : memref<200000x64xf32, #tpu.memory_space<hbm>>) dst(%arg8 : memref<128x64xf32, #tpu.memory_space<vmem>>)
      %ge3A_445 = arith.constant 1 : i32
      %ge3A_446 = arith.cmpi sge, %scan3A_351, %ge3A_445 : i32
      %convert_element_type3A_447 = arith.extui %ge3A_446 : i1 to i32
      %cond3A_448 = arith.constant 0 : i32
      %cond3A_449 = arith.cmpi ne, %convert_element_type3A_447, %cond3A_448 : i32
      scf.if %cond3A_449 {
        %sub3A_521 = arith.constant 4 : i32
        %sub3A_522 = arith.subi %add3A_438, %sub3A_521 : i32
        %dma_wait3A_523 = arith.constant 0 : i32
        %dma_wait3A_524 = arith.constant 0 : i32
        %dma_wait3A_525 = arith.constant 0 : i32
        %dma_wait3A_526 = tpu.memref_slice %arg12[%dma_wait3A_523, %dma_wait3A_524, %dma_wait3A_525] : memref<8x8x129xf32, #tpu.memory_space<vmem>> -> memref<8x8x128xf32, #tpu.memory_space<vmem>>
        %dma_wait3A_527 = arith.constant 0 : i32
        %dma_wait3A_528 = arith.constant 0 : i32
        %dma_wait3A_529 = arith.constant 0 : i32
        %dma_wait3A_530 = tpu.memref_slice %arg4[%sub3A_522, %dma_wait3A_527, %add3A, %dma_wait3A_528, %dma_wait3A_529] : memref<50x8x32x8x128xf32, #tpu.memory_space<hbm>> -> memref<1x8x1x8x128xf32, #tpu.memory_space<hbm>>
        %dma_wait3A_531 = tpu.memref_squeeze %dma_wait3A_530 : memref<1x8x1x8x128xf32, #tpu.memory_space<hbm>> -> memref<8x8x128xf32, #tpu.memory_space<hbm>>
        %dma_wait3A_532 = arith.constant 0 : i32
        %dma_wait3A_533 = arith.constant 0 : i32
        %dma_wait3A_534 = arith.constant 0 : i32
        %dma_wait3A_535 = tpu.memref_slice %arg4[%sub3A_522, %dma_wait3A_532, %add3A, %dma_wait3A_533, %dma_wait3A_534] : memref<50x8x32x8x128xf32, #tpu.memory_space<hbm>> -> memref<1x8x1x8x128xf32, #tpu.memory_space<hbm>>
        %dma_wait3A_536 = tpu.memref_squeeze %dma_wait3A_535 : memref<1x8x1x8x128xf32, #tpu.memory_space<hbm>> -> memref<8x8x128xf32, #tpu.memory_space<hbm>>
        %dma_wait3A_537 = arith.constant 0 : i32
        %dma_wait3A_538 = arith.constant 0 : i32
        %dma_wait3A_539 = arith.constant 0 : i32
        %dma_wait3A_540 = tpu.memref_slice %arg12[%dma_wait3A_537, %dma_wait3A_538, %dma_wait3A_539] : memref<8x8x129xf32, #tpu.memory_space<vmem>> -> memref<8x8x128xf32, #tpu.memory_space<vmem>>
        tpu.wait_dma2 semaphore(%arg20 : memref<!tpu.dma_semaphore, #tpu.memory_space<semaphore_mem>>) src(%dma_wait3A_540 : memref<8x8x128xf32, #tpu.memory_space<vmem>>) dst(%dma_wait3A_536 : memref<8x8x128xf32, #tpu.memory_space<hbm>>)
      } else {
      }
      %parallel_loop3A_450 = arith.constant 0 : i32
      %parallel_loop3A_451 = arith.constant 128 : i32
      %parallel_loop3A_452 = arith.constant 1 : i32
      scf.for %parallel_loop3A_521 = %parallel_loop3A_450 to %parallel_loop3A_451 step %parallel_loop3A_452  : i32 {
        %parallel_loop3A_522 = vector.broadcast %parallel_loop3A_521 : i32 to vector<16xi32>
        %parallel_loop3A_523 = arith.index_cast %parallel_loop3A_521 : i32 to index
        %parallel_loop3A_524 = arith.constant 0 : index
        %parallel_loop3A_525 = tpu.vector_load %arg8[%parallel_loop3A_523, %parallel_loop3A_524] {strides = array<i32>} : memref<128x64xf32, #tpu.memory_space<vmem>>, vector<16xf32>,
        tpu.vector_store_idx %arg12[%select_n3A, %select_n3A_148, %parallel_loop3A_522], %parallel_loop3A_525 : memref<8x8x129xf32, #tpu.memory_space<vmem>>[vector<16xi32>, vector<16xi32>, vector<16xi32>], vector<16xf32>,
        %parallel_loop3A_526 = arith.index_cast %parallel_loop3A_521 : i32 to index
        %parallel_loop3A_527 = arith.constant 16 : index
        %parallel_loop3A_528 = tpu.vector_load %arg8[%parallel_loop3A_526, %parallel_loop3A_527] {strides = array<i32>} : memref<128x64xf32, #tpu.memory_space<vmem>>, vector<16xf32>,
        tpu.vector_store_idx %arg12[%select_n3A_60, %select_n3A_148, %parallel_loop3A_522], %parallel_loop3A_528 : memref<8x8x129xf32, #tpu.memory_space<vmem>>[vector<16xi32>, vector<16xi32>, vector<16xi32>], vector<16xf32>,
        %parallel_loop3A_529 = arith.index_cast %parallel_loop3A_521 : i32 to index
        %parallel_loop3A_530 = arith.constant 32 : index
        %parallel_loop3A_531 = tpu.vector_load %arg8[%parallel_loop3A_529, %parallel_loop3A_530] {strides = array<i32>} : memref<128x64xf32, #tpu.memory_space<vmem>>, vector<16xf32>,
        tpu.vector_store_idx %arg12[%select_n3A_94, %select_n3A_148, %parallel_loop3A_522], %parallel_loop3A_531 : memref<8x8x129xf32, #tpu.memory_space<vmem>>[vector<16xi32>, vector<16xi32>, vector<16xi32>], vector<16xf32>,
        %parallel_loop3A_532 = arith.index_cast %parallel_loop3A_521 : i32 to index
        %parallel_loop3A_533 = arith.constant 48 : index
        %parallel_loop3A_534 = tpu.vector_load %arg8[%parallel_loop3A_532, %parallel_loop3A_533] {strides = array<i32>} : memref<128x64xf32, #tpu.memory_space<vmem>>, vector<16xf32>,
        tpu.vector_store_idx %arg12[%select_n3A_128, %select_n3A_148, %parallel_loop3A_522], %parallel_loop3A_534 : memref<8x8x129xf32, #tpu.memory_space<vmem>>[vector<16xi32>, vector<16xi32>, vector<16xi32>], vector<16xf32>,
      } {sc.loop_unroll_factor = 8 : i64, sc.parallel_access}
      %dma_start3A_453 = arith.constant 0 : i32
      %dma_start3A_454 = arith.constant 0 : i32
      %dma_start3A_455 = arith.constant 0 : i32
      %dma_start3A_456 = tpu.memref_slice %arg12[%dma_start3A_453, %dma_start3A_454, %dma_start3A_455] : memref<8x8x129xf32, #tpu.memory_space<vmem>> -> memref<8x8x128xf32, #tpu.memory_space<vmem>>
      %dma_start3A_457 = arith.constant 0 : i32
      %dma_start3A_458 = arith.constant 0 : i32
      %dma_start3A_459 = arith.constant 0 : i32
      %dma_start3A_460 = tpu.memref_slice %arg4[%add3A_438, %dma_start3A_457, %add3A, %dma_start3A_458, %dma_start3A_459] : memref<50x8x32x8x128xf32, #tpu.memory_space<hbm>> -> memref<1x8x1x8x128xf32, #tpu.memory_space<hbm>>
      %dma_start3A_461 = tpu.memref_squeeze %dma_start3A_460 : memref<1x8x1x8x128xf32, #tpu.memory_space<hbm>> -> memref<8x8x128xf32, #tpu.memory_space<hbm>>
      %dma_start3A_462 = arith.constant 0 : i32
      %dma_start3A_463 = arith.constant 0 : i32
      %dma_start3A_464 = arith.constant 0 : i32
      %dma_start3A_465 = tpu.memref_slice %arg4[%add3A_438, %dma_start3A_462, %add3A, %dma_start3A_463, %dma_start3A_464] : memref<50x8x32x8x128xf32, #tpu.memory_space<hbm>> -> memref<1x8x1x8x128xf32, #tpu.memory_space<hbm>>
      %dma_start3A_466 = tpu.memref_squeeze %dma_start3A_465 : memref<1x8x1x8x128xf32, #tpu.memory_space<hbm>> -> memref<8x8x128xf32, #tpu.memory_space<hbm>>
      %dma_start3A_467 = arith.constant 0 : i32
      %dma_start3A_468 = arith.constant 0 : i32
      %dma_start3A_469 = arith.constant 0 : i32
      %dma_start3A_470 = tpu.memref_slice %arg12[%dma_start3A_467, %dma_start3A_468, %dma_start3A_469] : memref<8x8x129xf32, #tpu.memory_space<vmem>> -> memref<8x8x128xf32, #tpu.memory_space<vmem>>
      tpu.enqueue_dma source(%dma_start3A_470 : memref<8x8x128xf32, #tpu.memory_space<vmem>>) target(%dma_start3A_466 : memref<8x8x128xf32, #tpu.memory_space<hbm>>) target_semaphore(%arg20 : memref<!tpu.dma_semaphore, #tpu.memory_space<semaphore_mem>>)
      %add3A_471 = arith.constant 4 : i32
      %add3A_472 = arith.addi %add3A_438, %add3A_471 : i32
      %lt3A_473 = arith.constant 50 : i32
      %lt3A_474 = arith.cmpi slt, %add3A_472, %lt3A_473 : i32
      %convert_element_type3A_475 = arith.extui %lt3A_474 : i1 to i32
      %cond3A_476 = arith.constant 0 : i32
      %cond3A_477 = arith.cmpi ne, %convert_element_type3A_475, %cond3A_476 : i32
      scf.if %cond3A_477 {
        %add3A_521 = arith.constant 4 : i32
        %add3A_522 = arith.addi %add3A_438, %add3A_521 : i32
        %dma_start3A_523 = arith.constant 0 : i32
        %dma_start3A_524 = tpu.memref_slice %arg5[%add3A_522, %dma_start3A_523] : memref<50x128xi32, #tpu.memory_space<vmem>> -> memref<1x128xi32, #tpu.memory_space<vmem>>
        %dma_start3A_525 = tpu.memref_squeeze %dma_start3A_524 : memref<1x128xi32, #tpu.memory_space<vmem>> -> memref<128xi32, #tpu.memory_space<vmem>>
        %dma_start3A_526 = arith.constant 0 : i32
        %dma_start3A_527 = arith.constant 0 : i32
        %dma_start3A_528 = tpu.memref_slice %arg3[%dma_start3A_526, %dma_start3A_527] : memref<200000x64xf32, #tpu.memory_space<hbm>> -> memref<200000x64xf32, #tpu.memory_space<hbm>>
        tpu.enqueue_indirect_dma source(%dma_start3A_528 : memref<200000x64xf32, #tpu.memory_space<hbm>>) target(%arg8 : memref<128x64xf32, #tpu.memory_space<vmem>>) offsets(%dma_start3A_525 : memref<128xi32, #tpu.memory_space<vmem>>) semaphore(%arg16 : memref<!tpu.dma_semaphore, #tpu.memory_space<semaphore_mem>>)
      } else {
      }
      %mul3A_478 = arith.constant 4 : i32
      %mul3A_479 = arith.muli %mul3A_478, %scan3A_351 : i32
      %add3A_480 = arith.constant 3 : i32
      %add3A_481 = arith.addi %mul3A_479, %add3A_480 : i32
      %dma_wait3A_482 = arith.constant 0 : i32
      %dma_wait3A_483 = tpu.memref_slice %arg5[%add3A_481, %dma_wait3A_482] : memref<50x128xi32, #tpu.memory_space<vmem>> -> memref<1x128xi32, #tpu.memory_space<vmem>>
      %dma_wait3A_484 = tpu.memref_squeeze %dma_wait3A_483 : memref<1x128xi32, #tpu.memory_space<vmem>> -> memref<128xi32, #tpu.memory_space<vmem>>
      %dma_wait3A_485 = arith.constant 0 : i32
      %dma_wait3A_486 = arith.constant 0 : i32
      %dma_wait3A_487 = tpu.memref_slice %arg3[%dma_wait3A_485, %dma_wait3A_486] : memref<200000x64xf32, #tpu.memory_space<hbm>> -> memref<200000x64xf32, #tpu.memory_space<hbm>>
      tpu.wait_indirect_dma semaphore(%arg17 : memref<!tpu.dma_semaphore, #tpu.memory_space<semaphore_mem>>) src(%dma_wait3A_487 : memref<200000x64xf32, #tpu.memory_space<hbm>>) dst(%arg9 : memref<128x64xf32, #tpu.memory_space<vmem>>)
      %ge3A_488 = arith.constant 1 : i32
      %ge3A_489 = arith.cmpi sge, %scan3A_351, %ge3A_488 : i32
      %convert_element_type3A_490 = arith.extui %ge3A_489 : i1 to i32
      %cond3A_491 = arith.constant 0 : i32
      %cond3A_492 = arith.cmpi ne, %convert_element_type3A_490, %cond3A_491 : i32
      scf.if %cond3A_492 {
        %sub3A_521 = arith.constant 4 : i32
        %sub3A_522 = arith.subi %add3A_481, %sub3A_521 : i32
        %dma_wait3A_523 = arith.constant 0 : i32
        %dma_wait3A_524 = arith.constant 0 : i32
        %dma_wait3A_525 = arith.constant 0 : i32
        %dma_wait3A_526 = tpu.memref_slice %arg13[%dma_wait3A_523, %dma_wait3A_524, %dma_wait3A_525] : memref<8x8x129xf32, #tpu.memory_space<vmem>> -> memref<8x8x128xf32, #tpu.memory_space<vmem>>
        %dma_wait3A_527 = arith.constant 0 : i32
        %dma_wait3A_528 = arith.constant 0 : i32
        %dma_wait3A_529 = arith.constant 0 : i32
        %dma_wait3A_530 = tpu.memref_slice %arg4[%sub3A_522, %dma_wait3A_527, %add3A, %dma_wait3A_528, %dma_wait3A_529] : memref<50x8x32x8x128xf32, #tpu.memory_space<hbm>> -> memref<1x8x1x8x128xf32, #tpu.memory_space<hbm>>
        %dma_wait3A_531 = tpu.memref_squeeze %dma_wait3A_530 : memref<1x8x1x8x128xf32, #tpu.memory_space<hbm>> -> memref<8x8x128xf32, #tpu.memory_space<hbm>>
        %dma_wait3A_532 = arith.constant 0 : i32
        %dma_wait3A_533 = arith.constant 0 : i32
        %dma_wait3A_534 = arith.constant 0 : i32
        %dma_wait3A_535 = tpu.memref_slice %arg4[%sub3A_522, %dma_wait3A_532, %add3A, %dma_wait3A_533, %dma_wait3A_534] : memref<50x8x32x8x128xf32, #tpu.memory_space<hbm>> -> memref<1x8x1x8x128xf32, #tpu.memory_space<hbm>>
        %dma_wait3A_536 = tpu.memref_squeeze %dma_wait3A_535 : memref<1x8x1x8x128xf32, #tpu.memory_space<hbm>> -> memref<8x8x128xf32, #tpu.memory_space<hbm>>
        %dma_wait3A_537 = arith.constant 0 : i32
        %dma_wait3A_538 = arith.constant 0 : i32
        %dma_wait3A_539 = arith.constant 0 : i32
        %dma_wait3A_540 = tpu.memref_slice %arg13[%dma_wait3A_537, %dma_wait3A_538, %dma_wait3A_539] : memref<8x8x129xf32, #tpu.memory_space<vmem>> -> memref<8x8x128xf32, #tpu.memory_space<vmem>>
        tpu.wait_dma2 semaphore(%arg21 : memref<!tpu.dma_semaphore, #tpu.memory_space<semaphore_mem>>) src(%dma_wait3A_540 : memref<8x8x128xf32, #tpu.memory_space<vmem>>) dst(%dma_wait3A_536 : memref<8x8x128xf32, #tpu.memory_space<hbm>>)
      } else {
      }
      %parallel_loop3A_493 = arith.constant 0 : i32
      %parallel_loop3A_494 = arith.constant 128 : i32
      %parallel_loop3A_495 = arith.constant 1 : i32
      scf.for %parallel_loop3A_521 = %parallel_loop3A_493 to %parallel_loop3A_494 step %parallel_loop3A_495  : i32 {
        %parallel_loop3A_522 = vector.broadcast %parallel_loop3A_521 : i32 to vector<16xi32>
        %parallel_loop3A_523 = arith.index_cast %parallel_loop3A_521 : i32 to index
        %parallel_loop3A_524 = arith.constant 0 : index
        %parallel_loop3A_525 = tpu.vector_load %arg9[%parallel_loop3A_523, %parallel_loop3A_524] {strides = array<i32>} : memref<128x64xf32, #tpu.memory_space<vmem>>, vector<16xf32>,
        tpu.vector_store_idx %arg13[%select_n3A, %select_n3A_148, %parallel_loop3A_522], %parallel_loop3A_525 : memref<8x8x129xf32, #tpu.memory_space<vmem>>[vector<16xi32>, vector<16xi32>, vector<16xi32>], vector<16xf32>,
        %parallel_loop3A_526 = arith.index_cast %parallel_loop3A_521 : i32 to index
        %parallel_loop3A_527 = arith.constant 16 : index
        %parallel_loop3A_528 = tpu.vector_load %arg9[%parallel_loop3A_526, %parallel_loop3A_527] {strides = array<i32>} : memref<128x64xf32, #tpu.memory_space<vmem>>, vector<16xf32>,
        tpu.vector_store_idx %arg13[%select_n3A_60, %select_n3A_148, %parallel_loop3A_522], %parallel_loop3A_528 : memref<8x8x129xf32, #tpu.memory_space<vmem>>[vector<16xi32>, vector<16xi32>, vector<16xi32>], vector<16xf32>,
        %parallel_loop3A_529 = arith.index_cast %parallel_loop3A_521 : i32 to index
        %parallel_loop3A_530 = arith.constant 32 : index
        %parallel_loop3A_531 = tpu.vector_load %arg9[%parallel_loop3A_529, %parallel_loop3A_530] {strides = array<i32>} : memref<128x64xf32, #tpu.memory_space<vmem>>, vector<16xf32>,
        tpu.vector_store_idx %arg13[%select_n3A_94, %select_n3A_148, %parallel_loop3A_522], %parallel_loop3A_531 : memref<8x8x129xf32, #tpu.memory_space<vmem>>[vector<16xi32>, vector<16xi32>, vector<16xi32>], vector<16xf32>,
        %parallel_loop3A_532 = arith.index_cast %parallel_loop3A_521 : i32 to index
        %parallel_loop3A_533 = arith.constant 48 : index
        %parallel_loop3A_534 = tpu.vector_load %arg9[%parallel_loop3A_532, %parallel_loop3A_533] {strides = array<i32>} : memref<128x64xf32, #tpu.memory_space<vmem>>, vector<16xf32>,
        tpu.vector_store_idx %arg13[%select_n3A_128, %select_n3A_148, %parallel_loop3A_522], %parallel_loop3A_534 : memref<8x8x129xf32, #tpu.memory_space<vmem>>[vector<16xi32>, vector<16xi32>, vector<16xi32>], vector<16xf32>,
      } {sc.loop_unroll_factor = 8 : i64, sc.parallel_access}
      %dma_start3A_496 = arith.constant 0 : i32
      %dma_start3A_497 = arith.constant 0 : i32
      %dma_start3A_498 = arith.constant 0 : i32
      %dma_start3A_499 = tpu.memref_slice %arg13[%dma_start3A_496, %dma_start3A_497, %dma_start3A_498] : memref<8x8x129xf32, #tpu.memory_space<vmem>> -> memref<8x8x128xf32, #tpu.memory_space<vmem>>
      %dma_start3A_500 = arith.constant 0 : i32
      %dma_start3A_501 = arith.constant 0 : i32
      %dma_start3A_502 = arith.constant 0 : i32
      %dma_start3A_503 = tpu.memref_slice %arg4[%add3A_481, %dma_start3A_500, %add3A, %dma_start3A_501, %dma_start3A_502] : memref<50x8x32x8x128xf32, #tpu.memory_space<hbm>> -> memref<1x8x1x8x128xf32, #tpu.memory_space<hbm>>
      %dma_start3A_504 = tpu.memref_squeeze %dma_start3A_503 : memref<1x8x1x8x128xf32, #tpu.memory_space<hbm>> -> memref<8x8x128xf32, #tpu.memory_space<hbm>>
      %dma_start3A_505 = arith.constant 0 : i32
      %dma_start3A_506 = arith.constant 0 : i32
      %dma_start3A_507 = arith.constant 0 : i32
      %dma_start3A_508 = tpu.memref_slice %arg4[%add3A_481, %dma_start3A_505, %add3A, %dma_start3A_506, %dma_start3A_507] : memref<50x8x32x8x128xf32, #tpu.memory_space<hbm>> -> memref<1x8x1x8x128xf32, #tpu.memory_space<hbm>>
      %dma_start3A_509 = tpu.memref_squeeze %dma_start3A_508 : memref<1x8x1x8x128xf32, #tpu.memory_space<hbm>> -> memref<8x8x128xf32, #tpu.memory_space<hbm>>
      %dma_start3A_510 = arith.constant 0 : i32
      %dma_start3A_511 = arith.constant 0 : i32
      %dma_start3A_512 = arith.constant 0 : i32
      %dma_start3A_513 = tpu.memref_slice %arg13[%dma_start3A_510, %dma_start3A_511, %dma_start3A_512] : memref<8x8x129xf32, #tpu.memory_space<vmem>> -> memref<8x8x128xf32, #tpu.memory_space<vmem>>
      tpu.enqueue_dma source(%dma_start3A_513 : memref<8x8x128xf32, #tpu.memory_space<vmem>>) target(%dma_start3A_509 : memref<8x8x128xf32, #tpu.memory_space<hbm>>) target_semaphore(%arg21 : memref<!tpu.dma_semaphore, #tpu.memory_space<semaphore_mem>>)
      %add3A_514 = arith.constant 4 : i32
      %add3A_515 = arith.addi %add3A_481, %add3A_514 : i32
      %lt3A_516 = arith.constant 50 : i32
      %lt3A_517 = arith.cmpi slt, %add3A_515, %lt3A_516 : i32
      %convert_element_type3A_518 = arith.extui %lt3A_517 : i1 to i32
      %cond3A_519 = arith.constant 0 : i32
      %cond3A_520 = arith.cmpi ne, %convert_element_type3A_518, %cond3A_519 : i32
      scf.if %cond3A_520 {
        %add3A_521 = arith.constant 4 : i32
        %add3A_522 = arith.addi %add3A_481, %add3A_521 : i32
        %dma_start3A_523 = arith.constant 0 : i32
        %dma_start3A_524 = tpu.memref_slice %arg5[%add3A_522, %dma_start3A_523] : memref<50x128xi32, #tpu.memory_space<vmem>> -> memref<1x128xi32, #tpu.memory_space<vmem>>
        %dma_start3A_525 = tpu.memref_squeeze %dma_start3A_524 : memref<1x128xi32, #tpu.memory_space<vmem>> -> memref<128xi32, #tpu.memory_space<vmem>>
        %dma_start3A_526 = arith.constant 0 : i32
        %dma_start3A_527 = arith.constant 0 : i32
        %dma_start3A_528 = tpu.memref_slice %arg3[%dma_start3A_526, %dma_start3A_527] : memref<200000x64xf32, #tpu.memory_space<hbm>> -> memref<200000x64xf32, #tpu.memory_space<hbm>>
        tpu.enqueue_indirect_dma source(%dma_start3A_528 : memref<200000x64xf32, #tpu.memory_space<hbm>>) target(%arg9 : memref<128x64xf32, #tpu.memory_space<vmem>>) offsets(%dma_start3A_525 : memref<128xi32, #tpu.memory_space<vmem>>) semaphore(%arg17 : memref<!tpu.dma_semaphore, #tpu.memory_space<semaphore_mem>>)
      } else {
      }
    }
    %scan3A_180 = arith.constant 12 : i32
    %dma_wait3A = arith.constant 48 : i32
    %dma_wait3A_181 = arith.constant 0 : i32
    %dma_wait3A_182 = tpu.memref_slice %arg5[%dma_wait3A, %dma_wait3A_181] : memref<50x128xi32, #tpu.memory_space<vmem>> -> memref<1x128xi32, #tpu.memory_space<vmem>>
    %dma_wait3A_183 = tpu.memref_squeeze %dma_wait3A_182 : memref<1x128xi32, #tpu.memory_space<vmem>> -> memref<128xi32, #tpu.memory_space<vmem>>
    %dma_wait3A_184 = arith.constant 0 : i32
    %dma_wait3A_185 = arith.constant 0 : i32
    %dma_wait3A_186 = tpu.memref_slice %arg3[%dma_wait3A_184, %dma_wait3A_185] : memref<200000x64xf32, #tpu.memory_space<hbm>> -> memref<200000x64xf32, #tpu.memory_space<hbm>>
    tpu.wait_indirect_dma semaphore(%arg14 : memref<!tpu.dma_semaphore, #tpu.memory_space<semaphore_mem>>) src(%dma_wait3A_186 : memref<200000x64xf32, #tpu.memory_space<hbm>>) dst(%arg6 : memref<128x64xf32, #tpu.memory_space<vmem>>)
    %dma_wait3A_187 = arith.constant 44 : i32
    %dma_wait3A_188 = arith.constant 0 : i32
    %dma_wait3A_189 = arith.constant 0 : i32
    %dma_wait3A_190 = arith.constant 0 : i32
    %dma_wait3A_191 = tpu.memref_slice %arg10[%dma_wait3A_188, %dma_wait3A_189, %dma_wait3A_190] : memref<8x8x129xf32, #tpu.memory_space<vmem>> -> memref<8x8x128xf32, #tpu.memory_space<vmem>>
    %dma_wait3A_192 = arith.constant 0 : i32
    %dma_wait3A_193 = arith.constant 0 : i32
    %dma_wait3A_194 = arith.constant 0 : i32
    %dma_wait3A_195 = tpu.memref_slice %arg4[%dma_wait3A_187, %dma_wait3A_192, %add3A, %dma_wait3A_193, %dma_wait3A_194] : memref<50x8x32x8x128xf32, #tpu.memory_space<hbm>> -> memref<1x8x1x8x128xf32, #tpu.memory_space<hbm>>
    %dma_wait3A_196 = tpu.memref_squeeze %dma_wait3A_195 : memref<1x8x1x8x128xf32, #tpu.memory_space<hbm>> -> memref<8x8x128xf32, #tpu.memory_space<hbm>>
    %dma_wait3A_197 = arith.constant 0 : i32
    %dma_wait3A_198 = arith.constant 0 : i32
    %dma_wait3A_199 = arith.constant 0 : i32
    %dma_wait3A_200 = tpu.memref_slice %arg4[%dma_wait3A_187, %dma_wait3A_197, %add3A, %dma_wait3A_198, %dma_wait3A_199] : memref<50x8x32x8x128xf32, #tpu.memory_space<hbm>> -> memref<1x8x1x8x128xf32, #tpu.memory_space<hbm>>
    %dma_wait3A_201 = tpu.memref_squeeze %dma_wait3A_200 : memref<1x8x1x8x128xf32, #tpu.memory_space<hbm>> -> memref<8x8x128xf32, #tpu.memory_space<hbm>>
    %dma_wait3A_202 = arith.constant 0 : i32
    %dma_wait3A_203 = arith.constant 0 : i32
    %dma_wait3A_204 = arith.constant 0 : i32
    %dma_wait3A_205 = tpu.memref_slice %arg10[%dma_wait3A_202, %dma_wait3A_203, %dma_wait3A_204] : memref<8x8x129xf32, #tpu.memory_space<vmem>> -> memref<8x8x128xf32, #tpu.memory_space<vmem>>
    tpu.wait_dma2 semaphore(%arg18 : memref<!tpu.dma_semaphore, #tpu.memory_space<semaphore_mem>>) src(%dma_wait3A_205 : memref<8x8x128xf32, #tpu.memory_space<vmem>>) dst(%dma_wait3A_201 : memref<8x8x128xf32, #tpu.memory_space<hbm>>)
    %parallel_loop3A = arith.constant 0 : i32
    %parallel_loop3A_206 = arith.constant 128 : i32
    %parallel_loop3A_207 = arith.constant 1 : i32
    scf.for %parallel_loop3A_351 = %parallel_loop3A to %parallel_loop3A_206 step %parallel_loop3A_207  : i32 {
      %parallel_loop3A_352 = vector.broadcast %parallel_loop3A_351 : i32 to vector<16xi32>
      %parallel_loop3A_353 = arith.index_cast %parallel_loop3A_351 : i32 to index
      %parallel_loop3A_354 = arith.constant 0 : index
      %parallel_loop3A_355 = tpu.vector_load %arg6[%parallel_loop3A_353, %parallel_loop3A_354] {strides = array<i32>} : memref<128x64xf32, #tpu.memory_space<vmem>>, vector<16xf32>,
      tpu.vector_store_idx %arg10[%select_n3A, %select_n3A_148, %parallel_loop3A_352], %parallel_loop3A_355 : memref<8x8x129xf32, #tpu.memory_space<vmem>>[vector<16xi32>, vector<16xi32>, vector<16xi32>], vector<16xf32>,
      %parallel_loop3A_356 = arith.index_cast %parallel_loop3A_351 : i32 to index
      %parallel_loop3A_357 = arith.constant 16 : index
      %parallel_loop3A_358 = tpu.vector_load %arg6[%parallel_loop3A_356, %parallel_loop3A_357] {strides = array<i32>} : memref<128x64xf32, #tpu.memory_space<vmem>>, vector<16xf32>,
      tpu.vector_store_idx %arg10[%select_n3A_60, %select_n3A_148, %parallel_loop3A_352], %parallel_loop3A_358 : memref<8x8x129xf32, #tpu.memory_space<vmem>>[vector<16xi32>, vector<16xi32>, vector<16xi32>], vector<16xf32>,
      %parallel_loop3A_359 = arith.index_cast %parallel_loop3A_351 : i32 to index
      %parallel_loop3A_360 = arith.constant 32 : index
      %parallel_loop3A_361 = tpu.vector_load %arg6[%parallel_loop3A_359, %parallel_loop3A_360] {strides = array<i32>} : memref<128x64xf32, #tpu.memory_space<vmem>>, vector<16xf32>,
      tpu.vector_store_idx %arg10[%select_n3A_94, %select_n3A_148, %parallel_loop3A_352], %parallel_loop3A_361 : memref<8x8x129xf32, #tpu.memory_space<vmem>>[vector<16xi32>, vector<16xi32>, vector<16xi32>], vector<16xf32>,
      %parallel_loop3A_362 = arith.index_cast %parallel_loop3A_351 : i32 to index
      %parallel_loop3A_363 = arith.constant 48 : index
      %parallel_loop3A_364 = tpu.vector_load %arg6[%parallel_loop3A_362, %parallel_loop3A_363] {strides = array<i32>} : memref<128x64xf32, #tpu.memory_space<vmem>>, vector<16xf32>,
      tpu.vector_store_idx %arg10[%select_n3A_128, %select_n3A_148, %parallel_loop3A_352], %parallel_loop3A_364 : memref<8x8x129xf32, #tpu.memory_space<vmem>>[vector<16xi32>, vector<16xi32>, vector<16xi32>], vector<16xf32>,
    } {sc.loop_unroll_factor = 8 : i64, sc.parallel_access}
    %dma_start3A_208 = arith.constant 48 : i32
    %dma_start3A_209 = arith.constant 0 : i32
    %dma_start3A_210 = arith.constant 0 : i32
    %dma_start3A_211 = arith.constant 0 : i32
    %dma_start3A_212 = tpu.memref_slice %arg10[%dma_start3A_209, %dma_start3A_210, %dma_start3A_211] : memref<8x8x129xf32, #tpu.memory_space<vmem>> -> memref<8x8x128xf32, #tpu.memory_space<vmem>>
    %dma_start3A_213 = arith.constant 0 : i32
    %dma_start3A_214 = arith.constant 0 : i32
    %dma_start3A_215 = arith.constant 0 : i32
    %dma_start3A_216 = tpu.memref_slice %arg4[%dma_start3A_208, %dma_start3A_213, %add3A, %dma_start3A_214, %dma_start3A_215] : memref<50x8x32x8x128xf32, #tpu.memory_space<hbm>> -> memref<1x8x1x8x128xf32, #tpu.memory_space<hbm>>
    %dma_start3A_217 = tpu.memref_squeeze %dma_start3A_216 : memref<1x8x1x8x128xf32, #tpu.memory_space<hbm>> -> memref<8x8x128xf32, #tpu.memory_space<hbm>>
    %dma_start3A_218 = arith.constant 0 : i32
    %dma_start3A_219 = arith.constant 0 : i32
    %dma_start3A_220 = arith.constant 0 : i32
    %dma_start3A_221 = tpu.memref_slice %arg4[%dma_start3A_208, %dma_start3A_218, %add3A, %dma_start3A_219, %dma_start3A_220] : memref<50x8x32x8x128xf32, #tpu.memory_space<hbm>> -> memref<1x8x1x8x128xf32, #tpu.memory_space<hbm>>
    %dma_start3A_222 = tpu.memref_squeeze %dma_start3A_221 : memref<1x8x1x8x128xf32, #tpu.memory_space<hbm>> -> memref<8x8x128xf32, #tpu.memory_space<hbm>>
    %dma_start3A_223 = arith.constant 0 : i32
    %dma_start3A_224 = arith.constant 0 : i32
    %dma_start3A_225 = arith.constant 0 : i32
    %dma_start3A_226 = tpu.memref_slice %arg10[%dma_start3A_223, %dma_start3A_224, %dma_start3A_225] : memref<8x8x129xf32, #tpu.memory_space<vmem>> -> memref<8x8x128xf32, #tpu.memory_space<vmem>>
    tpu.enqueue_dma source(%dma_start3A_226 : memref<8x8x128xf32, #tpu.memory_space<vmem>>) target(%dma_start3A_222 : memref<8x8x128xf32, #tpu.memory_space<hbm>>) target_semaphore(%arg18 : memref<!tpu.dma_semaphore, #tpu.memory_space<semaphore_mem>>)
    %dma_wait3A_227 = arith.constant 49 : i32
    %dma_wait3A_228 = arith.constant 0 : i32
    %dma_wait3A_229 = tpu.memref_slice %arg5[%dma_wait3A_227, %dma_wait3A_228] : memref<50x128xi32, #tpu.memory_space<vmem>> -> memref<1x128xi32, #tpu.memory_space<vmem>>
    %dma_wait3A_230 = tpu.memref_squeeze %dma_wait3A_229 : memref<1x128xi32, #tpu.memory_space<vmem>> -> memref<128xi32, #tpu.memory_space<vmem>>
    %dma_wait3A_231 = arith.constant 0 : i32
    %dma_wait3A_232 = arith.constant 0 : i32
    %dma_wait3A_233 = tpu.memref_slice %arg3[%dma_wait3A_231, %dma_wait3A_232] : memref<200000x64xf32, #tpu.memory_space<hbm>> -> memref<200000x64xf32, #tpu.memory_space<hbm>>
    tpu.wait_indirect_dma semaphore(%arg15 : memref<!tpu.dma_semaphore, #tpu.memory_space<semaphore_mem>>) src(%dma_wait3A_233 : memref<200000x64xf32, #tpu.memory_space<hbm>>) dst(%arg7 : memref<128x64xf32, #tpu.memory_space<vmem>>)
    %dma_wait3A_234 = arith.constant 45 : i32
    %dma_wait3A_235 = arith.constant 0 : i32
    %dma_wait3A_236 = arith.constant 0 : i32
    %dma_wait3A_237 = arith.constant 0 : i32
    %dma_wait3A_238 = tpu.memref_slice %arg11[%dma_wait3A_235, %dma_wait3A_236, %dma_wait3A_237] : memref<8x8x129xf32, #tpu.memory_space<vmem>> -> memref<8x8x128xf32, #tpu.memory_space<vmem>>
    %dma_wait3A_239 = arith.constant 0 : i32
    %dma_wait3A_240 = arith.constant 0 : i32
    %dma_wait3A_241 = arith.constant 0 : i32
    %dma_wait3A_242 = tpu.memref_slice %arg4[%dma_wait3A_234, %dma_wait3A_239, %add3A, %dma_wait3A_240, %dma_wait3A_241] : memref<50x8x32x8x128xf32, #tpu.memory_space<hbm>> -> memref<1x8x1x8x128xf32, #tpu.memory_space<hbm>>
    %dma_wait3A_243 = tpu.memref_squeeze %dma_wait3A_242 : memref<1x8x1x8x128xf32, #tpu.memory_space<hbm>> -> memref<8x8x128xf32, #tpu.memory_space<hbm>>
    %dma_wait3A_244 = arith.constant 0 : i32
    %dma_wait3A_245 = arith.constant 0 : i32
    %dma_wait3A_246 = arith.constant 0 : i32
    %dma_wait3A_247 = tpu.memref_slice %arg4[%dma_wait3A_234, %dma_wait3A_244, %add3A, %dma_wait3A_245, %dma_wait3A_246] : memref<50x8x32x8x128xf32, #tpu.memory_space<hbm>> -> memref<1x8x1x8x128xf32, #tpu.memory_space<hbm>>
    %dma_wait3A_248 = tpu.memref_squeeze %dma_wait3A_247 : memref<1x8x1x8x128xf32, #tpu.memory_space<hbm>> -> memref<8x8x128xf32, #tpu.memory_space<hbm>>
    %dma_wait3A_249 = arith.constant 0 : i32
    %dma_wait3A_250 = arith.constant 0 : i32
    %dma_wait3A_251 = arith.constant 0 : i32
    %dma_wait3A_252 = tpu.memref_slice %arg11[%dma_wait3A_249, %dma_wait3A_250, %dma_wait3A_251] : memref<8x8x129xf32, #tpu.memory_space<vmem>> -> memref<8x8x128xf32, #tpu.memory_space<vmem>>
    tpu.wait_dma2 semaphore(%arg19 : memref<!tpu.dma_semaphore, #tpu.memory_space<semaphore_mem>>) src(%dma_wait3A_252 : memref<8x8x128xf32, #tpu.memory_space<vmem>>) dst(%dma_wait3A_248 : memref<8x8x128xf32, #tpu.memory_space<hbm>>)
    %parallel_loop3A_253 = arith.constant 0 : i32
    %parallel_loop3A_254 = arith.constant 128 : i32
    %parallel_loop3A_255 = arith.constant 1 : i32
    scf.for %parallel_loop3A_351 = %parallel_loop3A_253 to %parallel_loop3A_254 step %parallel_loop3A_255  : i32 {
      %parallel_loop3A_352 = vector.broadcast %parallel_loop3A_351 : i32 to vector<16xi32>
      %parallel_loop3A_353 = arith.index_cast %parallel_loop3A_351 : i32 to index
      %parallel_loop3A_354 = arith.constant 0 : index
      %parallel_loop3A_355 = tpu.vector_load %arg7[%parallel_loop3A_353, %parallel_loop3A_354] {strides = array<i32>} : memref<128x64xf32, #tpu.memory_space<vmem>>, vector<16xf32>,
      tpu.vector_store_idx %arg11[%select_n3A, %select_n3A_148, %parallel_loop3A_352], %parallel_loop3A_355 : memref<8x8x129xf32, #tpu.memory_space<vmem>>[vector<16xi32>, vector<16xi32>, vector<16xi32>], vector<16xf32>,
      %parallel_loop3A_356 = arith.index_cast %parallel_loop3A_351 : i32 to index
      %parallel_loop3A_357 = arith.constant 16 : index
      %parallel_loop3A_358 = tpu.vector_load %arg7[%parallel_loop3A_356, %parallel_loop3A_357] {strides = array<i32>} : memref<128x64xf32, #tpu.memory_space<vmem>>, vector<16xf32>,
      tpu.vector_store_idx %arg11[%select_n3A_60, %select_n3A_148, %parallel_loop3A_352], %parallel_loop3A_358 : memref<8x8x129xf32, #tpu.memory_space<vmem>>[vector<16xi32>, vector<16xi32>, vector<16xi32>], vector<16xf32>,
      %parallel_loop3A_359 = arith.index_cast %parallel_loop3A_351 : i32 to index
      %parallel_loop3A_360 = arith.constant 32 : index
      %parallel_loop3A_361 = tpu.vector_load %arg7[%parallel_loop3A_359, %parallel_loop3A_360] {strides = array<i32>} : memref<128x64xf32, #tpu.memory_space<vmem>>, vector<16xf32>,
      tpu.vector_store_idx %arg11[%select_n3A_94, %select_n3A_148, %parallel_loop3A_352], %parallel_loop3A_361 : memref<8x8x129xf32, #tpu.memory_space<vmem>>[vector<16xi32>, vector<16xi32>, vector<16xi32>], vector<16xf32>,
      %parallel_loop3A_362 = arith.index_cast %parallel_loop3A_351 : i32 to index
      %parallel_loop3A_363 = arith.constant 48 : index
      %parallel_loop3A_364 = tpu.vector_load %arg7[%parallel_loop3A_362, %parallel_loop3A_363] {strides = array<i32>} : memref<128x64xf32, #tpu.memory_space<vmem>>, vector<16xf32>,
      tpu.vector_store_idx %arg11[%select_n3A_128, %select_n3A_148, %parallel_loop3A_352], %parallel_loop3A_364 : memref<8x8x129xf32, #tpu.memory_space<vmem>>[vector<16xi32>, vector<16xi32>, vector<16xi32>], vector<16xf32>,
    } {sc.loop_unroll_factor = 8 : i64, sc.parallel_access}
    %dma_start3A_256 = arith.constant 49 : i32
    %dma_start3A_257 = arith.constant 0 : i32
    %dma_start3A_258 = arith.constant 0 : i32
    %dma_start3A_259 = arith.constant 0 : i32
    %dma_start3A_260 = tpu.memref_slice %arg11[%dma_start3A_257, %dma_start3A_258, %dma_start3A_259] : memref<8x8x129xf32, #tpu.memory_space<vmem>> -> memref<8x8x128xf32, #tpu.memory_space<vmem>>
    %dma_start3A_261 = arith.constant 0 : i32
    %dma_start3A_262 = arith.constant 0 : i32
    %dma_start3A_263 = arith.constant 0 : i32
    %dma_start3A_264 = tpu.memref_slice %arg4[%dma_start3A_256, %dma_start3A_261, %add3A, %dma_start3A_262, %dma_start3A_263] : memref<50x8x32x8x128xf32, #tpu.memory_space<hbm>> -> memref<1x8x1x8x128xf32, #tpu.memory_space<hbm>>
    %dma_start3A_265 = tpu.memref_squeeze %dma_start3A_264 : memref<1x8x1x8x128xf32, #tpu.memory_space<hbm>> -> memref<8x8x128xf32, #tpu.memory_space<hbm>>
    %dma_start3A_266 = arith.constant 0 : i32
    %dma_start3A_267 = arith.constant 0 : i32
    %dma_start3A_268 = arith.constant 0 : i32
    %dma_start3A_269 = tpu.memref_slice %arg4[%dma_start3A_256, %dma_start3A_266, %add3A, %dma_start3A_267, %dma_start3A_268] : memref<50x8x32x8x128xf32, #tpu.memory_space<hbm>> -> memref<1x8x1x8x128xf32, #tpu.memory_space<hbm>>
    %dma_start3A_270 = tpu.memref_squeeze %dma_start3A_269 : memref<1x8x1x8x128xf32, #tpu.memory_space<hbm>> -> memref<8x8x128xf32, #tpu.memory_space<hbm>>
    %dma_start3A_271 = arith.constant 0 : i32
    %dma_start3A_272 = arith.constant 0 : i32
    %dma_start3A_273 = arith.constant 0 : i32
    %dma_start3A_274 = tpu.memref_slice %arg11[%dma_start3A_271, %dma_start3A_272, %dma_start3A_273] : memref<8x8x129xf32, #tpu.memory_space<vmem>> -> memref<8x8x128xf32, #tpu.memory_space<vmem>>
    tpu.enqueue_dma source(%dma_start3A_274 : memref<8x8x128xf32, #tpu.memory_space<vmem>>) target(%dma_start3A_270 : memref<8x8x128xf32, #tpu.memory_space<hbm>>) target_semaphore(%arg19 : memref<!tpu.dma_semaphore, #tpu.memory_space<semaphore_mem>>)
    %dma_wait3A_275 = arith.constant 46 : i32
    %dma_wait3A_276 = arith.constant 0 : i32
    %dma_wait3A_277 = arith.constant 0 : i32
    %dma_wait3A_278 = arith.constant 0 : i32
    %dma_wait3A_279 = tpu.memref_slice %arg12[%dma_wait3A_276, %dma_wait3A_277, %dma_wait3A_278] : memref<8x8x129xf32, #tpu.memory_space<vmem>> -> memref<8x8x128xf32, #tpu.memory_space<vmem>>
    %dma_wait3A_280 = arith.constant 0 : i32
    %dma_wait3A_281 = arith.constant 0 : i32
    %dma_wait3A_282 = arith.constant 0 : i32
    %dma_wait3A_283 = tpu.memref_slice %arg4[%dma_wait3A_275, %dma_wait3A_280, %add3A, %dma_wait3A_281, %dma_wait3A_282] : memref<50x8x32x8x128xf32, #tpu.memory_space<hbm>> -> memref<1x8x1x8x128xf32, #tpu.memory_space<hbm>>
    %dma_wait3A_284 = tpu.memref_squeeze %dma_wait3A_283 : memref<1x8x1x8x128xf32, #tpu.memory_space<hbm>> -> memref<8x8x128xf32, #tpu.memory_space<hbm>>
    %dma_wait3A_285 = arith.constant 0 : i32
    %dma_wait3A_286 = arith.constant 0 : i32
    %dma_wait3A_287 = arith.constant 0 : i32
    %dma_wait3A_288 = tpu.memref_slice %arg4[%dma_wait3A_275, %dma_wait3A_285, %add3A, %dma_wait3A_286, %dma_wait3A_287] : memref<50x8x32x8x128xf32, #tpu.memory_space<hbm>> -> memref<1x8x1x8x128xf32, #tpu.memory_space<hbm>>
    %dma_wait3A_289 = tpu.memref_squeeze %dma_wait3A_288 : memref<1x8x1x8x128xf32, #tpu.memory_space<hbm>> -> memref<8x8x128xf32, #tpu.memory_space<hbm>>
    %dma_wait3A_290 = arith.constant 0 : i32
    %dma_wait3A_291 = arith.constant 0 : i32
    %dma_wait3A_292 = arith.constant 0 : i32
    %dma_wait3A_293 = tpu.memref_slice %arg12[%dma_wait3A_290, %dma_wait3A_291, %dma_wait3A_292] : memref<8x8x129xf32, #tpu.memory_space<vmem>> -> memref<8x8x128xf32, #tpu.memory_space<vmem>>
    tpu.wait_dma2 semaphore(%arg20 : memref<!tpu.dma_semaphore, #tpu.memory_space<semaphore_mem>>) src(%dma_wait3A_293 : memref<8x8x128xf32, #tpu.memory_space<vmem>>) dst(%dma_wait3A_289 : memref<8x8x128xf32, #tpu.memory_space<hbm>>)
    %dma_wait3A_294 = arith.constant 47 : i32
    %dma_wait3A_295 = arith.constant 0 : i32
    %dma_wait3A_296 = arith.constant 0 : i32
    %dma_wait3A_297 = arith.constant 0 : i32
    %dma_wait3A_298 = tpu.memref_slice %arg13[%dma_wait3A_295, %dma_wait3A_296, %dma_wait3A_297] : memref<8x8x129xf32, #tpu.memory_space<vmem>> -> memref<8x8x128xf32, #tpu.memory_space<vmem>>
    %dma_wait3A_299 = arith.constant 0 : i32
    %dma_wait3A_300 = arith.constant 0 : i32
    %dma_wait3A_301 = arith.constant 0 : i32
    %dma_wait3A_302 = tpu.memref_slice %arg4[%dma_wait3A_294, %dma_wait3A_299, %add3A, %dma_wait3A_300, %dma_wait3A_301] : memref<50x8x32x8x128xf32, #tpu.memory_space<hbm>> -> memref<1x8x1x8x128xf32, #tpu.memory_space<hbm>>
    %dma_wait3A_303 = tpu.memref_squeeze %dma_wait3A_302 : memref<1x8x1x8x128xf32, #tpu.memory_space<hbm>> -> memref<8x8x128xf32, #tpu.memory_space<hbm>>
    %dma_wait3A_304 = arith.constant 0 : i32
    %dma_wait3A_305 = arith.constant 0 : i32
    %dma_wait3A_306 = arith.constant 0 : i32
    %dma_wait3A_307 = tpu.memref_slice %arg4[%dma_wait3A_294, %dma_wait3A_304, %add3A, %dma_wait3A_305, %dma_wait3A_306] : memref<50x8x32x8x128xf32, #tpu.memory_space<hbm>> -> memref<1x8x1x8x128xf32, #tpu.memory_space<hbm>>
    %dma_wait3A_308 = tpu.memref_squeeze %dma_wait3A_307 : memref<1x8x1x8x128xf32, #tpu.memory_space<hbm>> -> memref<8x8x128xf32, #tpu.memory_space<hbm>>
    %dma_wait3A_309 = arith.constant 0 : i32
    %dma_wait3A_310 = arith.constant 0 : i32
    %dma_wait3A_311 = arith.constant 0 : i32
    %dma_wait3A_312 = tpu.memref_slice %arg13[%dma_wait3A_309, %dma_wait3A_310, %dma_wait3A_311] : memref<8x8x129xf32, #tpu.memory_space<vmem>> -> memref<8x8x128xf32, #tpu.memory_space<vmem>>
    tpu.wait_dma2 semaphore(%arg21 : memref<!tpu.dma_semaphore, #tpu.memory_space<semaphore_mem>>) src(%dma_wait3A_312 : memref<8x8x128xf32, #tpu.memory_space<vmem>>) dst(%dma_wait3A_308 : memref<8x8x128xf32, #tpu.memory_space<hbm>>)
    %dma_wait3A_313 = arith.constant 48 : i32
    %dma_wait3A_314 = arith.constant 0 : i32
    %dma_wait3A_315 = arith.constant 0 : i32
    %dma_wait3A_316 = arith.constant 0 : i32
    %dma_wait3A_317 = tpu.memref_slice %arg10[%dma_wait3A_314, %dma_wait3A_315, %dma_wait3A_316] : memref<8x8x129xf32, #tpu.memory_space<vmem>> -> memref<8x8x128xf32, #tpu.memory_space<vmem>>
    %dma_wait3A_318 = arith.constant 0 : i32
    %dma_wait3A_319 = arith.constant 0 : i32
    %dma_wait3A_320 = arith.constant 0 : i32
    %dma_wait3A_321 = tpu.memref_slice %arg4[%dma_wait3A_313, %dma_wait3A_318, %add3A, %dma_wait3A_319, %dma_wait3A_320] : memref<50x8x32x8x128xf32, #tpu.memory_space<hbm>> -> memref<1x8x1x8x128xf32, #tpu.memory_space<hbm>>
    %dma_wait3A_322 = tpu.memref_squeeze %dma_wait3A_321 : memref<1x8x1x8x128xf32, #tpu.memory_space<hbm>> -> memref<8x8x128xf32, #tpu.memory_space<hbm>>
    %dma_wait3A_323 = arith.constant 0 : i32
    %dma_wait3A_324 = arith.constant 0 : i32
    %dma_wait3A_325 = arith.constant 0 : i32
    %dma_wait3A_326 = tpu.memref_slice %arg4[%dma_wait3A_313, %dma_wait3A_323, %add3A, %dma_wait3A_324, %dma_wait3A_325] : memref<50x8x32x8x128xf32, #tpu.memory_space<hbm>> -> memref<1x8x1x8x128xf32, #tpu.memory_space<hbm>>
    %dma_wait3A_327 = tpu.memref_squeeze %dma_wait3A_326 : memref<1x8x1x8x128xf32, #tpu.memory_space<hbm>> -> memref<8x8x128xf32, #tpu.memory_space<hbm>>
    %dma_wait3A_328 = arith.constant 0 : i32
    %dma_wait3A_329 = arith.constant 0 : i32
    %dma_wait3A_330 = arith.constant 0 : i32
    %dma_wait3A_331 = tpu.memref_slice %arg10[%dma_wait3A_328, %dma_wait3A_329, %dma_wait3A_330] : memref<8x8x129xf32, #tpu.memory_space<vmem>> -> memref<8x8x128xf32, #tpu.memory_space<vmem>>
    tpu.wait_dma2 semaphore(%arg18 : memref<!tpu.dma_semaphore, #tpu.memory_space<semaphore_mem>>) src(%dma_wait3A_331 : memref<8x8x128xf32, #tpu.memory_space<vmem>>) dst(%dma_wait3A_327 : memref<8x8x128xf32, #tpu.memory_space<hbm>>)
    %dma_wait3A_332 = arith.constant 49 : i32
    %dma_wait3A_333 = arith.constant 0 : i32
    %dma_wait3A_334 = arith.constant 0 : i32
    %dma_wait3A_335 = arith.constant 0 : i32
    %dma_wait3A_336 = tpu.memref_slice %arg11[%dma_wait3A_333, %dma_wait3A_334, %dma_wait3A_335] : memref<8x8x129xf32, #tpu.memory_space<vmem>> -> memref<8x8x128xf32, #tpu.memory_space<vmem>>
    %dma_wait3A_337 = arith.constant 0 : i32
    %dma_wait3A_338 = arith.constant 0 : i32
    %dma_wait3A_339 = arith.constant 0 : i32
    %dma_wait3A_340 = tpu.memref_slice %arg4[%dma_wait3A_332, %dma_wait3A_337, %add3A, %dma_wait3A_338, %dma_wait3A_339] : memref<50x8x32x8x128xf32, #tpu.memory_space<hbm>> -> memref<1x8x1x8x128xf32, #tpu.memory_space<hbm>>
    %dma_wait3A_341 = tpu.memref_squeeze %dma_wait3A_340 : memref<1x8x1x8x128xf32, #tpu.memory_space<hbm>> -> memref<8x8x128xf32, #tpu.memory_space<hbm>>
    %dma_wait3A_342 = arith.constant 0 : i32
    %dma_wait3A_343 = arith.constant 0 : i32
    %dma_wait3A_344 = arith.constant 0 : i32
    %dma_wait3A_345 = tpu.memref_slice %arg4[%dma_wait3A_332, %dma_wait3A_342, %add3A, %dma_wait3A_343, %dma_wait3A_344] : memref<50x8x32x8x128xf32, #tpu.memory_space<hbm>> -> memref<1x8x1x8x128xf32, #tpu.memory_space<hbm>>
    %dma_wait3A_346 = tpu.memref_squeeze %dma_wait3A_345 : memref<1x8x1x8x128xf32, #tpu.memory_space<hbm>> -> memref<8x8x128xf32, #tpu.memory_space<hbm>>
    %dma_wait3A_347 = arith.constant 0 : i32
    %dma_wait3A_348 = arith.constant 0 : i32
    %dma_wait3A_349 = arith.constant 0 : i32
    %dma_wait3A_350 = tpu.memref_slice %arg11[%dma_wait3A_347, %dma_wait3A_348, %dma_wait3A_349] : memref<8x8x129xf32, #tpu.memory_space<vmem>> -> memref<8x8x128xf32, #tpu.memory_space<vmem>>
    tpu.wait_dma2 semaphore(%arg19 : memref<!tpu.dma_semaphore, #tpu.memory_space<semaphore_mem>>) src(%dma_wait3A_350 : memref<8x8x128xf32, #tpu.memory_space<vmem>>) dst(%dma_wait3A_346 : memref<8x8x128xf32, #tpu.memory_space<hbm>>)
    return
  }
}

module attributes {stable_mosaic.version = 14 : i64} {
  func.func @_pad_body(%arg0: i32, %arg1: memref<64x16384xf32, #tpu.memory_space<vmem>>, %arg2: memref<16384x128xf32, #tpu.memory_space<vmem>>) attributes {dimension_semantics = [#tpu.dimension_semantics<arbitrary>], iteration_bounds = array<i64: 7>, scalar_prefetch = 0 : i64, scratch_operands = 0 : i64, tpu.core_type = #tpu.core_type<tc>, window_params = [{transform_indices = @transform_0, window_bounds = array<i64: 64, 16384>}, {transform_indices = @transform_1, window_bounds = array<i64: 16384, 128>}]} {
    %get3A = arith.constant 0 : index
    %get3A_0 = arith.constant 0 : index
    %get3A_1 = vector.load %arg1[%get3A, %get3A_0] : memref<64x16384xf32, #tpu.memory_space<vmem>>, vector<64x16384xf32>
    %transpose3A = tpu.transpose %get3A_1, [1, 0] : vector<64x16384xf32> -> vector<16384x64xf32>
    %broadcast_in_dim3A = arith.constant 0.000000e+00 : f32
    %broadcast_in_dim3A_2 = vector.broadcast %broadcast_in_dim3A : f32 to vector<16384x64xf32>
    %concatenate3A = tpu.concatenate %transpose3A, %broadcast_in_dim3A_2 in 1 : vector<16384x64xf32>, vector<16384x64xf32> -> vector<16384x128xf32>
    %swap3A = arith.constant 0 : index
    %swap3A_3 = arith.constant 0 : index
    %swap3A_4 = vector.load %arg2[%swap3A, %swap3A_3] : memref<16384x128xf32, #tpu.memory_space<vmem>>, vector<16384x128xf32>
    tpu.vector_store %arg2[%swap3A, %swap3A_3], %concatenate3A {strides = array<i32>} : memref<16384x128xf32, #tpu.memory_space<vmem>>, vector<16384x128xf32>,
    return
  }
  func.func @transform_0(%arg0: i32) -> (i32, i32) {
    %c0_i32 = arith.constant 0 : i32
    %c0_i32_0 = arith.constant 0 : i32
    return %c0_i32, %arg0 : i32, i32
  }
  func.func @transform_1(%arg0: i32) -> (i32, i32) {
    %c0_i32 = arith.constant 0 : i32
    %c0_i32_0 = arith.constant 0 : i32
    return %arg0, %c0_i32 : i32, i32
  }
}

</mosaic_0001>

<sc_bundles>
// kernel: kernel.4.cloned.1.call-start
scs
__scs_entry_jumppad:
0x0: {  	(pc) =	sbr.rel $0x88, $3  }
0x1: {  	(tag) =	ssettag $0x0;
	lr =	simm.s32 $0x1  }
0x2: {  	[smem:$0x3F9F] =	sst lr;
	_ =	strace $0xD0000000  }
0x3: {  	_ = 	snop  }
0x4: {  	_ = 	snop  }
0x5: {  	_ = 	snop  }
0x6: {  	_ = 	snop  }
0x7: {  	_ = 	snop  }
__scs_overlays_trampoline_lowered:
0x8: {  	[smem:$0x3FAE] =	sst s0  }
0x9: {  	[smem:$0x3FAF] =	sst s1  }
0xa: {  	[smem:$0x3FB0] =	sst s2  }
0xb: {  	[smem:$0x3FB1] =	sst s3  }
0xc: {  	[smem:$0x3FB2] =	sst s4  }
0xd: {  	[smem:$0x3FB3] =	sst s5  }
0xe: {  	[smem:$0x3FB4] =	sst s6  }
0xf: {  	[smem:$0x3FB5] =	sst s7  }
0x10: {  	[smem:$0x3FB6] =	sst s8  }
0x11: {  	[smem:$0x3FB7] =	sst s9;
	s0 =	simm.s32 @!p0 $0x0  }
0x12: {  	s1 =	sld [smem:$0x3F9D];
	s0 =	simm.s32 @p0 $0x1  }
0x13: {  	[smem:$0x3FB8] =	sst s0;
	s0 =	simm.s32 @!p1 $0x0  }
0x14: {  	s2 =	sld [smem:$0x3F9C];
	s0 =	simm.s32 @p1 $0x1  }
0x15: {  	[smem:$0x3FB9] =	sst s0;
	s0 =	simm.s32 @!p2 $0x0  }
0x16: {  	s3 =	sld [smem:$0x3FDB];
	s0 =	simm.s32 @p2 $0x1  }
0x17: {  	s4 =	simm.s32 $0x1BF5;
	[smem:$0x3FBB] =	sst s0  }
0x18: {  	s0 =	sld [smem:$0x3F9E];
	_ =	swait.ge [sflag:s4], $0x0  }
0x19: {  	s7 =	sld [smem:$0x3F9F]  }
0x1a: {  	s8 =	sadd.s32 $0xFFFFE003, lr  }
0x1b: {  	s9 =	sadd.s32 $0xFFFFFEF7, lr;
	s5 =	simm.s32 $0xFFFFFFFF;
	p2 =	slt.u32 s8, $0xFFFFF086  }
0x1c: {  	p1 =	slt.u32 s9, $0xF7A;
	s5 =	simm.s32 @!p2 $0x0  }
0x1d: {  	s5 =	simm.s32 @p1 $0x1;
	p0 =	seq.s32 s7, s2  }
0x1e: {  	s7 =	smul.u32 @!p0 $0xF7A, s2;
	p2 =	seq.s32 @!p0 s5, $0x0  }
0x1f: {  	s9 =	smul.u32 $0xF7A, s1;
	s8 =	simm.s32 @!p0 $0x1BF5;
	p2 =	por !p2, p0  }
0x20: {  	[sflag:s8] =	ssyncset.s32 @!p0 $0xFFFFF086;
	s6 =	sadd.s32 @!p0 s3, s7;
	s7 =	simm.s32 @!p0 $0x108  }
0x21: {  	s3 =	sadd.s32 s3, s9;
	s6 =	sadd.s32 @!p0 $0x88, s6;
	s7 =	simm.s32 @p2 $0x1082  }
0x22: {  	[simem:s7], [sflag:s8] =	dma.local @!p0 [hbm:s6], $0xF7A  }
0x23: {  	s9 =	sor.u32 $0xD0000000, s2;
	s6 =	simm.s32 $0x108;
	_ =	swait.ge @!p0 [sflag:s8], $0x0  }
0x24: {  	s3 =	sadd.s32 $0x88, s3;
	s6 =	simm.s32 @!p1 $0x1082;
	[sflag:s4] =	ssyncset.s32 $0xFFFFF086  }
0x25: {  	[simem:s6], [sflag:s4] =	dma.local [hbm:s3], $0xF7A  }
0x26: {  	[smem:$0x3F9F] =	sst s1;
	(tag) =	ssettag s2;
	_ =	strace s9  }
0x27: {  	s1 =	sld [smem:$0x3FAF]  }
0x28: {  	s2 =	sld [smem:$0x3FB0]  }
0x29: {  	s4 =	sld [smem:$0x3FB2]  }
0x2a: {  	p0 =	seq.s32 s5, $0x0;
	s5 =	sld [smem:$0x3FB3]  }
0x2b: {  	s6 =	sld [smem:$0x3FB4]  }
0x2c: {  	s7 =	sld [smem:$0x3FB5]  }
0x2d: {  	s3 =	simm.s32 $0x108;
	s8 =	sld [smem:$0x3FB6]  }
0x2e: {  	s3 =	simm.s32 @!p0 $0x1082;
	s9 =	sld [smem:$0x3FB7]  }
0x2f: {  	lr =	sadd.s32 s0, s3;
	s0 =	sld [smem:$0x3FAE]  }
0x30: {  	s3 =	sld [smem:$0x3FB1]  }
0x31: {  	[smem:$0x3FBA] =	sst s10  }
0x32: {  	s10 =	sld [smem:$0x3FB8];
	_ =	sdelay $0x3  }
0x33: {  	p0 =	seq.s32 s10, $0x1;
	s10 =	sld [smem:$0x3FBA];
	_ =	sdelay $0x3  }
0x34: {  	[smem:$0x3FBA] =	sst s10  }
0x35: {  	s10 =	sld [smem:$0x3FB9];
	_ =	sdelay $0x3  }
0x36: {  	p1 =	seq.s32 s10, $0x1;
	s10 =	sld [smem:$0x3FBA];
	_ =	sdelay $0x3  }
0x37: {  	[smem:$0x3FBA] =	sst s10  }
0x38: {  	s10 =	sld [smem:$0x3FBB]  }
0x39: {  	_ = 	snop;
	(pc) =	sbr.ind lr, $3  }
0x3a: {  	_ = 	snop  }
0x3b: {  	_ = 	snop  }
0x3c: {  	p2 =	seq.s32 s10, $0x1;
	s10 =	sld [smem:$0x3FBA]  }
0x3d: {  	_ =	shalt  }
0x3e: {  	_ =	shalt  }
0x3f: {  	_ =	shalt  }
0x40: {  	_ =	shalt  }
0x41: {  	_ =	shalt  }
0x42: {  	_ =	shalt  }
0x43: {  	_ =	shalt  }
0x44: {  	_ =	shalt  }
0x45: {  	_ =	shalt  }
0x46: {  	_ =	shalt  }
0x47: {  	_ =	shalt  }
0x48: {  	_ =	shalt  }
0x49: {  	_ =	shalt  }
0x4a: {  	_ =	shalt  }
0x4b: {  	_ =	shalt  }
0x4c: {  	_ =	shalt  }
0x4d: {  	_ =	shalt  }
0x4e: {  	_ =	shalt  }
0x4f: {  	_ =	shalt  }
0x50: {  	_ =	shalt  }
0x51: {  	_ =	shalt  }
0x52: {  	_ =	shalt  }
0x53: {  	_ =	shalt  }
0x54: {  	_ =	shalt  }
0x55: {  	_ =	shalt  }
0x56: {  	_ =	shalt  }
0x57: {  	_ =	shalt  }
0x58: {  	_ =	shalt  }
0x59: {  	_ =	shalt  }
0x5a: {  	_ =	shalt  }
0x5b: {  	_ =	shalt  }
0x5c: {  	_ =	shalt  }
0x5d: {  	_ =	shalt  }
0x5e: {  	_ =	shalt  }
0x5f: {  	_ =	shalt  }
0x60: {  	_ =	shalt  }
0x61: {  	_ =	shalt  }
0x62: {  	_ =	shalt  }
0x63: {  	_ =	shalt  }
0x64: {  	_ =	shalt  }
0x65: {  	_ =	shalt  }
0x66: {  	_ =	shalt  }
0x67: {  	_ =	shalt  }
0x68: {  	_ =	shalt  }
0x69: {  	_ =	shalt  }
0x6a: {  	_ =	shalt  }
0x6b: {  	_ =	shalt  }
0x6c: {  	_ =	shalt  }
0x6d: {  	_ =	shalt  }
0x6e: {  	_ =	shalt  }
0x6f: {  	_ =	shalt  }
0x70: {  	_ =	shalt  }
0x71: {  	_ =	shalt  }
0x72: {  	_ =	shalt  }
0x73: {  	_ =	shalt  }
0x74: {  	_ =	shalt  }
0x75: {  	_ =	shalt  }
0x76: {  	_ =	shalt  }
0x77: {  	_ =	shalt  }
0x78: {  	_ =	shalt  }
0x79: {  	_ =	shalt  }
0x7a: {  	_ =	shalt  }
0x7b: {  	_ =	shalt  }
0x7c: {  	_ =	shalt  }
0x7d: {  	_ =	shalt  }
0x7e: {  	_ =	shalt  }
0x7f: {  	_ =	shalt  }
0x80: {  	_ =	shalt  }
0x81: {  	_ =	shalt  }
0x82: {  	_ =	shalt  }
0x83: {  	_ =	shalt  }
0x84: {  	_ =	shalt  }
0x85: {  	_ =	shalt  }
0x86: {  	_ =	shalt  }
0x87: {  	_ =	shalt  }
.Lfunc_end0:
.L_simem_size_0:
called_computation_lowered:
.L_overlay_start_0:
0x88: {  	s2 =	sld [smem:$0x3FD9]  }
0x89: {  	s3 =	sld [smem:$0x3FFE];
	_ =	sdelay $0x1  }
0x8a: {  	s1 =	srdreg.scid  }
0x8b: {  	s0 =	sand.u32 $0x1, s1  }
0x8c: {  	s17 =	sshll.u32 s0, $0xA;
	s2 =	sadd.s32 s3, s2  }
0x8d: {  	s2 =	sadd.s32 s2, s17  }
0x8e: {  	[smem:$0x3FC6] =	sst s2  }
0x8f: {  	_ = 	snop  }
0x90: {  	s2 =	sld [smem:$0x3FD0];
	(tm) =	ssettm $0x1  }
0x91: {  	s18 =	sld [smem:$0x3FFB];
	_ =	sdelay $0x3  }
0x92: {  	_ =	strace s18  }
0x93: {  	s3 =	sld [smem:$0x3FFC];
	_ =	sdelay $0x3  }
0x94: {  	_ =	strace s3  }
0x95: {  	s3 =	sld [smem:$0x3FFD];
	_ =	sdelay $0x3  }
0x96: {  	_ =	strace s3  }
0x97: {  	_ =	strace $0x8FFFFFFF  }
0x98: {  	s19 =	sld [smem:$0x3FDB];
	_ =	sdelay $0x1  }
0x99: {  	s4 =	simm.s32 $_scs_section_size  }
0x9a: {  	s5 =	simm.s32 $_size__tile_overlayer_lowered;
	s6 =	simm.s32 $_tile_overlayer_lowered  }
0x9b: {  	s22 =	simm.s32 $0x1BFF;
	s21 =	sshll.u32 s6, $0x1;
	s3 =	sadd.s32 s4, s19  }
0x9c: {  	s7 =	simm.s32 $0x0;
	s20 =	sshll.u32 s5, $0x1;
	s5 =	sadd.s32 s21, s3  }
0x9d: {  	[timem:s7], [sflag:s22] =	dma.local [hbm:s5], s20  }
0x9e: {  	_ =	swait.ge [sflag:s22], s20  }
0x9f: {  	s4 =	ssub.s32 $0x0, s20;
	[sflag:s22] =	ssyncset.done $0x0  }
0xa0: {  	[sflag:s22] =	ssyncadd.s32 s4;
	_ =	sdelay $0x1  }
0xa1: {  	s23 =	simm.s32 $0x1B8B  }
0xa2: {  	_ =	swait.ge [sflag:s23], $0x1  }
0xa3: {  	[sflag:s23] =	ssyncset.done $0x0  }
0xa4: {  	s25 =	simm.s32 $0x1B8E;
	s24 =	sld [smem:$0x3FFE];
	[sflag:s23] =	ssyncadd.s32 $0xFFFFFFFF  }
0xa5: {  	s26 =	simm.s32 $execute0_lowered;
	[smem:$0x3FD2] =	sst s25  }
0xa6: {  	s5 =	sshll.u32 s26, $0x1;
	_ =	strace $0x80000046;
	[dreg:$0x1] =	wrdreg $0xFFFFFFFF  }
0xa7: {  	s28 =	simm.s32 $_size_execute0_lowered;
	s3 =	sadd.s32 s3, s5;
	[dreg:$0x0] =	wrdreg $0x0  }
0xa8: {  	s5 =	sshll.u32 s28, $0x1;
	[dreg:$0x2] =	wrdreg s3  }
0xa9: {  	[dreg:$0x3] =	wrdreg s5  }
0xaa: {  	[dreg:$0x4] =	wrdreg $0xC0  }
0xab: {  	_ =	task [dreg:s7], $0x5FFFF  }
0xac: {  	[dreg:$0x1] =	wrdreg $0xFFFFFFFF  }
0xad: {  	[dreg:$0x0] =	wrdreg $0x60  }
0xae: {  	[dreg:$0x2] =	wrdreg s24  }
0xaf: {  	[dreg:$0x3] =	wrdreg s2  }
0xb0: {  	[dreg:$0x4] =	wrdreg $0x9  }
0xb1: {  	_ =	task.clear_ibuf [dreg:s7], $0x5FFFF;
	_ =	strace $0x90000046  }
0xb2: {  	s29 =	simm.s32 $0x9;
	_ =	strace $0x80000048  }
0xb3: {  	_ =	swait.ge [sflag:s29], $0x1  }
0xb4: {  	[sflag:s29] =	ssyncadd.s32 $0xFFFFFFFF  }
0xb5: {  	_ =	strace $0x90000048  }
0xb6: {  	_ =	sfence  }
0xb7: {  	s30 =	sld [smem:$0x0];
	_ =	sdelay $0x2  }
0xb8: {  	s31 =	sshll.u32 s1, $0xD;
	s1 =	sshrl.u32 s1, $0x2  }
0xb9: {  	s3 =	sand.u32 $0x4000, s31;
	s1 =	sadd.s32 s1, s30  }
0xba: {  	s0 =	sor.u32 s3, s0;
	s1 =	sshll.u32 s1, $0x11  }
0xbb: {  	s0 =	sor.u32 s1, s0  }
0xbc: {  	s0 =	sadd.s32 $0x8F2B, s0  }
0xbd: {  	[sflag:s0] =	ssyncadd.remote.s32 $0x1  }
0xbe: {  	_ =	sfence.sel $0xFFFF  }
0xbf: {  	[dreg:$0x0] =	wrdreg $0xFFFFFFFF;
	(pc) =	sbr.abs _section_cstart, $3  }
0xc0: {  	[dreg:$0x1] =	wrdreg $0xFFFFFFFF  }
0xc1: {  	_ =	task.clear_ibuf [dreg:s7], $0x2FFFF;
	_ =	strace $0x9FFFFFFF  }
0xc2: {  	(tm) =	ssettm $0x7FFFFFFF  }
0xc3: {  	_ =	shalt  }
tec
execute0_lowered:
.L_overlay_start_1:
0x0: {  	(tag) =	ssettag $0x1  }
0x1: {  	s0 =	rddreg [dreg:$0x0];
	s1 =	srdreg.scid;
	v0 =	vlaneseq.u32  }
0x2: {  	s3 =	stileid.u32;
	s2 =	rddreg [dreg:$0x1];
	s13 =	simm.s32 $0x80;
	v0 =	vmul.u32 $0x88, v0  }
0x3: {  	v1 =	vimm.s32 $0x0;
	vm0 =	vcmask $0x300;
	s16 =	simm.s32 $0x1900;
	s17 =	simm.s32 $0x3900;
	s21 =	simm.s32 $0x7900  }
0x4: {  	s22 =	simm.s32 $0x1;
	s23 =	simm.s32 $0x9900;
	s28 =	simm.s32 $0xDD00;
	v1 =	vsel vm0, $0x3, v1;
	v2 =	vadd.s32 $0x880, v0  }
0x5: {  	s29 =	simm.s32 $0x4;
	s30 =	simm.s32 $0x8;
	s31 =	simm.s32 $0xFF00;
	v3 =	vadd.s32 $0x1100, v0;
	v4 =	vadd.s32 $0x1980, v0;
	v5 =	vor.u32 $0x1, v0  }
0x6: {  	s1 =	sand.u32 $0x1, s1;
	s4 =	sshll.u32 s3, $0x1;
	s3 =	simm.s32 $0x0;
	v6 =	vadd.s32 $0x881, v0;
	v7 =	vadd.s32 $0x1101, v0;
	v8 =	vadd.s32 $0x1981, v0  }
0x7: {  	s8 =	sadd.s32 $0x10000, s2;
	s9 =	sadd.s32 $0x18000, s2;
	s5 =	sor.u32 s1, s4;
	v9 =	vor.u32 $0x2, v0;
	v10 =	vadd.s32 $0x882, v0;
	v11 =	vadd.s32 $0x1102, v0  }
0x8: {  	[smem:$0x7FF] =	sst s3;
	s1 =	ssub.s32 $0x2, s1;
	s4 =	sshll.u32 s5, $0x4;
	v12 =	vadd.s32 $0x1982, v0;
	v13 =	vor.u32 $0x3, v0;
	v14 =	vadd.s32 $0x883, v0  }
0x9: {  	_ =	strace $0x80000047;
	s7 =	sshrl.u32 s1, $0x1;
	s5 =	sshll.u32 s5, $0x7;
	v15 =	vadd.s32 $0x1103, v0;
	v16 =	vadd.s32 $0x1983, v0;
	v17 =	vor.u32 $0x4, v0  }
0xa: {  	v18 =	vadd.s32 $0x884, v0;
	v19 =	vadd.s32 $0x1104, v0;
	v20 =	vadd.s32 $0x1984, v0;
	s6 =	sadd.s32 s4, s0;
	s4 =	sadd.s32 $0x6800, s0;
	s24 =	ssub.s32 s1, s7  }
0xb: {  	v21 =	vor.u32 $0x5, v0;
	v22 =	vadd.s32 $0x885, v0;
	v23 =	vadd.s32 $0x1105, v0;
	s7 =	sadd.s32 $0x8000, s2;
	s26 =	sadd.s32 s5, s2;
	s1 =	simm.s32 $0x0  }
0xc: {  	v24 =	vadd.s32 $0x1985, v0;
	v25 =	vor.u32 $0x6, v0;
	v26 =	vadd.s32 $0x886, v0;
	s25 =	sadd.s32 $0x400, s6;
	s10 =	sadd.s32 $0x180000, s26;
	s11 =	sadd.s32 $0x188000, s26  }
0xd: {  	v27 =	vadd.s32 $0x1106, v0;
	v28 =	vadd.s32 $0x1986, v0;
	v29 =	vor.u32 $0x7, v0;
	s0 =	smax.u32 s24, $0x1;
	s24 =	simm.s32 $0x2;
	[dreg:$0x3] =	wrdreg s25  }
0xe: {  	v30 =	vadd.s32 $0x887, v0;
	v31 =	vadd.s32 $0x1107, v0;
	v32 =	vadd.s32 $0x1987, v0;
	s26 =	simm.s32 $0x3;
	[dreg:$0x4] =	wrdreg s0;
	s25 =	simm.s32 $0xBB00  }
.LBB2_1:
0xf: {  	[dreg:$0x5] =	wrdreg s1  }
0x10: {  	s0 =	rddreg [dreg:$0x3];
	s14 =	simm.s32 $0x1000;
	s15 =	simm.s32 $0x9  }
0x11: {  	[tilespmem:s3], [sflag:$0x9] =	stream.strided.gather [hbm4b:s0+s13], $0x1900, s14, s13, $0x38;
	[tilespmem:$0x12100] =	vst v63  }
0x12: {  	_ =	swait.ge [sflag:s15], $0x1900  }
0x13: {  	[sflag:s15] =	ssyncset.done $0x0  }
0x14: {  	[sflag:s15] =	ssyncadd.s32 $0xFFFFE700  }
0x15: {  	[tilespmem:s16], [sflag:$0x1] =	stream.indirect.gather [hbm4b:s4+s13], $0x40, s3, s13, $0xb8;
	[tilespmem:$0x12100] =	vst v63  }
0x16: {  	_ = 	snop  }
0x17: {  	[tilespmem:s17], [sflag:$0x2] =	stream.indirect.gather [hbm4b:s4+s13], $0x40, s13, s13, $0xb8;
	[tilespmem:$0x12100] =	vst v63  }
0x18: {  	s18 =	simm.s32 $0x100;
	s19 =	simm.s32 $0x5900  }
0x19: {  	[tilespmem:s19], [sflag:$0x3] =	stream.indirect.gather [hbm4b:s4+s13], $0x40, s18, s13, $0xb8;
	[tilespmem:$0x12100] =	vst v63  }
0x1a: {  	s20 =	simm.s32 $0x180  }
0x1b: {  	[tilespmem:s21], [sflag:$0x4] =	stream.indirect.gather [hbm4b:s4+s13], $0x40, s20, s13, $0xb8;
	[tilespmem:$0x12100] =	vst v63  }
0x1c: {  	s20 =	simm.s32 $0x0  }
.LBB2_2:
0x1d: {  	s0 =	simm.s32 $0x0;
	s6 =	simm.s32 $0x1;
	s1 =	simm.s32 $0x2  }
0x1e: {  	s12 =	simm.s32 $0x3;
	s14 =	simm.s32 $0x4;
	s15 =	simm.s32 $0x5;
	v33 =	vmov s0;
	v34 =	vmov s6;
	v35 =	vmov s1  }
0x1f: {  	_ =	swait.ge [sflag:s22], $0x2000;
	s18 =	simm.s32 $0x6;
	s6 =	simm.s32 $0x7;
	v36 =	vmov s12;
	v37 =	vmov s14;
	v39 =	vmov s15  }
0x20: {  	p0 =	seq.s32 s20, $0x0;
	[sflag:s22] =	ssyncset.done $0x0;
	v40 =	vmov s18;
	v33 =	vshrl.u32 v33, $0x3;
	v38 =	vmov s6  }
0x21: {  	s1 =	simm.s32 @!p0 $0x5;
	[sflag:s22] =	ssyncadd.s32 $0xFFFFE000;
	v34 =	vshrl.u32 v34, $0x3;
	v35 =	vshrl.u32 v35, $0x3;
	v36 =	vshrl.u32 v36, $0x3  }
0x22: {  	v37 =	vshrl.u32 v37, $0x3;
	v55 =	vshrl.u32 v39, $0x3;
	v33 =	vshll.u32 v33, v1;
	_ =	swait.ge @!p0 [sflag:s1], $0x2000  }
0x23: {  	v38 =	vshrl.u32 v38, $0x3;
	v34 =	vshll.u32 v34, v1;
	[sflag:s1] =	ssyncset.done @!p0 $0x0;
	v33 =	vbroadcast v33, $0x0  }
0x24: {  	s12 =	simm.s32 $0x1A00;
	v40 =	vshrl.u32 v40, $0x3;
	v38 =	vshll.u32 v38, v1;
	v47 =	vbroadcast v34, $0x0;
	[sflag:s1] =	ssyncadd.s32 @!p0 $0xFFFFE000  }
0x25: {  	v51 =	vshll.u32 v35, v1;
	v38 =	vbroadcast v38, $0x0;
	v43 =	vld [tilespmem:s12+$0xFFFFFF00];
	v44 =	vadd.s32 v0, v33  }
0x26: {  	v52 =	vshll.u32 v36, v1;
	v53 =	vbroadcast v51, $0x0;
	v45 =	vld [tilespmem:s12+$0xFFFFFF40];
	v46 =	vadd.s32 v5, v47  }
0x27: {  	v54 =	vshll.u32 v37, v1;
	v35 =	vbroadcast v52, $0x0;
	v41 =	vld [tilespmem:s12+$0xC0];
	v42 =	vadd.s32 v29, v38  }
0x28: {  	v36 =	vshll.u32 v55, v1;
	v34 =	vbroadcast v54, $0x0;
	v48 =	vld [tilespmem:s12+$0xFFFFFF80];
	v49 =	vadd.s32 v9, v53  }
0x29: {  	v56 =	vshll.u32 v40, v1;
	v37 =	vbroadcast v36, $0x0;
	v39 =	vld [tilespmem:s12+$0xFFFFFFC0];
	v50 =	vadd.s32 v13, v35  }
0x2a: {  	v36 =	vbroadcast v56, $0x0;
	v51 =	vld [tilespmem:s12+$0x0];
	v52 =	vadd.s32 v17, v34;
	[tilespmem:v44+s23+$0x0] =	vst.idx.msk $0xffff, v43  }
0x2b: {  	v59 =	vld [tilespmem:s12+$0x40];
	v60 =	vadd.s32 v21, v37;
	[tilespmem:v46+s23+$0x0] =	vst.idx.msk $0xffff, v45  }
0x2c: {  	v61 =	vld [tilespmem:s12+$0x80];
	v62 =	vadd.s32 v25, v36;
	[tilespmem:v42+s23+$0x0] =	vst.idx.msk $0xffff, v41  }
0x2d: {  	v58 =	vadd.s32 v30, v38;
	[tilespmem:v49+s23+$0x0] =	vst.idx.msk $0xffff, v48;
	v57 =	vld [tilespmem:s12+$0xD0]  }
0x2e: {  	v63 =	vadd.s32 v6, v47;
	[tilespmem:v50+s23+$0x0] =	vst.idx.msk $0xffff, v39;
	v46 =	vld [tilespmem:s12+$0xFFFFFF50]  }
0x2f: {  	v55 =	vadd.s32 v10, v53;
	[tilespmem:v52+s23+$0x0] =	vst.idx.msk $0xffff, v51;
	v54 =	vld [tilespmem:s12+$0xFFFFFF90]  }
0x30: {  	v56 =	vadd.s32 v14, v35;
	[tilespmem:v60+s23+$0x0] =	vst.idx.msk $0xffff, v59;
	v50 =	vld [tilespmem:s12+$0xFFFFFFD0]  }
0x31: {  	[tilespmem:v62+s23+$0x0] =	vst.idx.msk $0xffff, v61;
	v45 =	vadd.s32 v22, v37;
	v44 =	vld [tilespmem:s12+$0x50]  }
0x32: {  	v59 =	vadd.s32 v18, v34;
	[tilespmem:v58+s23+$0x0] =	vst.idx.msk $0xffff, v57;
	v58 =	vld [tilespmem:s12+$0x10]  }
0x33: {  	[tilespmem:v63+s23+$0x0] =	vst.idx.msk $0xffff, v46;
	v57 =	vadd.s32 v31, v38;
	v40 =	vld [tilespmem:s12+$0xE0]  }
0x34: {  	v60 =	vadd.s32 v26, v36;
	[tilespmem:v55+s23+$0x0] =	vst.idx.msk $0xffff, v54;
	v63 =	vld [tilespmem:s12+$0x90]  }
0x35: {  	v62 =	vadd.s32 v2, v33;
	v61 =	vld [tilespmem:s12+$0xFFFFFF10];
	[tilespmem:v56+s23+$0x0] =	vst.idx.msk $0xffff, v50  }
0x36: {  	v51 =	vadd.s32 v7, v47;
	[tilespmem:v45+s23+$0x0] =	vst.idx.msk $0xffff, v44;
	v50 =	vld [tilespmem:s12+$0xFFFFFF60]  }
0x37: {  	v56 =	vadd.s32 v11, v53;
	v55 =	vld [tilespmem:s12+$0xFFFFFFA0];
	[tilespmem:v59+s23+$0x0] =	vst.idx.msk $0xffff, v58  }
0x38: {  	v58 =	vadd.s32 v15, v35;
	[tilespmem:v57+s23+$0x0] =	vst.idx.msk $0xffff, v40;
	v57 =	vld [tilespmem:s12+$0xFFFFFFE0]  }
0x39: {  	[tilespmem:v60+s23+$0x0] =	vst.idx.msk $0xffff, v63;
	v60 =	vadd.s32 v19, v34;
	v59 =	vld [tilespmem:s12+$0x20]  }
0x3a: {  	s1 =	simm.s32 $0x9;
	[tilespmem:v62+s23+$0x0] =	vst.idx.msk $0xffff, v61;
	v38 =	vadd.s32 v32, v38;
	v54 =	vld [tilespmem:s12+$0xF0]  }
0x3b: {  	s19 =	simm.s32 $0x8;
	v52 =	vmov s1;
	v41 =	vadd.s32 v23, v37;
	[tilespmem:v51+s23+$0x0] =	vst.idx.msk $0xffff, v50;
	v40 =	vld [tilespmem:s12+$0x60]  }
0x3c: {  	s14 =	simm.s32 $0xB;
	s15 =	simm.s32 $0xC;
	v43 =	vadd.s32 v27, v36;
	v48 =	vadd.s32 v3, v33;
	v63 =	vmov s19;
	v42 =	vld [tilespmem:s12+$0xA0];
	[tilespmem:v56+s23+$0x0] =	vst.idx.msk $0xffff, v55  }
0x3d: {  	v44 =	vmov s14;
	v46 =	vmov s15;
	v45 =	vld [tilespmem:s12+$0xFFFFFF20];
	s19 =	simm.s32 $0xE;
	v39 =	vshrl.u32 v63, $0x3;
	[tilespmem:v58+s23+$0x0] =	vst.idx.msk $0xffff, v57  }
0x3e: {  	s18 =	simm.s32 $0xD;
	s6 =	simm.s32 $0xA;
	v51 =	vadd.s32 v8, v47;
	v49 =	vld [tilespmem:s12+$0xFFFFFF70];
	v47 =	vshll.u32 v39, v1;
	v39 =	vmov s19;
	[tilespmem:v60+s23+$0x0] =	vst.idx.msk $0xffff, v59  }
0x3f: {  	s1 =	simm.s32 $0xF;
	s15 =	simm.s32 $0x10;
	v53 =	vadd.s32 v12, v53;
	v50 =	vld [tilespmem:s12+$0xFFFFFFB0];
	[tilespmem:v38+s23+$0x0] =	vst.idx.msk $0xffff, v54;
	v54 =	vmov s6;
	v38 =	vmov s18;
	s6 =	sshll.u32 s20, $0xB  }
.LBB2_3:
0x40: {  	p1 =	slt.u32 s15, $0x78;
	v52 =	vshrl.u32 v52, $0x3;
	v55 =	vmov s1;
	v56 =	vld [tilespmem:s12+$0xFFFFFFF0];
	v35 =	vadd.s32 v16, v35;
	[tilespmem:v41+s23+$0x0] =	vst.idx.msk $0xffff, v40  }
0x41: {  	v40 =	vshrl.u32 v54, $0x3;
	v34 =	vadd.s32 v20, v34;
	v41 =	vshrl.u32 v55, $0x3;
	v54 =	vld [tilespmem:s12+$0x30];
	[tilespmem:v43+s23+$0x0] =	vst.idx.msk $0xffff, v42  }
0x42: {  	v37 =	vadd.s32 v24, v37;
	v42 =	vshrl.u32 v44, $0x3;
	v41 =	vshll.u32 v41, v1;
	[tilespmem:v48+s23+$0x0] =	vst.idx.msk $0xffff, v45;
	v43 =	vld [tilespmem:s12+$0x70]  }
0x43: {  	v36 =	vadd.s32 v28, v36;
	v44 =	vshrl.u32 v46, $0x3;
	v41 =	vbroadcast v41, $0x0;
	[tilespmem:v51+s23+$0x0] =	vst.idx.msk $0xffff, v49;
	v45 =	vld [tilespmem:s12+$0xB0]  }
0x44: {  	v46 =	vshll.u32 v52, v1;
	v49 =	vadd.s32 v4, v33;
	v33 =	vbroadcast v47, $0x0;
	v48 =	vld [tilespmem:s12+$0xFFFFFF30];
	[tilespmem:v53+s23+$0x0] =	vst.idx.msk $0xffff, v50;
	s12 =	sadd.s32 $0x200, s12  }
0x45: {  	v40 =	vshll.u32 v40, v1;
	v47 =	vbroadcast v46, $0x0;
	v46 =	vld [tilespmem:s12+$0xC0];
	v50 =	vadd.s32 v29, v41;
	[tilespmem:v35+s23+$0x0] =	vst.idx.msk $0xffff, v56  }
0x46: {  	v53 =	vbroadcast v40, $0x0;
	v52 =	vadd.s32 v0, v33;
	v35 =	vshll.u32 v42, v1;
	v51 =	vld [tilespmem:s12+$0xFFFFFF00];
	[tilespmem:v34+s23+$0x0] =	vst.idx.msk $0xffff, v54  }
0x47: {  	v42 =	vadd.s32 v5, v47;
	v35 =	vbroadcast v35, $0x0;
	v34 =	vshll.u32 v44, v1;
	v40 =	vld [tilespmem:s12+$0xFFFFFF40];
	[tilespmem:v37+s23+$0x0] =	vst.idx.msk $0xffff, v43  }
0x48: {  	v44 =	vadd.s32 v9, v53;
	v34 =	vbroadcast v34, $0x0;
	v37 =	vshrl.u32 v38, $0x3;
	v43 =	vld [tilespmem:s12+$0xFFFFFF80];
	[tilespmem:v36+s23+$0x0] =	vst.idx.msk $0xffff, v45  }
0x49: {  	v39 =	vshrl.u32 v39, $0x3;
	v45 =	vadd.s32 v13, v35;
	v36 =	vshll.u32 v37, v1;
	v38 =	vld [tilespmem:s12+$0xFFFFFFC0];
	[tilespmem:v49+s23+$0x0] =	vst.idx.msk $0xffff, v48  }
0x4a: {  	v49 =	vadd.s32 v17, v34;
	v37 =	vbroadcast v36, $0x0;
	v36 =	vshll.u32 v39, v1;
	v48 =	vld [tilespmem:s12+$0x0];
	[tilespmem:v50+s23+$0x0] =	vst.idx.msk $0xffff, v46  }
0x4b: {  	v36 =	vbroadcast v36, $0x0;
	v46 =	vadd.s32 v30, v41;
	[tilespmem:v52+s23+$0x0] =	vst.idx.msk $0xffff, v51;
	v39 =	vld [tilespmem:s12+$0xD0]  }
0x4c: {  	[tilespmem:v42+s23+$0x0] =	vst.idx.msk $0xffff, v40;
	v40 =	vld [tilespmem:s12+$0x40];
	v42 =	vadd.s32 v21, v37  }
0x4d: {  	[tilespmem:v44+s23+$0x0] =	vst.idx.msk $0xffff, v43;
	v43 =	vld [tilespmem:s12+$0x80];
	v44 =	vadd.s32 v25, v36  }
0x4e: {  	v51 =	vadd.s32 v6, v47;
	v50 =	vld [tilespmem:s12+$0xFFFFFF50];
	[tilespmem:v45+s23+$0x0] =	vst.idx.msk $0xffff, v38  }
0x4f: {  	v45 =	vadd.s32 v10, v53;
	v38 =	vld [tilespmem:s12+$0xFFFFFF90];
	[tilespmem:v49+s23+$0x0] =	vst.idx.msk $0xffff, v48  }
0x50: {  	v49 =	vadd.s32 v14, v35;
	v48 =	vld [tilespmem:s12+$0xFFFFFFD0];
	[tilespmem:v46+s23+$0x0] =	vst.idx.msk $0xffff, v39  }
0x51: {  	[tilespmem:v42+s23+$0x0] =	vst.idx.msk $0xffff, v40;
	v39 =	vld [tilespmem:s12+$0xE0];
	v40 =	vadd.s32 v31, v41  }
0x52: {  	v46 =	vadd.s32 v18, v34;
	v42 =	vld [tilespmem:s12+$0x10];
	[tilespmem:v44+s23+$0x0] =	vst.idx.msk $0xffff, v43  }
0x53: {  	v44 =	vadd.s32 v22, v37;
	[tilespmem:v51+s23+$0x0] =	vst.idx.msk $0xffff, v50;
	v43 =	vld [tilespmem:s12+$0x50]  }
0x54: {  	[tilespmem:v45+s23+$0x0] =	vst.idx.msk $0xffff, v38;
	v38 =	vld [tilespmem:s12+$0x90];
	v45 =	vadd.s32 v26, v36  }
0x55: {  	v51 =	vadd.s32 v2, v33;
	v50 =	vld [tilespmem:s12+$0xFFFFFF10];
	[tilespmem:v49+s23+$0x0] =	vst.idx.msk $0xffff, v48  }
0x56: {  	v49 =	vadd.s32 v7, v47;
	v48 =	vld [tilespmem:s12+$0xFFFFFF60];
	[tilespmem:v40+s23+$0x0] =	vst.idx.msk $0xffff, v39  }
0x57: {  	[tilespmem:v46+s23+$0x0] =	vst.idx.msk $0xffff, v42;
	v39 =	vld [tilespmem:s12+$0xF0];
	v46 =	vadd.s32 v32, v41  }
0x58: {  	v56 =	vadd.s32 v11, v53;
	v55 =	vld [tilespmem:s12+$0xFFFFFFA0];
	[tilespmem:v44+s23+$0x0] =	vst.idx.msk $0xffff, v43  }
0x59: {  	v58 =	vadd.s32 v15, v35;
	v57 =	vld [tilespmem:s12+$0xFFFFFFE0];
	[tilespmem:v45+s23+$0x0] =	vst.idx.msk $0xffff, v38  }
0x5a: {  	v60 =	vadd.s32 v19, v34;
	[tilespmem:v51+s23+$0x0] =	vst.idx.msk $0xffff, v50;
	v59 =	vld [tilespmem:s12+$0x20]  }
.Ltmp0:
0x5b: {  	s0 =	sadd.s32 $0x1, s15;
	v41 =	vadd.s32 v23, v37;
	v38 =	vmov s15;
	[tilespmem:v49+s23+$0x0] =	vst.idx.msk $0xffff, v48;
	v40 =	vld [tilespmem:s12+$0x60];
	(pc) =	sbr.rel @p1 .LBB2_3-.Ltmp0, $4  }
0x5c: {  	s1 =	sadd.s32 $0x3, s15;
	v52 =	vmov s0;
	s0 =	sadd.s32 $0x2, s15;
	v43 =	vadd.s32 v27, v36;
	v50 =	vshrl.u32 v38, $0x3;
	v42 =	vld [tilespmem:s12+$0xA0];
	[tilespmem:v46+s23+$0x0] =	vst.idx.msk $0xffff, v39  }
0x5d: {  	v54 =	vmov s0;
	s0 =	sadd.s32 $0x4, s15;
	v44 =	vmov s1;
	s1 =	sadd.s32 $0x5, s15;
	v48 =	vadd.s32 v3, v33;
	v45 =	vld [tilespmem:s12+$0xFFFFFF20];
	[tilespmem:v56+s23+$0x0] =	vst.idx.msk $0xffff, v55  }
0x5e: {  	v38 =	vmov s1;
	v51 =	vadd.s32 v8, v47;
	v46 =	vmov s0;
	s0 =	sadd.s32 $0x6, s15;
	v49 =	vld [tilespmem:s12+$0xFFFFFF70];
	[tilespmem:v58+s23+$0x0] =	vst.idx.msk $0xffff, v57  }
0x5f: {  	v53 =	vadd.s32 v12, v53;
	s1 =	sadd.s32 $0x7, s15;
	v47 =	vshll.u32 v50, v1;
	s15 =	sadd.s32 $0x8, s15;
	v39 =	vmov s0;
	v50 =	vld [tilespmem:s12+$0xFFFFFFB0];
	[tilespmem:v60+s23+$0x0] =	vst.idx.msk $0xffff, v59  }
0x60: {  	_ =	sdelay $0x2  }
0x61: {  	v52 =	vshrl.u32 v52, $0x3  }
0x62: {  	v55 =	vmov s1;
	v56 =	vld [tilespmem:s12+$0xFFFFFFF0];
	v35 =	vadd.s32 v16, v35;
	[tilespmem:v41+s23+$0x0] =	vst.idx.msk $0xffff, v40;
	v57 =	vshrl.u32 v54, $0x3  }
0x63: {  	v59 =	vld [tilespmem:s12+$0x30];
	v34 =	vadd.s32 v20, v34;
	v60 =	vshrl.u32 v44, $0x3;
	v58 =	vshrl.u32 v55, $0x3;
	[tilespmem:v43+s23+$0x0] =	vst.idx.msk $0xffff, v42  }
0x64: {  	v37 =	vadd.s32 v24, v37;
	v62 =	vshrl.u32 v46, $0x3;
	v61 =	vld [tilespmem:s12+$0x70];
	v41 =	vshll.u32 v58, v1;
	[tilespmem:v48+s23+$0x0] =	vst.idx.msk $0xffff, v45  }
0x65: {  	v36 =	vadd.s32 v28, v36;
	v46 =	vbroadcast v47, $0x0;
	v63 =	vld [tilespmem:s12+$0xB0];
	v41 =	vbroadcast v41, $0x0;
	[tilespmem:v51+s23+$0x0] =	vst.idx.msk $0xffff, v49  }
0x66: {  	v33 =	vadd.s32 v4, v33;
	s18 =	sadd.s32 $0x200, s12;
	v38 =	vshrl.u32 v38, $0x3;
	v55 =	vshll.u32 v52, v1;
	v48 =	vld [tilespmem:s12+$0xFFFFFF30];
	[tilespmem:v53+s23+$0x0] =	vst.idx.msk $0xffff, v50  }
0x67: {  	v40 =	vshll.u32 v57, v1;
	v47 =	vbroadcast v55, $0x0;
	v49 =	vld [tilespmem:s18+$0xC0];
	v50 =	vadd.s32 v29, v41;
	[tilespmem:v35+s23+$0x0] =	vst.idx.msk $0xffff, v56  }
0x68: {  	v42 =	vshll.u32 v60, v1;
	v40 =	vbroadcast v40, $0x0;
	v35 =	vld [tilespmem:s18+$0xFFFFFF00];
	v56 =	vadd.s32 v0, v46;
	[tilespmem:v34+s23+$0x0] =	vst.idx.msk $0xffff, v59  }
0x69: {  	v57 =	vld [tilespmem:s18+$0xFFFFFF40];
	v44 =	vshll.u32 v62, v1;
	v42 =	vbroadcast v42, $0x0;
	v58 =	vadd.s32 v5, v47;
	[tilespmem:v37+s23+$0x0] =	vst.idx.msk $0xffff, v61  }
0x6a: {  	v38 =	vshll.u32 v38, v1;
	v44 =	vbroadcast v44, $0x0;
	v60 =	vadd.s32 v9, v40;
	v59 =	vld [tilespmem:s18+$0xFFFFFF80];
	[tilespmem:v36+s23+$0x0] =	vst.idx.msk $0xffff, v63  }
0x6b: {  	v38 =	vbroadcast v38, $0x0;
	v62 =	vadd.s32 v13, v42;
	v61 =	vld [tilespmem:s18+$0xFFFFFFC0];
	[tilespmem:v33+s23+$0x0] =	vst.idx.msk $0xffff, v48  }
0x6c: {  	v39 =	vshrl.u32 v39, $0x3;
	v63 =	vadd.s32 v17, v44;
	v33 =	vld [tilespmem:s18+$0x0];
	[tilespmem:v50+s23+$0x0] =	vst.idx.msk $0xffff, v49  }
0x6d: {  	v39 =	vshll.u32 v39, v1;
	v34 =	vld [tilespmem:s18+$0x40];
	[tilespmem:v56+s23+$0x0] =	vst.idx.msk $0xffff, v35;
	v56 =	vadd.s32 v21, v38  }
0x6e: {  	[tilespmem:v58+s23+$0x0] =	vst.idx.msk $0xffff, v57;
	v35 =	vbroadcast v39, $0x0;
	v49 =	vadd.s32 v30, v41;
	v39 =	vld [tilespmem:s18+$0xD0]  }
0x6f: {  	[tilespmem:v60+s23+$0x0] =	vst.idx.msk $0xffff, v59;
	v59 =	vld [tilespmem:s18+$0xFFFFFF50];
	v60 =	vadd.s32 v6, v47  }
0x70: {  	v57 =	vld [tilespmem:s18+$0x80];
	[tilespmem:v62+s23+$0x0] =	vst.idx.msk $0xffff, v61;
	v58 =	vadd.s32 v25, v35  }
0x71: {  	v61 =	vld [tilespmem:s18+$0xFFFFFF90];
	v62 =	vadd.s32 v10, v40;
	[tilespmem:v63+s23+$0x0] =	vst.idx.msk $0xffff, v33  }
0x72: {  	v33 =	vld [tilespmem:s18+$0xFFFFFFD0];
	v63 =	vadd.s32 v14, v42;
	[tilespmem:v56+s23+$0x0] =	vst.idx.msk $0xffff, v34  }
0x73: {  	v56 =	vadd.s32 v18, v44;
	[tilespmem:v49+s23+$0x0] =	vst.idx.msk $0xffff, v39;
	v49 =	vld [tilespmem:s18+$0x10]  }
0x74: {  	[tilespmem:v60+s23+$0x0] =	vst.idx.msk $0xffff, v59;
	v39 =	vadd.s32 v31, v41;
	v34 =	vld [tilespmem:s18+$0xE0]  }
0x75: {  	[tilespmem:v58+s23+$0x0] =	vst.idx.msk $0xffff, v57;
	v57 =	vld [tilespmem:s18+$0x50];
	v58 =	vadd.s32 v22, v38  }
0x76: {  	[tilespmem:v62+s23+$0x0] =	vst.idx.msk $0xffff, v61;
	v61 =	vld [tilespmem:s18+$0xFFFFFF10];
	v62 =	vadd.s32 v2, v46  }
0x77: {  	v60 =	vadd.s32 v26, v35;
	v59 =	vld [tilespmem:s18+$0x90];
	[tilespmem:v63+s23+$0x0] =	vst.idx.msk $0xffff, v33  }
0x78: {  	v55 =	vadd.s32 v11, v40;
	v54 =	vadd.s32 v32, v41;
	v41 =	vld [tilespmem:s18+$0xFFFFFFA0];
	[tilespmem:v56+s23+$0x0] =	vst.idx.msk $0xffff, v49  }
0x79: {  	v53 =	vadd.s32 v7, v47;
	v63 =	vld [tilespmem:s18+$0xFFFFFF60];
	[tilespmem:v39+s23+$0x0] =	vst.idx.msk $0xffff, v34  }
0x7a: {  	v56 =	vld [tilespmem:s18+$0xFFFFFFE0];
	[tilespmem:v58+s23+$0x0] =	vst.idx.msk $0xffff, v57;
	v57 =	vadd.s32 v15, v42  }
0x7b: {  	[tilespmem:v62+s23+$0x0] =	vst.idx.msk $0xffff, v61;
	v34 =	vld [tilespmem:s18+$0xF0]  }
0x7c: {  	v58 =	vld [tilespmem:s18+$0x20];
	[tilespmem:v60+s23+$0x0] =	vst.idx.msk $0xffff, v59;
	v59 =	vadd.s32 v19, v44  }
0x7d: {  	v61 =	vadd.s32 v23, v38;
	[tilespmem:v55+s23+$0x0] =	vst.idx.msk $0xffff, v41;
	v60 =	vld [tilespmem:s18+$0x60]  }
0x7e: {  	[tilespmem:v53+s23+$0x0] =	vst.idx.msk $0xffff, v63;
	v63 =	vadd.s32 v27, v35;
	v62 =	vld [tilespmem:s18+$0xA0]  }
0x7f: {  	v47 =	vadd.s32 v8, v47;
	v55 =	vld [tilespmem:s18+$0xFFFFFF70];
	[tilespmem:v57+s23+$0x0] =	vst.idx.msk $0xffff, v56  }
0x80: {  	v53 =	vld [tilespmem:s18+$0xFFFFFF20];
	[tilespmem:v54+s23+$0x0] =	vst.idx.msk $0xffff, v34;
	v54 =	vadd.s32 v3, v46  }
0x81: {  	v40 =	vadd.s32 v12, v40;
	v56 =	vld [tilespmem:s18+$0xFFFFFFB0];
	[tilespmem:v59+s23+$0x0] =	vst.idx.msk $0xffff, v58  }
0x82: {  	v42 =	vadd.s32 v16, v42;
	v57 =	vld [tilespmem:s18+$0xFFFFFFF0];
	[tilespmem:v61+s23+$0x0] =	vst.idx.msk $0xffff, v60  }
0x83: {  	v59 =	vadd.s32 v20, v44;
	v58 =	vld [tilespmem:s18+$0x30];
	[tilespmem:v63+s23+$0x0] =	vst.idx.msk $0xffff, v62  }
0x84: {  	v38 =	vadd.s32 v24, v38;
	v60 =	vld [tilespmem:s18+$0x70];
	[tilespmem:v47+s23+$0x0] =	vst.idx.msk $0xffff, v55  }
0x85: {  	v35 =	vadd.s32 v28, v35;
	v61 =	vld [tilespmem:s18+$0xB0];
	[tilespmem:v54+s23+$0x0] =	vst.idx.msk $0xffff, v53  }
0x86: {  	v63 =	vadd.s32 v4, v46;
	[tilespmem:v40+s23+$0x0] =	vst.idx.msk $0xffff, v56;
	v62 =	vld [tilespmem:s18+$0xFFFFFF30]  }
0x87: {  	[tilespmem:v42+s23+$0x0] =	vst.idx.msk $0xffff, v57  }
0x88: {  	[tilespmem:v59+s23+$0x0] =	vst.idx.msk $0xffff, v58  }
0x89: {  	s0 =	sshll.u32 s20, $0x11;
	[tilespmem:v38+s23+$0x0] =	vst.idx.msk $0xffff, v60  }
0x8a: {  	s12 =	sor.u32 s5, s0;
	[tilespmem:v35+s23+$0x0] =	vst.idx.msk $0xffff, v61  }
0x8b: {  	s19 =	simm.s32 $0x9900;
	s15 =	sadd.s32 s2, s12;
	[tilespmem:v63+s23+$0x0] =	vst.idx.msk $0xffff, v62  }
0x8c: {  	[hbm4b:s15+s3] =	stream.linear.scatter [tilespmem:s19], [sflag:$0x5], $0x80, $0x38;
	[tilespmem:$0x12100] =	vst v63  }
0x8d: {  	s1 =	simm.s32 $0x9988;
	s14 =	sadd.s32 $0x10, s15  }
0x8e: {  	[hbm4b:s14+s3] =	stream.linear.scatter [tilespmem:s1], [sflag:$0x5], $0x80, $0x38;
	[tilespmem:$0x12100] =	vst v63  }
0x8f: {  	s18 =	simm.s32 $0x9A10;
	s19 =	sadd.s32 $0x20, s15  }
0x90: {  	[hbm4b:s19+s3] =	stream.linear.scatter [tilespmem:s18], [sflag:$0x5], $0x80, $0x38;
	[tilespmem:$0x12100] =	vst v63  }
0x91: {  	s1 =	simm.s32 $0x9A98;
	s14 =	sadd.s32 $0x30, s15  }
0x92: {  	[hbm4b:s14+s3] =	stream.linear.scatter [tilespmem:s1], [sflag:$0x5], $0x80, $0x38;
	[tilespmem:$0x12100] =	vst v63  }
0x93: {  	s18 =	simm.s32 $0x9B20;
	s19 =	sadd.s32 $0x40, s15  }
0x94: {  	[hbm4b:s19+s3] =	stream.linear.scatter [tilespmem:s18], [sflag:$0x5], $0x80, $0x38;
	[tilespmem:$0x12100] =	vst v63  }
0x95: {  	s0 =	simm.s32 $0x9CB8;
	s1 =	simm.s32 $0x9BA8;
	s14 =	sadd.s32 $0x50, s15  }
0x96: {  	[hbm4b:s14+s3] =	stream.linear.scatter [tilespmem:s1], [sflag:$0x5], $0x80, $0x38;
	[tilespmem:$0x12100] =	vst v63  }
0x97: {  	s18 =	simm.s32 $0x9C30;
	s19 =	sadd.s32 $0x60, s15;
	s14 =	simm.s32 $0x440  }
0x98: {  	[hbm4b:s19+s3] =	stream.linear.scatter [tilespmem:s18], [sflag:$0x5], $0x80, $0x38;
	[tilespmem:$0x12100] =	vst v63  }
0x99: {  	s1 =	simm.s32 $0x2200;
	s18 =	sadd.s32 $0x70, s15;
	s15 =	sadd.s32 $0x1000, s15  }
.LBB2_5:
0x9a: {  	[hbm4b:s18+s3] =	stream.linear.scatter [tilespmem:s0], [sflag:$0x5], $0x80, $0x38;
	[tilespmem:$0x12100] =	vst v63  }
0x9b: {  	s0 =	smov.u32 s14;
	s14 =	smov.u32 s1  }
0x9c: {  	s19 =	sadd.s32 $0x1100, s1;
	s14 =	sshra.s32 s14, $0x2;
	s18 =	sadd.s32 $0x9900, s0  }
0x9d: {  	[hbm4b:s15+s3] =	stream.linear.scatter [tilespmem:s18], [sflag:$0x5], $0x80, $0x38;
	[tilespmem:$0x12100] =	vst v63  }
0x9e: {  	p1 =	sne.s32 s1, $0x7700;
	s1 =	sadd.s32 $0x9988, s0;
	s18 =	sadd.s32 $0x10, s15  }
0x9f: {  	[hbm4b:s18+s3] =	stream.linear.scatter [tilespmem:s1], [sflag:$0x5], $0x80, $0x38;
	[tilespmem:$0x12100] =	vst v63  }
0xa0: {  	s1 =	sadd.s32 $0x9A10, s0;
	s18 =	sadd.s32 $0x20, s15  }
0xa1: {  	[hbm4b:s18+s3] =	stream.linear.scatter [tilespmem:s1], [sflag:$0x5], $0x80, $0x38;
	[tilespmem:$0x12100] =	vst v63  }
0xa2: {  	s1 =	sadd.s32 $0x9A98, s0;
	s18 =	sadd.s32 $0x30, s15  }
0xa3: {  	[hbm4b:s18+s3] =	stream.linear.scatter [tilespmem:s1], [sflag:$0x5], $0x80, $0x38;
	[tilespmem:$0x12100] =	vst v63  }
0xa4: {  	s1 =	sadd.s32 $0x9B20, s0;
	s18 =	sadd.s32 $0x40, s15  }
0xa5: {  	[hbm4b:s18+s3] =	stream.linear.scatter [tilespmem:s1], [sflag:$0x5], $0x80, $0x38;
	[tilespmem:$0x12100] =	vst v63  }
.Ltmp1:
0xa6: {  	s1 =	sadd.s32 $0x9BA8, s0;
	s18 =	sadd.s32 $0x50, s15;
	(pc) =	sbr.rel @p1 .LBB2_5-.Ltmp1, $4  }
0xa7: {  	[hbm4b:s18+s3] =	stream.linear.scatter [tilespmem:s1], [sflag:$0x5], $0x80, $0x38;
	[tilespmem:$0x12100] =	vst v63  }
0xa8: {  	s1 =	sadd.s32 $0x9C30, s0;
	s18 =	sadd.s32 $0x60, s15;
	s0 =	sadd.s32 $0x9CB8, s0  }
0xa9: {  	[hbm4b:s18+s3] =	stream.linear.scatter [tilespmem:s1], [sflag:$0x5], $0x80, $0x38;
	[tilespmem:$0x12100] =	vst v63  }
0xaa: {  	s18 =	sadd.s32 $0x70, s15;
	s15 =	sadd.s32 $0x1000, s15;
	s1 =	smov.u32 s19  }
0xab: {  	[hbm4b:s18+s3] =	stream.linear.scatter [tilespmem:s0], [sflag:$0x5], $0x80, $0x38;
	[tilespmem:$0x12100] =	vst v63  }
0xac: {  	s18 =	sadd.s32 $0x9900, s14  }
0xad: {  	[hbm4b:s15+s3] =	stream.linear.scatter [tilespmem:s18], [sflag:$0x5], $0x80, $0x38;
	[tilespmem:$0x12100] =	vst v63  }
0xae: {  	s19 =	sadd.s32 $0x9988, s14;
	s1 =	sadd.s32 $0x10, s15  }
0xaf: {  	[hbm4b:s1+s3] =	stream.linear.scatter [tilespmem:s19], [sflag:$0x5], $0x80, $0x38;
	[tilespmem:$0x12100] =	vst v63  }
0xb0: {  	s18 =	sadd.s32 $0x9A10, s14;
	s19 =	sadd.s32 $0x20, s15  }
0xb1: {  	[hbm4b:s19+s3] =	stream.linear.scatter [tilespmem:s18], [sflag:$0x5], $0x80, $0x38;
	[tilespmem:$0x12100] =	vst v63  }
0xb2: {  	s18 =	sadd.s32 $0x9A98, s14;
	s19 =	sadd.s32 $0x30, s15  }
0xb3: {  	[hbm4b:s19+s3] =	stream.linear.scatter [tilespmem:s18], [sflag:$0x5], $0x80, $0x38;
	[tilespmem:$0x12100] =	vst v63  }
0xb4: {  	s18 =	sadd.s32 $0x9B20, s14;
	s19 =	sadd.s32 $0x40, s15  }
0xb5: {  	[hbm4b:s19+s3] =	stream.linear.scatter [tilespmem:s18], [sflag:$0x5], $0x80, $0x38;
	[tilespmem:$0x12100] =	vst v63  }
0xb6: {  	s18 =	sadd.s32 $0x9BA8, s14;
	s19 =	sadd.s32 $0x50, s15  }
0xb7: {  	[hbm4b:s19+s3] =	stream.linear.scatter [tilespmem:s18], [sflag:$0x5], $0x80, $0x38;
	[tilespmem:$0x12100] =	vst v63  }
0xb8: {  	s18 =	sadd.s32 $0x9C30, s14;
	s19 =	sadd.s32 $0x60, s15  }
0xb9: {  	[hbm4b:s19+s3] =	stream.linear.scatter [tilespmem:s18], [sflag:$0x5], $0x80, $0x38;
	[tilespmem:$0x12100] =	vst v63  }
0xba: {  	s6 =	sshrl.u32 s6, $0x2;
	s18 =	sadd.s32 $0x9CB8, s14  }
0xbb: {  	s19 =	sadd.s32 $0x70, s15;
	s14 =	simm.s32 $0x0;
	s15 =	simm.s32 $0x1  }
0xbc: {  	[hbm4b:s19+s3] =	stream.linear.scatter [tilespmem:s18], [sflag:$0x5], $0x80, $0x38;
	[tilespmem:$0x12100] =	vst v63  }
0xbd: {  	s1 =	sadd.s32 $0x200, s6;
	v33 =	vmov s14;
	v34 =	vmov s15;
	s14 =	simm.s32 $0x4;
	s15 =	simm.s32 $0x7  }
0xbe: {  	v33 =	vshrl.u32 v33, $0x3;
	[tilespmem:s16], [sflag:$0x1] =	stream.indirect.gather [hbm4b:s4+s13], $0x40, s1, s13, $0xb8;
	[tilespmem:$0x12100] =	vst v63  }
0xbf: {  	s18 =	simm.s32 $0x2;
	s19 =	simm.s32 $0x3;
	v37 =	vmov s14;
	v38 =	vmov s15;
	v34 =	vshrl.u32 v34, $0x3;
	_ =	swait.ge [sflag:s24], $0x2000  }
0xc0: {  	v35 =	vmov s18;
	v36 =	vmov s19;
	s18 =	simm.s32 $0x5;
	v33 =	vshll.u32 v33, v1;
	[sflag:s24] =	ssyncset.done $0x0  }
0xc1: {  	s19 =	simm.s32 $0x6;
	v38 =	vshrl.u32 v38, $0x3;
	v37 =	vshrl.u32 v37, $0x3;
	v34 =	vshll.u32 v34, v1;
	s1 =	simm.s32 @!p0 $0x6;
	[sflag:s24] =	ssyncadd.s32 $0xFFFFE000  }
0xc2: {  	v39 =	vmov s18;
	v40 =	vmov s19;
	v38 =	vshll.u32 v38, v1;
	_ =	swait.ge @!p0 [sflag:s1], $0x2000  }
0xc3: {  	v35 =	vshrl.u32 v35, $0x3;
	v36 =	vshrl.u32 v36, $0x3;
	v38 =	vbroadcast v38, $0x0;
	[sflag:s1] =	ssyncset.done @!p0 $0x0  }
0xc4: {  	s15 =	simm.s32 $0x3A00;
	v33 =	vbroadcast v33, $0x0;
	v45 =	vbroadcast v34, $0x0;
	v54 =	vshll.u32 v37, v1;
	[sflag:s1] =	ssyncadd.s32 @!p0 $0xFFFFE000  }
0xc5: {  	v52 =	vshll.u32 v35, v1;
	v53 =	vshll.u32 v36, v1;
	v42 =	vadd.s32 v29, v38;
	v41 =	vld [tilespmem:s15+$0xC0]  }
0xc6: {  	v34 =	vbroadcast v54, $0x0;
	v44 =	vadd.s32 v0, v33;
	v52 =	vbroadcast v52, $0x0;
	v43 =	vld [tilespmem:s15+$0xFFFFFF00]  }
0xc7: {  	v55 =	vshrl.u32 v39, $0x3;
	v47 =	vadd.s32 v5, v45;
	v35 =	vbroadcast v53, $0x0;
	v46 =	vld [tilespmem:s15+$0xFFFFFF40]  }
0xc8: {  	v40 =	vshrl.u32 v40, $0x3;
	v36 =	vshll.u32 v55, v1;
	v49 =	vadd.s32 v9, v52;
	v48 =	vld [tilespmem:s15+$0xFFFFFF80]  }
0xc9: {  	v56 =	vshll.u32 v40, v1;
	v37 =	vbroadcast v36, $0x0;
	v50 =	vadd.s32 v13, v35;
	v39 =	vld [tilespmem:s15+$0xFFFFFFC0]  }
0xca: {  	v53 =	vadd.s32 v17, v34;
	v36 =	vbroadcast v56, $0x0;
	v51 =	vld [tilespmem:s15+$0x0];
	[tilespmem:v42+s25+$0x0] =	vst.idx.msk $0xffff, v41  }
0xcb: {  	v60 =	vadd.s32 v21, v37;
	v59 =	vld [tilespmem:s15+$0x40];
	[tilespmem:v44+s25+$0x0] =	vst.idx.msk $0xffff, v43  }
0xcc: {  	v62 =	vadd.s32 v25, v36;
	v61 =	vld [tilespmem:s15+$0x80];
	[tilespmem:v47+s25+$0x0] =	vst.idx.msk $0xffff, v46  }
0xcd: {  	v58 =	vadd.s32 v30, v38;
	[tilespmem:v49+s25+$0x0] =	vst.idx.msk $0xffff, v48;
	v57 =	vld [tilespmem:s15+$0xD0]  }
0xce: {  	v63 =	vadd.s32 v6, v45;
	[tilespmem:v50+s25+$0x0] =	vst.idx.msk $0xffff, v39;
	v47 =	vld [tilespmem:s15+$0xFFFFFF50]  }
0xcf: {  	v55 =	vadd.s32 v10, v52;
	[tilespmem:v53+s25+$0x0] =	vst.idx.msk $0xffff, v51;
	v54 =	vld [tilespmem:s15+$0xFFFFFF90]  }
0xd0: {  	v56 =	vadd.s32 v14, v35;
	[tilespmem:v60+s25+$0x0] =	vst.idx.msk $0xffff, v59;
	v50 =	vld [tilespmem:s15+$0xFFFFFFD0]  }
0xd1: {  	[tilespmem:v62+s25+$0x0] =	vst.idx.msk $0xffff, v61;
	v46 =	vadd.s32 v22, v37;
	v44 =	vld [tilespmem:s15+$0x50]  }
0xd2: {  	v59 =	vadd.s32 v18, v34;
	[tilespmem:v58+s25+$0x0] =	vst.idx.msk $0xffff, v57;
	v58 =	vld [tilespmem:s15+$0x10]  }
0xd3: {  	v57 =	vadd.s32 v31, v38;
	[tilespmem:v63+s25+$0x0] =	vst.idx.msk $0xffff, v47;
	v40 =	vld [tilespmem:s15+$0xE0]  }
0xd4: {  	v62 =	vadd.s32 v2, v33;
	v61 =	vld [tilespmem:s15+$0xFFFFFF10];
	[tilespmem:v55+s25+$0x0] =	vst.idx.msk $0xffff, v54  }
0xd5: {  	v60 =	vadd.s32 v26, v36;
	v63 =	vld [tilespmem:s15+$0x90];
	[tilespmem:v56+s25+$0x0] =	vst.idx.msk $0xffff, v50  }
0xd6: {  	v51 =	vadd.s32 v7, v45;
	[tilespmem:v46+s25+$0x0] =	vst.idx.msk $0xffff, v44;
	v50 =	vld [tilespmem:s15+$0xFFFFFF60]  }
0xd7: {  	v56 =	vadd.s32 v11, v52;
	v55 =	vld [tilespmem:s15+$0xFFFFFFA0];
	[tilespmem:v59+s25+$0x0] =	vst.idx.msk $0xffff, v58  }
0xd8: {  	v58 =	vadd.s32 v15, v35;
	[tilespmem:v57+s25+$0x0] =	vst.idx.msk $0xffff, v40;
	v57 =	vld [tilespmem:s15+$0xFFFFFFE0]  }
0xd9: {  	v38 =	vadd.s32 v32, v38;
	[tilespmem:v62+s25+$0x0] =	vst.idx.msk $0xffff, v61;
	v54 =	vld [tilespmem:s15+$0xF0]  }
0xda: {  	s14 =	simm.s32 $0x9;
	[tilespmem:v60+s25+$0x0] =	vst.idx.msk $0xffff, v63;
	v60 =	vadd.s32 v19, v34;
	v59 =	vld [tilespmem:s15+$0x20]  }
0xdb: {  	s19 =	simm.s32 $0xB;
	v41 =	vadd.s32 v23, v37;
	v53 =	vmov s14;
	[tilespmem:v51+s25+$0x0] =	vst.idx.msk $0xffff, v50;
	v40 =	vld [tilespmem:s15+$0x60]  }
0xdc: {  	s1 =	simm.s32 $0x8;
	v43 =	vadd.s32 v27, v36;
	s14 =	simm.s32 $0xC;
	v48 =	vadd.s32 v3, v33;
	v44 =	vmov s19;
	v42 =	vld [tilespmem:s15+$0xA0];
	[tilespmem:v56+s25+$0x0] =	vst.idx.msk $0xffff, v55  }
0xdd: {  	s18 =	simm.s32 $0xA;
	v47 =	vmov s14;
	v52 =	vadd.s32 v12, v52;
	v46 =	vld [tilespmem:s15+$0xFFFFFF20];
	v63 =	vmov s1;
	[tilespmem:v58+s25+$0x0] =	vst.idx.msk $0xffff, v57  }
0xde: {  	s19 =	simm.s32 $0xE;
	v39 =	vshrl.u32 v63, $0x3;
	v51 =	vadd.s32 v8, v45;
	v49 =	vld [tilespmem:s15+$0xFFFFFF70];
	[tilespmem:v38+s25+$0x0] =	vst.idx.msk $0xffff, v54;
	v54 =	vmov s18;
	s18 =	simm.s32 $0xD  }
0xdf: {  	s14 =	simm.s32 $0x10;
	s1 =	simm.s32 $0xF;
	v45 =	vshll.u32 v39, v1;
	v39 =	vmov s19;
	v50 =	vld [tilespmem:s15+$0xFFFFFFB0];
	[tilespmem:v60+s25+$0x0] =	vst.idx.msk $0xffff, v59;
	v38 =	vmov s18  }
.LBB2_7:
0xe0: {  	p1 =	slt.u32 s14, $0x78;
	v53 =	vshrl.u32 v53, $0x3;
	v55 =	vmov s1;
	v56 =	vld [tilespmem:s15+$0xFFFFFFF0];
	v35 =	vadd.s32 v16, v35;
	[tilespmem:v41+s25+$0x0] =	vst.idx.msk $0xffff, v40  }
0xe1: {  	v40 =	vshrl.u32 v54, $0x3;
	v34 =	vadd.s32 v20, v34;
	v41 =	vshrl.u32 v55, $0x3;
	v54 =	vld [tilespmem:s15+$0x30];
	[tilespmem:v43+s25+$0x0] =	vst.idx.msk $0xffff, v42  }
0xe2: {  	v37 =	vadd.s32 v24, v37;
	v42 =	vshrl.u32 v44, $0x3;
	v41 =	vshll.u32 v41, v1;
	[tilespmem:v48+s25+$0x0] =	vst.idx.msk $0xffff, v46;
	v43 =	vld [tilespmem:s15+$0x70]  }
0xe3: {  	v36 =	vadd.s32 v28, v36;
	v44 =	vshrl.u32 v47, $0x3;
	v41 =	vbroadcast v41, $0x0;
	[tilespmem:v51+s25+$0x0] =	vst.idx.msk $0xffff, v49;
	v46 =	vld [tilespmem:s15+$0xB0]  }
0xe4: {  	v47 =	vshll.u32 v53, v1;
	v49 =	vadd.s32 v4, v33;
	v33 =	vbroadcast v45, $0x0;
	v48 =	vld [tilespmem:s15+$0xFFFFFF30];
	[tilespmem:v52+s25+$0x0] =	vst.idx.msk $0xffff, v50;
	s15 =	sadd.s32 $0x200, s15  }
0xe5: {  	v40 =	vshll.u32 v40, v1;
	v45 =	vbroadcast v47, $0x0;
	v47 =	vld [tilespmem:s15+$0xC0];
	v50 =	vadd.s32 v29, v41;
	[tilespmem:v35+s25+$0x0] =	vst.idx.msk $0xffff, v56  }
0xe6: {  	v55 =	vbroadcast v40, $0x0;
	v52 =	vadd.s32 v0, v33;
	v35 =	vshll.u32 v42, v1;
	v51 =	vld [tilespmem:s15+$0xFFFFFF00];
	[tilespmem:v34+s25+$0x0] =	vst.idx.msk $0xffff, v54  }
0xe7: {  	v42 =	vadd.s32 v5, v45;
	v35 =	vbroadcast v35, $0x0;
	v34 =	vshll.u32 v44, v1;
	v40 =	vld [tilespmem:s15+$0xFFFFFF40];
	[tilespmem:v37+s25+$0x0] =	vst.idx.msk $0xffff, v43  }
0xe8: {  	v44 =	vadd.s32 v9, v55;
	v34 =	vbroadcast v34, $0x0;
	v37 =	vshrl.u32 v38, $0x3;
	v43 =	vld [tilespmem:s15+$0xFFFFFF80];
	[tilespmem:v36+s25+$0x0] =	vst.idx.msk $0xffff, v46  }
0xe9: {  	v39 =	vshrl.u32 v39, $0x3;
	v46 =	vadd.s32 v13, v35;
	v36 =	vshll.u32 v37, v1;
	v38 =	vld [tilespmem:s15+$0xFFFFFFC0];
	[tilespmem:v49+s25+$0x0] =	vst.idx.msk $0xffff, v48  }
0xea: {  	v49 =	vadd.s32 v17, v34;
	v37 =	vbroadcast v36, $0x0;
	v36 =	vshll.u32 v39, v1;
	v48 =	vld [tilespmem:s15+$0x0];
	[tilespmem:v50+s25+$0x0] =	vst.idx.msk $0xffff, v47  }
0xeb: {  	v36 =	vbroadcast v36, $0x0;
	v47 =	vadd.s32 v30, v41;
	[tilespmem:v52+s25+$0x0] =	vst.idx.msk $0xffff, v51;
	v39 =	vld [tilespmem:s15+$0xD0]  }
0xec: {  	[tilespmem:v42+s25+$0x0] =	vst.idx.msk $0xffff, v40;
	v40 =	vld [tilespmem:s15+$0x40];
	v42 =	vadd.s32 v21, v37  }
0xed: {  	[tilespmem:v44+s25+$0x0] =	vst.idx.msk $0xffff, v43;
	v43 =	vld [tilespmem:s15+$0x80];
	v44 =	vadd.s32 v25, v36  }
0xee: {  	v51 =	vadd.s32 v6, v45;
	v50 =	vld [tilespmem:s15+$0xFFFFFF50];
	[tilespmem:v46+s25+$0x0] =	vst.idx.msk $0xffff, v38  }
0xef: {  	v46 =	vadd.s32 v10, v55;
	v38 =	vld [tilespmem:s15+$0xFFFFFF90];
	[tilespmem:v49+s25+$0x0] =	vst.idx.msk $0xffff, v48  }
0xf0: {  	v49 =	vadd.s32 v14, v35;
	v48 =	vld [tilespmem:s15+$0xFFFFFFD0];
	[tilespmem:v47+s25+$0x0] =	vst.idx.msk $0xffff, v39  }
0xf1: {  	[tilespmem:v42+s25+$0x0] =	vst.idx.msk $0xffff, v40;
	v39 =	vld [tilespmem:s15+$0xE0];
	v40 =	vadd.s32 v31, v41  }
0xf2: {  	v47 =	vadd.s32 v18, v34;
	v42 =	vld [tilespmem:s15+$0x10];
	[tilespmem:v44+s25+$0x0] =	vst.idx.msk $0xffff, v43  }
0xf3: {  	v44 =	vadd.s32 v22, v37;
	[tilespmem:v51+s25+$0x0] =	vst.idx.msk $0xffff, v50;
	v43 =	vld [tilespmem:s15+$0x50]  }
0xf4: {  	[tilespmem:v46+s25+$0x0] =	vst.idx.msk $0xffff, v38;
	v38 =	vld [tilespmem:s15+$0x90];
	v46 =	vadd.s32 v26, v36  }
0xf5: {  	v51 =	vadd.s32 v2, v33;
	v50 =	vld [tilespmem:s15+$0xFFFFFF10];
	[tilespmem:v49+s25+$0x0] =	vst.idx.msk $0xffff, v48  }
0xf6: {  	v49 =	vadd.s32 v7, v45;
	v48 =	vld [tilespmem:s15+$0xFFFFFF60];
	[tilespmem:v40+s25+$0x0] =	vst.idx.msk $0xffff, v39  }
0xf7: {  	[tilespmem:v47+s25+$0x0] =	vst.idx.msk $0xffff, v42;
	v39 =	vld [tilespmem:s15+$0xF0];
	v47 =	vadd.s32 v32, v41  }
0xf8: {  	v56 =	vadd.s32 v11, v55;
	v52 =	vld [tilespmem:s15+$0xFFFFFFA0];
	[tilespmem:v44+s25+$0x0] =	vst.idx.msk $0xffff, v43  }
0xf9: {  	v58 =	vadd.s32 v15, v35;
	v57 =	vld [tilespmem:s15+$0xFFFFFFE0];
	[tilespmem:v46+s25+$0x0] =	vst.idx.msk $0xffff, v38  }
0xfa: {  	v60 =	vadd.s32 v19, v34;
	[tilespmem:v51+s25+$0x0] =	vst.idx.msk $0xffff, v50;
	v59 =	vld [tilespmem:s15+$0x20]  }
.Ltmp2:
0xfb: {  	s0 =	sadd.s32 $0x1, s14;
	v41 =	vadd.s32 v23, v37;
	v38 =	vmov s14;
	[tilespmem:v49+s25+$0x0] =	vst.idx.msk $0xffff, v48;
	v40 =	vld [tilespmem:s15+$0x60];
	(pc) =	sbr.rel @p1 .LBB2_7-.Ltmp2, $4  }
0xfc: {  	s1 =	sadd.s32 $0x3, s14;
	v53 =	vmov s0;
	s0 =	sadd.s32 $0x2, s14;
	v43 =	vadd.s32 v27, v36;
	v50 =	vshrl.u32 v38, $0x3;
	v42 =	vld [tilespmem:s15+$0xA0];
	[tilespmem:v47+s25+$0x0] =	vst.idx.msk $0xffff, v39  }
0xfd: {  	v54 =	vmov s0;
	s0 =	sadd.s32 $0x4, s14;
	v44 =	vmov s1;
	s1 =	sadd.s32 $0x5, s14;
	v48 =	vadd.s32 v3, v33;
	v46 =	vld [tilespmem:s15+$0xFFFFFF20];
	[tilespmem:v56+s25+$0x0] =	vst.idx.msk $0xffff, v52  }
0xfe: {  	v38 =	vmov s1;
	v51 =	vadd.s32 v8, v45;
	v47 =	vmov s0;
	s0 =	sadd.s32 $0x6, s14;
	v49 =	vld [tilespmem:s15+$0xFFFFFF70];
	[tilespmem:v58+s25+$0x0] =	vst.idx.msk $0xffff, v57  }
0xff: {  	s1 =	sadd.s32 $0x7, s14;
	v45 =	vshll.u32 v50, v1;
	s14 =	sadd.s32 $0x8, s14;
	v39 =	vmov s0;
	v52 =	vadd.s32 v12, v55;
	v50 =	vld [tilespmem:s15+$0xFFFFFFB0];
	[tilespmem:v60+s25+$0x0] =	vst.idx.msk $0xffff, v59  }
0x100: {  	_ =	sdelay $0x2  }
0x101: {  	v53 =	vshrl.u32 v53, $0x3  }
0x102: {  	v55 =	vmov s1;
	v56 =	vld [tilespmem:s15+$0xFFFFFFF0];
	v35 =	vadd.s32 v16, v35;
	[tilespmem:v41+s25+$0x0] =	vst.idx.msk $0xffff, v40;
	v57 =	vshrl.u32 v54, $0x3  }
0x103: {  	v59 =	vld [tilespmem:s15+$0x30];
	v34 =	vadd.s32 v20, v34;
	v60 =	vshrl.u32 v44, $0x3;
	v58 =	vshrl.u32 v55, $0x3;
	[tilespmem:v43+s25+$0x0] =	vst.idx.msk $0xffff, v42  }
0x104: {  	v37 =	vadd.s32 v24, v37;
	v62 =	vshrl.u32 v47, $0x3;
	v61 =	vld [tilespmem:s15+$0x70];
	v41 =	vshll.u32 v58, v1;
	[tilespmem:v48+s25+$0x0] =	vst.idx.msk $0xffff, v46  }
0x105: {  	v36 =	vadd.s32 v28, v36;
	v45 =	vbroadcast v45, $0x0;
	v63 =	vld [tilespmem:s15+$0xB0];
	v41 =	vbroadcast v41, $0x0;
	[tilespmem:v51+s25+$0x0] =	vst.idx.msk $0xffff, v49  }
0x106: {  	v33 =	vadd.s32 v4, v33;
	s14 =	sadd.s32 $0x200, s15;
	v38 =	vshrl.u32 v38, $0x3;
	v55 =	vshll.u32 v53, v1;
	v48 =	vld [tilespmem:s15+$0xFFFFFF30];
	[tilespmem:v52+s25+$0x0] =	vst.idx.msk $0xffff, v50  }
0x107: {  	v40 =	vshll.u32 v57, v1;
	v47 =	vbroadcast v55, $0x0;
	v49 =	vld [tilespmem:s14+$0xC0];
	v50 =	vadd.s32 v29, v41;
	[tilespmem:v35+s25+$0x0] =	vst.idx.msk $0xffff, v56  }
0x108: {  	v42 =	vshll.u32 v60, v1;
	v40 =	vbroadcast v40, $0x0;
	v35 =	vld [tilespmem:s14+$0xFFFFFF00];
	v56 =	vadd.s32 v0, v45;
	[tilespmem:v34+s25+$0x0] =	vst.idx.msk $0xffff, v59  }
0x109: {  	v57 =	vld [tilespmem:s14+$0xFFFFFF40];
	v44 =	vshll.u32 v62, v1;
	v42 =	vbroadcast v42, $0x0;
	v58 =	vadd.s32 v5, v47;
	[tilespmem:v37+s25+$0x0] =	vst.idx.msk $0xffff, v61  }
0x10a: {  	v38 =	vshll.u32 v38, v1;
	v44 =	vbroadcast v44, $0x0;
	v60 =	vadd.s32 v9, v40;
	v59 =	vld [tilespmem:s14+$0xFFFFFF80];
	[tilespmem:v36+s25+$0x0] =	vst.idx.msk $0xffff, v63  }
0x10b: {  	v38 =	vbroadcast v38, $0x0;
	v62 =	vadd.s32 v13, v42;
	v61 =	vld [tilespmem:s14+$0xFFFFFFC0];
	[tilespmem:v33+s25+$0x0] =	vst.idx.msk $0xffff, v48  }
0x10c: {  	v39 =	vshrl.u32 v39, $0x3;
	v63 =	vadd.s32 v17, v44;
	v33 =	vld [tilespmem:s14+$0x0];
	[tilespmem:v50+s25+$0x0] =	vst.idx.msk $0xffff, v49  }
0x10d: {  	v39 =	vshll.u32 v39, v1;
	v34 =	vld [tilespmem:s14+$0x40];
	[tilespmem:v56+s25+$0x0] =	vst.idx.msk $0xffff, v35;
	v56 =	vadd.s32 v21, v38  }
0x10e: {  	[tilespmem:v58+s25+$0x0] =	vst.idx.msk $0xffff, v57;
	v35 =	vbroadcast v39, $0x0;
	v49 =	vadd.s32 v30, v41;
	v39 =	vld [tilespmem:s14+$0xD0]  }
0x10f: {  	[tilespmem:v60+s25+$0x0] =	vst.idx.msk $0xffff, v59;
	v59 =	vld [tilespmem:s14+$0xFFFFFF50];
	v60 =	vadd.s32 v6, v47  }
0x110: {  	v57 =	vld [tilespmem:s14+$0x80];
	[tilespmem:v62+s25+$0x0] =	vst.idx.msk $0xffff, v61;
	v58 =	vadd.s32 v25, v35  }
0x111: {  	v61 =	vld [tilespmem:s14+$0xFFFFFF90];
	v62 =	vadd.s32 v10, v40;
	[tilespmem:v63+s25+$0x0] =	vst.idx.msk $0xffff, v33  }
0x112: {  	v33 =	vld [tilespmem:s14+$0xFFFFFFD0];
	v63 =	vadd.s32 v14, v42;
	[tilespmem:v56+s25+$0x0] =	vst.idx.msk $0xffff, v34  }
0x113: {  	v56 =	vadd.s32 v18, v44;
	[tilespmem:v49+s25+$0x0] =	vst.idx.msk $0xffff, v39;
	v49 =	vld [tilespmem:s14+$0x10]  }
0x114: {  	[tilespmem:v60+s25+$0x0] =	vst.idx.msk $0xffff, v59;
	v39 =	vadd.s32 v31, v41;
	v34 =	vld [tilespmem:s14+$0xE0]  }
0x115: {  	[tilespmem:v58+s25+$0x0] =	vst.idx.msk $0xffff, v57;
	v57 =	vld [tilespmem:s14+$0x50];
	v58 =	vadd.s32 v22, v38  }
0x116: {  	[tilespmem:v62+s25+$0x0] =	vst.idx.msk $0xffff, v61;
	v61 =	vld [tilespmem:s14+$0xFFFFFF10];
	v62 =	vadd.s32 v2, v45  }
0x117: {  	v60 =	vadd.s32 v26, v35;
	v59 =	vld [tilespmem:s14+$0x90];
	[tilespmem:v63+s25+$0x0] =	vst.idx.msk $0xffff, v33  }
0x118: {  	v55 =	vadd.s32 v11, v40;
	v54 =	vadd.s32 v32, v41;
	v41 =	vld [tilespmem:s14+$0xFFFFFFA0];
	[tilespmem:v56+s25+$0x0] =	vst.idx.msk $0xffff, v49  }
0x119: {  	v53 =	vadd.s32 v7, v47;
	v63 =	vld [tilespmem:s14+$0xFFFFFF60];
	[tilespmem:v39+s25+$0x0] =	vst.idx.msk $0xffff, v34  }
0x11a: {  	v56 =	vld [tilespmem:s14+$0xFFFFFFE0];
	[tilespmem:v58+s25+$0x0] =	vst.idx.msk $0xffff, v57;
	v57 =	vadd.s32 v15, v42  }
0x11b: {  	[tilespmem:v62+s25+$0x0] =	vst.idx.msk $0xffff, v61;
	v34 =	vld [tilespmem:s14+$0xF0]  }
0x11c: {  	v58 =	vld [tilespmem:s14+$0x20];
	[tilespmem:v60+s25+$0x0] =	vst.idx.msk $0xffff, v59;
	v59 =	vadd.s32 v19, v44  }
0x11d: {  	v61 =	vadd.s32 v23, v38;
	[tilespmem:v55+s25+$0x0] =	vst.idx.msk $0xffff, v41;
	v60 =	vld [tilespmem:s14+$0x60]  }
0x11e: {  	[tilespmem:v53+s25+$0x0] =	vst.idx.msk $0xffff, v63;
	v63 =	vadd.s32 v27, v35;
	v62 =	vld [tilespmem:s14+$0xA0]  }
0x11f: {  	v47 =	vadd.s32 v8, v47;
	v55 =	vld [tilespmem:s14+$0xFFFFFF70];
	[tilespmem:v57+s25+$0x0] =	vst.idx.msk $0xffff, v56  }
0x120: {  	v53 =	vld [tilespmem:s14+$0xFFFFFF20];
	[tilespmem:v54+s25+$0x0] =	vst.idx.msk $0xffff, v34;
	v54 =	vadd.s32 v3, v45  }
0x121: {  	v40 =	vadd.s32 v12, v40;
	v56 =	vld [tilespmem:s14+$0xFFFFFFB0];
	[tilespmem:v59+s25+$0x0] =	vst.idx.msk $0xffff, v58  }
0x122: {  	v42 =	vadd.s32 v16, v42;
	v57 =	vld [tilespmem:s14+$0xFFFFFFF0];
	[tilespmem:v61+s25+$0x0] =	vst.idx.msk $0xffff, v60  }
0x123: {  	v59 =	vadd.s32 v20, v44;
	v58 =	vld [tilespmem:s14+$0x30];
	[tilespmem:v63+s25+$0x0] =	vst.idx.msk $0xffff, v62  }
0x124: {  	v38 =	vadd.s32 v24, v38;
	v60 =	vld [tilespmem:s14+$0x70];
	[tilespmem:v47+s25+$0x0] =	vst.idx.msk $0xffff, v55  }
0x125: {  	v35 =	vadd.s32 v28, v35;
	v61 =	vld [tilespmem:s14+$0xB0];
	[tilespmem:v54+s25+$0x0] =	vst.idx.msk $0xffff, v53  }
0x126: {  	v63 =	vadd.s32 v4, v45;
	[tilespmem:v40+s25+$0x0] =	vst.idx.msk $0xffff, v56;
	v62 =	vld [tilespmem:s14+$0xFFFFFF30]  }
0x127: {  	[tilespmem:v42+s25+$0x0] =	vst.idx.msk $0xffff, v57  }
0x128: {  	[tilespmem:v59+s25+$0x0] =	vst.idx.msk $0xffff, v58  }
0x129: {  	[tilespmem:v38+s25+$0x0] =	vst.idx.msk $0xffff, v60  }
0x12a: {  	[tilespmem:v35+s25+$0x0] =	vst.idx.msk $0xffff, v61  }
0x12b: {  	s0 =	simm.s32 $0xBB00;
	s15 =	sadd.s32 s12, s7;
	[tilespmem:v63+s25+$0x0] =	vst.idx.msk $0xffff, v62  }
0x12c: {  	[hbm4b:s15+s3] =	stream.linear.scatter [tilespmem:s0], [sflag:$0x6], $0x80, $0x38;
	[tilespmem:$0x12100] =	vst v63  }
0x12d: {  	s1 =	simm.s32 $0xBB88;
	s14 =	sadd.s32 $0x10, s15  }
0x12e: {  	[hbm4b:s14+s3] =	stream.linear.scatter [tilespmem:s1], [sflag:$0x6], $0x80, $0x38;
	[tilespmem:$0x12100] =	vst v63  }
0x12f: {  	s18 =	simm.s32 $0xBC10;
	s19 =	sadd.s32 $0x20, s15  }
0x130: {  	[hbm4b:s19+s3] =	stream.linear.scatter [tilespmem:s18], [sflag:$0x6], $0x80, $0x38;
	[tilespmem:$0x12100] =	vst v63  }
0x131: {  	s1 =	simm.s32 $0xBC98;
	s14 =	sadd.s32 $0x30, s15  }
0x132: {  	[hbm4b:s14+s3] =	stream.linear.scatter [tilespmem:s1], [sflag:$0x6], $0x80, $0x38;
	[tilespmem:$0x12100] =	vst v63  }
0x133: {  	s18 =	simm.s32 $0xBD20;
	s19 =	sadd.s32 $0x40, s15  }
0x134: {  	[hbm4b:s19+s3] =	stream.linear.scatter [tilespmem:s18], [sflag:$0x6], $0x80, $0x38;
	[tilespmem:$0x12100] =	vst v63  }
0x135: {  	s0 =	simm.s32 $0xBEB8;
	s1 =	simm.s32 $0xBDA8;
	s14 =	sadd.s32 $0x50, s15  }
0x136: {  	[hbm4b:s14+s3] =	stream.linear.scatter [tilespmem:s1], [sflag:$0x6], $0x80, $0x38;
	[tilespmem:$0x12100] =	vst v63  }
0x137: {  	s18 =	simm.s32 $0xBE30;
	s19 =	sadd.s32 $0x60, s15;
	s14 =	simm.s32 $0x440  }
0x138: {  	[hbm4b:s19+s3] =	stream.linear.scatter [tilespmem:s18], [sflag:$0x6], $0x80, $0x38;
	[tilespmem:$0x12100] =	vst v63  }
0x139: {  	s1 =	simm.s32 $0x2200;
	s18 =	sadd.s32 $0x70, s15;
	s15 =	sadd.s32 $0x1000, s15  }
.LBB2_9:
0x13a: {  	[hbm4b:s18+s3] =	stream.linear.scatter [tilespmem:s0], [sflag:$0x6], $0x80, $0x38;
	[tilespmem:$0x12100] =	vst v63  }
0x13b: {  	s0 =	smov.u32 s14;
	s14 =	smov.u32 s1  }
0x13c: {  	s19 =	sadd.s32 $0x1100, s1;
	s14 =	sshra.s32 s14, $0x2;
	s18 =	sadd.s32 $0xBB00, s0  }
0x13d: {  	[hbm4b:s15+s3] =	stream.linear.scatter [tilespmem:s18], [sflag:$0x6], $0x80, $0x38;
	[tilespmem:$0x12100] =	vst v63  }
0x13e: {  	p1 =	sne.s32 s1, $0x7700;
	s1 =	sadd.s32 $0xBB88, s0;
	s18 =	sadd.s32 $0x10, s15  }
0x13f: {  	[hbm4b:s18+s3] =	stream.linear.scatter [tilespmem:s1], [sflag:$0x6], $0x80, $0x38;
	[tilespmem:$0x12100] =	vst v63  }
0x140: {  	s1 =	sadd.s32 $0xBC10, s0;
	s18 =	sadd.s32 $0x20, s15  }
0x141: {  	[hbm4b:s18+s3] =	stream.linear.scatter [tilespmem:s1], [sflag:$0x6], $0x80, $0x38;
	[tilespmem:$0x12100] =	vst v63  }
0x142: {  	s1 =	sadd.s32 $0xBC98, s0;
	s18 =	sadd.s32 $0x30, s15  }
0x143: {  	[hbm4b:s18+s3] =	stream.linear.scatter [tilespmem:s1], [sflag:$0x6], $0x80, $0x38;
	[tilespmem:$0x12100] =	vst v63  }
0x144: {  	s1 =	sadd.s32 $0xBD20, s0;
	s18 =	sadd.s32 $0x40, s15  }
0x145: {  	[hbm4b:s18+s3] =	stream.linear.scatter [tilespmem:s1], [sflag:$0x6], $0x80, $0x38;
	[tilespmem:$0x12100] =	vst v63  }
.Ltmp3:
0x146: {  	s1 =	sadd.s32 $0xBDA8, s0;
	s18 =	sadd.s32 $0x50, s15;
	(pc) =	sbr.rel @p1 .LBB2_9-.Ltmp3, $4  }
0x147: {  	[hbm4b:s18+s3] =	stream.linear.scatter [tilespmem:s1], [sflag:$0x6], $0x80, $0x38;
	[tilespmem:$0x12100] =	vst v63  }
0x148: {  	s1 =	sadd.s32 $0xBE30, s0;
	s18 =	sadd.s32 $0x60, s15;
	s0 =	sadd.s32 $0xBEB8, s0  }
0x149: {  	[hbm4b:s18+s3] =	stream.linear.scatter [tilespmem:s1], [sflag:$0x6], $0x80, $0x38;
	[tilespmem:$0x12100] =	vst v63  }
0x14a: {  	s18 =	sadd.s32 $0x70, s15;
	s15 =	sadd.s32 $0x1000, s15;
	s1 =	smov.u32 s19  }
0x14b: {  	[hbm4b:s18+s3] =	stream.linear.scatter [tilespmem:s0], [sflag:$0x6], $0x80, $0x38;
	[tilespmem:$0x12100] =	vst v63  }
0x14c: {  	s18 =	sadd.s32 $0xBB00, s14  }
0x14d: {  	[hbm4b:s15+s3] =	stream.linear.scatter [tilespmem:s18], [sflag:$0x6], $0x80, $0x38;
	[tilespmem:$0x12100] =	vst v63  }
0x14e: {  	s19 =	sadd.s32 $0xBB88, s14;
	s1 =	sadd.s32 $0x10, s15  }
0x14f: {  	[hbm4b:s1+s3] =	stream.linear.scatter [tilespmem:s19], [sflag:$0x6], $0x80, $0x38;
	[tilespmem:$0x12100] =	vst v63  }
0x150: {  	s18 =	sadd.s32 $0xBC10, s14;
	s19 =	sadd.s32 $0x20, s15  }
0x151: {  	[hbm4b:s19+s3] =	stream.linear.scatter [tilespmem:s18], [sflag:$0x6], $0x80, $0x38;
	[tilespmem:$0x12100] =	vst v63  }
0x152: {  	s18 =	sadd.s32 $0xBC98, s14;
	s19 =	sadd.s32 $0x30, s15  }
0x153: {  	[hbm4b:s19+s3] =	stream.linear.scatter [tilespmem:s18], [sflag:$0x6], $0x80, $0x38;
	[tilespmem:$0x12100] =	vst v63  }
0x154: {  	s18 =	sadd.s32 $0xBD20, s14;
	s19 =	sadd.s32 $0x40, s15  }
0x155: {  	[hbm4b:s19+s3] =	stream.linear.scatter [tilespmem:s18], [sflag:$0x6], $0x80, $0x38;
	[tilespmem:$0x12100] =	vst v63  }
0x156: {  	s18 =	sadd.s32 $0xBDA8, s14;
	s19 =	sadd.s32 $0x50, s15  }
0x157: {  	[hbm4b:s19+s3] =	stream.linear.scatter [tilespmem:s18], [sflag:$0x6], $0x80, $0x38;
	[tilespmem:$0x12100] =	vst v63  }
0x158: {  	s18 =	sadd.s32 $0xBE30, s14;
	s19 =	sadd.s32 $0x60, s15  }
0x159: {  	[hbm4b:s19+s3] =	stream.linear.scatter [tilespmem:s18], [sflag:$0x6], $0x80, $0x38;
	[tilespmem:$0x12100] =	vst v63  }
0x15a: {  	s18 =	sadd.s32 $0xBEB8, s14  }
0x15b: {  	s19 =	sadd.s32 $0x70, s15;
	s14 =	simm.s32 $0x0;
	s15 =	simm.s32 $0x1  }
0x15c: {  	[hbm4b:s19+s3] =	stream.linear.scatter [tilespmem:s18], [sflag:$0x6], $0x80, $0x38;
	[tilespmem:$0x12100] =	vst v63  }
0x15d: {  	s1 =	sadd.s32 $0x280, s6;
	v33 =	vmov s14;
	v34 =	vmov s15;
	s14 =	simm.s32 $0x4;
	s15 =	simm.s32 $0x7  }
0x15e: {  	v33 =	vshrl.u32 v33, $0x3;
	[tilespmem:s17], [sflag:$0x2] =	stream.indirect.gather [hbm4b:s4+s13], $0x40, s1, s13, $0xb8;
	[tilespmem:$0x12100] =	vst v63  }
0x15f: {  	s18 =	simm.s32 $0x2;
	s19 =	simm.s32 $0x3;
	v37 =	vmov s14;
	v38 =	vmov s15;
	v34 =	vshrl.u32 v34, $0x3;
	_ =	swait.ge [sflag:s26], $0x2000  }
0x160: {  	v35 =	vmov s18;
	v36 =	vmov s19;
	s18 =	simm.s32 $0x5;
	v33 =	vshll.u32 v33, v1;
	[sflag:s26] =	ssyncset.done $0x0  }
0x161: {  	s19 =	simm.s32 $0x6;
	v38 =	vshrl.u32 v38, $0x3;
	v37 =	vshrl.u32 v37, $0x3;
	v34 =	vshll.u32 v34, v1;
	s1 =	simm.s32 @!p0 $0x7;
	[sflag:s26] =	ssyncadd.s32 $0xFFFFE000  }
0x162: {  	v39 =	vmov s18;
	v40 =	vmov s19;
	v38 =	vshll.u32 v38, v1;
	_ =	swait.ge @!p0 [sflag:s1], $0x2000  }
0x163: {  	v35 =	vshrl.u32 v35, $0x3;
	v36 =	vshrl.u32 v36, $0x3;
	v38 =	vbroadcast v38, $0x0;
	[sflag:s1] =	ssyncset.done @!p0 $0x0  }
0x164: {  	s15 =	simm.s32 $0x5A00;
	v33 =	vbroadcast v33, $0x0;
	v45 =	vbroadcast v34, $0x0;
	v54 =	vshll.u32 v37, v1;
	[sflag:s1] =	ssyncadd.s32 @!p0 $0xFFFFE000  }
0x165: {  	v52 =	vshll.u32 v35, v1;
	v53 =	vshll.u32 v36, v1;
	v42 =	vadd.s32 v29, v38;
	v41 =	vld [tilespmem:s15+$0xC0]  }
0x166: {  	v34 =	vbroadcast v54, $0x0;
	v44 =	vadd.s32 v0, v33;
	v52 =	vbroadcast v52, $0x0;
	v43 =	vld [tilespmem:s15+$0xFFFFFF00]  }
0x167: {  	v55 =	vshrl.u32 v39, $0x3;
	v47 =	vadd.s32 v5, v45;
	v35 =	vbroadcast v53, $0x0;
	v46 =	vld [tilespmem:s15+$0xFFFFFF40]  }
0x168: {  	v40 =	vshrl.u32 v40, $0x3;
	v36 =	vshll.u32 v55, v1;
	v49 =	vadd.s32 v9, v52;
	v48 =	vld [tilespmem:s15+$0xFFFFFF80]  }
0x169: {  	v56 =	vshll.u32 v40, v1;
	v37 =	vbroadcast v36, $0x0;
	v50 =	vadd.s32 v13, v35;
	v39 =	vld [tilespmem:s15+$0xFFFFFFC0]  }
0x16a: {  	v53 =	vadd.s32 v17, v34;
	v36 =	vbroadcast v56, $0x0;
	v51 =	vld [tilespmem:s15+$0x0];
	[tilespmem:v42+s28+$0x0] =	vst.idx.msk $0xffff, v41  }
0x16b: {  	v60 =	vadd.s32 v21, v37;
	v59 =	vld [tilespmem:s15+$0x40];
	[tilespmem:v44+s28+$0x0] =	vst.idx.msk $0xffff, v43  }
0x16c: {  	v62 =	vadd.s32 v25, v36;
	v61 =	vld [tilespmem:s15+$0x80];
	[tilespmem:v47+s28+$0x0] =	vst.idx.msk $0xffff, v46  }
0x16d: {  	v58 =	vadd.s32 v30, v38;
	[tilespmem:v49+s28+$0x0] =	vst.idx.msk $0xffff, v48;
	v57 =	vld [tilespmem:s15+$0xD0]  }
0x16e: {  	v63 =	vadd.s32 v6, v45;
	[tilespmem:v50+s28+$0x0] =	vst.idx.msk $0xffff, v39;
	v47 =	vld [tilespmem:s15+$0xFFFFFF50]  }
0x16f: {  	v55 =	vadd.s32 v10, v52;
	[tilespmem:v53+s28+$0x0] =	vst.idx.msk $0xffff, v51;
	v54 =	vld [tilespmem:s15+$0xFFFFFF90]  }
0x170: {  	v56 =	vadd.s32 v14, v35;
	[tilespmem:v60+s28+$0x0] =	vst.idx.msk $0xffff, v59;
	v50 =	vld [tilespmem:s15+$0xFFFFFFD0]  }
0x171: {  	[tilespmem:v62+s28+$0x0] =	vst.idx.msk $0xffff, v61;
	v46 =	vadd.s32 v22, v37;
	v44 =	vld [tilespmem:s15+$0x50]  }
0x172: {  	v59 =	vadd.s32 v18, v34;
	[tilespmem:v58+s28+$0x0] =	vst.idx.msk $0xffff, v57;
	v58 =	vld [tilespmem:s15+$0x10]  }
0x173: {  	v57 =	vadd.s32 v31, v38;
	[tilespmem:v63+s28+$0x0] =	vst.idx.msk $0xffff, v47;
	v40 =	vld [tilespmem:s15+$0xE0]  }
0x174: {  	v62 =	vadd.s32 v2, v33;
	v61 =	vld [tilespmem:s15+$0xFFFFFF10];
	[tilespmem:v55+s28+$0x0] =	vst.idx.msk $0xffff, v54  }
0x175: {  	v60 =	vadd.s32 v26, v36;
	v63 =	vld [tilespmem:s15+$0x90];
	[tilespmem:v56+s28+$0x0] =	vst.idx.msk $0xffff, v50  }
0x176: {  	v51 =	vadd.s32 v7, v45;
	[tilespmem:v46+s28+$0x0] =	vst.idx.msk $0xffff, v44;
	v50 =	vld [tilespmem:s15+$0xFFFFFF60]  }
0x177: {  	v56 =	vadd.s32 v11, v52;
	v55 =	vld [tilespmem:s15+$0xFFFFFFA0];
	[tilespmem:v59+s28+$0x0] =	vst.idx.msk $0xffff, v58  }
0x178: {  	v58 =	vadd.s32 v15, v35;
	[tilespmem:v57+s28+$0x0] =	vst.idx.msk $0xffff, v40;
	v57 =	vld [tilespmem:s15+$0xFFFFFFE0]  }
0x179: {  	v38 =	vadd.s32 v32, v38;
	[tilespmem:v62+s28+$0x0] =	vst.idx.msk $0xffff, v61;
	v54 =	vld [tilespmem:s15+$0xF0]  }
0x17a: {  	s14 =	simm.s32 $0x9;
	[tilespmem:v60+s28+$0x0] =	vst.idx.msk $0xffff, v63;
	v60 =	vadd.s32 v19, v34;
	v59 =	vld [tilespmem:s15+$0x20]  }
0x17b: {  	s19 =	simm.s32 $0xB;
	v41 =	vadd.s32 v23, v37;
	v53 =	vmov s14;
	[tilespmem:v51+s28+$0x0] =	vst.idx.msk $0xffff, v50;
	v40 =	vld [tilespmem:s15+$0x60]  }
0x17c: {  	s1 =	simm.s32 $0x8;
	v43 =	vadd.s32 v27, v36;
	s14 =	simm.s32 $0xC;
	v48 =	vadd.s32 v3, v33;
	v44 =	vmov s19;
	v42 =	vld [tilespmem:s15+$0xA0];
	[tilespmem:v56+s28+$0x0] =	vst.idx.msk $0xffff, v55  }
0x17d: {  	s18 =	simm.s32 $0xA;
	v47 =	vmov s14;
	v52 =	vadd.s32 v12, v52;
	v46 =	vld [tilespmem:s15+$0xFFFFFF20];
	v63 =	vmov s1;
	[tilespmem:v58+s28+$0x0] =	vst.idx.msk $0xffff, v57  }
0x17e: {  	s19 =	simm.s32 $0xE;
	v39 =	vshrl.u32 v63, $0x3;
	v51 =	vadd.s32 v8, v45;
	v49 =	vld [tilespmem:s15+$0xFFFFFF70];
	[tilespmem:v38+s28+$0x0] =	vst.idx.msk $0xffff, v54;
	v54 =	vmov s18;
	s18 =	simm.s32 $0xD  }
0x17f: {  	s14 =	simm.s32 $0x10;
	s1 =	simm.s32 $0xF;
	v45 =	vshll.u32 v39, v1;
	v39 =	vmov s19;
	v50 =	vld [tilespmem:s15+$0xFFFFFFB0];
	[tilespmem:v60+s28+$0x0] =	vst.idx.msk $0xffff, v59;
	v38 =	vmov s18  }
.LBB2_11:
0x180: {  	p1 =	slt.u32 s14, $0x78;
	v53 =	vshrl.u32 v53, $0x3;
	v55 =	vmov s1;
	v56 =	vld [tilespmem:s15+$0xFFFFFFF0];
	v35 =	vadd.s32 v16, v35;
	[tilespmem:v41+s28+$0x0] =	vst.idx.msk $0xffff, v40  }
0x181: {  	v40 =	vshrl.u32 v54, $0x3;
	v34 =	vadd.s32 v20, v34;
	v41 =	vshrl.u32 v55, $0x3;
	v54 =	vld [tilespmem:s15+$0x30];
	[tilespmem:v43+s28+$0x0] =	vst.idx.msk $0xffff, v42  }
0x182: {  	v37 =	vadd.s32 v24, v37;
	v42 =	vshrl.u32 v44, $0x3;
	v41 =	vshll.u32 v41, v1;
	[tilespmem:v48+s28+$0x0] =	vst.idx.msk $0xffff, v46;
	v43 =	vld [tilespmem:s15+$0x70]  }
0x183: {  	v36 =	vadd.s32 v28, v36;
	v44 =	vshrl.u32 v47, $0x3;
	v41 =	vbroadcast v41, $0x0;
	[tilespmem:v51+s28+$0x0] =	vst.idx.msk $0xffff, v49;
	v46 =	vld [tilespmem:s15+$0xB0]  }
0x184: {  	v47 =	vshll.u32 v53, v1;
	v49 =	vadd.s32 v4, v33;
	v33 =	vbroadcast v45, $0x0;
	v48 =	vld [tilespmem:s15+$0xFFFFFF30];
	[tilespmem:v52+s28+$0x0] =	vst.idx.msk $0xffff, v50;
	s15 =	sadd.s32 $0x200, s15  }
0x185: {  	v40 =	vshll.u32 v40, v1;
	v45 =	vbroadcast v47, $0x0;
	v47 =	vld [tilespmem:s15+$0xC0];
	v50 =	vadd.s32 v29, v41;
	[tilespmem:v35+s28+$0x0] =	vst.idx.msk $0xffff, v56  }
0x186: {  	v55 =	vbroadcast v40, $0x0;
	v52 =	vadd.s32 v0, v33;
	v35 =	vshll.u32 v42, v1;
	v51 =	vld [tilespmem:s15+$0xFFFFFF00];
	[tilespmem:v34+s28+$0x0] =	vst.idx.msk $0xffff, v54  }
0x187: {  	v42 =	vadd.s32 v5, v45;
	v35 =	vbroadcast v35, $0x0;
	v34 =	vshll.u32 v44, v1;
	v40 =	vld [tilespmem:s15+$0xFFFFFF40];
	[tilespmem:v37+s28+$0x0] =	vst.idx.msk $0xffff, v43  }
0x188: {  	v44 =	vadd.s32 v9, v55;
	v34 =	vbroadcast v34, $0x0;
	v37 =	vshrl.u32 v38, $0x3;
	v43 =	vld [tilespmem:s15+$0xFFFFFF80];
	[tilespmem:v36+s28+$0x0] =	vst.idx.msk $0xffff, v46  }
0x189: {  	v39 =	vshrl.u32 v39, $0x3;
	v46 =	vadd.s32 v13, v35;
	v36 =	vshll.u32 v37, v1;
	v38 =	vld [tilespmem:s15+$0xFFFFFFC0];
	[tilespmem:v49+s28+$0x0] =	vst.idx.msk $0xffff, v48  }
0x18a: {  	v49 =	vadd.s32 v17, v34;
	v37 =	vbroadcast v36, $0x0;
	v36 =	vshll.u32 v39, v1;
	v48 =	vld [tilespmem:s15+$0x0];
	[tilespmem:v50+s28+$0x0] =	vst.idx.msk $0xffff, v47  }
0x18b: {  	v36 =	vbroadcast v36, $0x0;
	v47 =	vadd.s32 v30, v41;
	[tilespmem:v52+s28+$0x0] =	vst.idx.msk $0xffff, v51;
	v39 =	vld [tilespmem:s15+$0xD0]  }
0x18c: {  	[tilespmem:v42+s28+$0x0] =	vst.idx.msk $0xffff, v40;
	v40 =	vld [tilespmem:s15+$0x40];
	v42 =	vadd.s32 v21, v37  }
0x18d: {  	[tilespmem:v44+s28+$0x0] =	vst.idx.msk $0xffff, v43;
	v43 =	vld [tilespmem:s15+$0x80];
	v44 =	vadd.s32 v25, v36  }
0x18e: {  	v51 =	vadd.s32 v6, v45;
	v50 =	vld [tilespmem:s15+$0xFFFFFF50];
	[tilespmem:v46+s28+$0x0] =	vst.idx.msk $0xffff, v38  }
0x18f: {  	v46 =	vadd.s32 v10, v55;
	v38 =	vld [tilespmem:s15+$0xFFFFFF90];
	[tilespmem:v49+s28+$0x0] =	vst.idx.msk $0xffff, v48  }
0x190: {  	v49 =	vadd.s32 v14, v35;
	v48 =	vld [tilespmem:s15+$0xFFFFFFD0];
	[tilespmem:v47+s28+$0x0] =	vst.idx.msk $0xffff, v39  }
0x191: {  	[tilespmem:v42+s28+$0x0] =	vst.idx.msk $0xffff, v40;
	v39 =	vld [tilespmem:s15+$0xE0];
	v40 =	vadd.s32 v31, v41  }
0x192: {  	v47 =	vadd.s32 v18, v34;
	v42 =	vld [tilespmem:s15+$0x10];
	[tilespmem:v44+s28+$0x0] =	vst.idx.msk $0xffff, v43  }
0x193: {  	v44 =	vadd.s32 v22, v37;
	[tilespmem:v51+s28+$0x0] =	vst.idx.msk $0xffff, v50;
	v43 =	vld [tilespmem:s15+$0x50]  }
0x194: {  	[tilespmem:v46+s28+$0x0] =	vst.idx.msk $0xffff, v38;
	v38 =	vld [tilespmem:s15+$0x90];
	v46 =	vadd.s32 v26, v36  }
0x195: {  	v51 =	vadd.s32 v2, v33;
	v50 =	vld [tilespmem:s15+$0xFFFFFF10];
	[tilespmem:v49+s28+$0x0] =	vst.idx.msk $0xffff, v48  }
0x196: {  	v49 =	vadd.s32 v7, v45;
	v48 =	vld [tilespmem:s15+$0xFFFFFF60];
	[tilespmem:v40+s28+$0x0] =	vst.idx.msk $0xffff, v39  }
0x197: {  	[tilespmem:v47+s28+$0x0] =	vst.idx.msk $0xffff, v42;
	v39 =	vld [tilespmem:s15+$0xF0];
	v47 =	vadd.s32 v32, v41  }
0x198: {  	v56 =	vadd.s32 v11, v55;
	v52 =	vld [tilespmem:s15+$0xFFFFFFA0];
	[tilespmem:v44+s28+$0x0] =	vst.idx.msk $0xffff, v43  }
0x199: {  	v58 =	vadd.s32 v15, v35;
	v57 =	vld [tilespmem:s15+$0xFFFFFFE0];
	[tilespmem:v46+s28+$0x0] =	vst.idx.msk $0xffff, v38  }
0x19a: {  	v60 =	vadd.s32 v19, v34;
	[tilespmem:v51+s28+$0x0] =	vst.idx.msk $0xffff, v50;
	v59 =	vld [tilespmem:s15+$0x20]  }
.Ltmp4:
0x19b: {  	s0 =	sadd.s32 $0x1, s14;
	v41 =	vadd.s32 v23, v37;
	v38 =	vmov s14;
	[tilespmem:v49+s28+$0x0] =	vst.idx.msk $0xffff, v48;
	v40 =	vld [tilespmem:s15+$0x60];
	(pc) =	sbr.rel @p1 .LBB2_11-.Ltmp4, $4  }
0x19c: {  	s1 =	sadd.s32 $0x3, s14;
	v53 =	vmov s0;
	s0 =	sadd.s32 $0x2, s14;
	v43 =	vadd.s32 v27, v36;
	v50 =	vshrl.u32 v38, $0x3;
	v42 =	vld [tilespmem:s15+$0xA0];
	[tilespmem:v47+s28+$0x0] =	vst.idx.msk $0xffff, v39  }
0x19d: {  	v54 =	vmov s0;
	s0 =	sadd.s32 $0x4, s14;
	v44 =	vmov s1;
	s1 =	sadd.s32 $0x5, s14;
	v48 =	vadd.s32 v3, v33;
	v46 =	vld [tilespmem:s15+$0xFFFFFF20];
	[tilespmem:v56+s28+$0x0] =	vst.idx.msk $0xffff, v52  }
0x19e: {  	v38 =	vmov s1;
	v51 =	vadd.s32 v8, v45;
	v47 =	vmov s0;
	s0 =	sadd.s32 $0x6, s14;
	v49 =	vld [tilespmem:s15+$0xFFFFFF70];
	[tilespmem:v58+s28+$0x0] =	vst.idx.msk $0xffff, v57  }
0x19f: {  	s1 =	sadd.s32 $0x7, s14;
	v45 =	vshll.u32 v50, v1;
	s14 =	sadd.s32 $0x8, s14;
	v39 =	vmov s0;
	v52 =	vadd.s32 v12, v55;
	v50 =	vld [tilespmem:s15+$0xFFFFFFB0];
	[tilespmem:v60+s28+$0x0] =	vst.idx.msk $0xffff, v59  }
0x1a0: {  	_ =	sdelay $0x2  }
0x1a1: {  	v53 =	vshrl.u32 v53, $0x3  }
0x1a2: {  	v55 =	vmov s1;
	v56 =	vld [tilespmem:s15+$0xFFFFFFF0];
	v35 =	vadd.s32 v16, v35;
	[tilespmem:v41+s28+$0x0] =	vst.idx.msk $0xffff, v40;
	v57 =	vshrl.u32 v54, $0x3  }
0x1a3: {  	v59 =	vld [tilespmem:s15+$0x30];
	v34 =	vadd.s32 v20, v34;
	v60 =	vshrl.u32 v44, $0x3;
	v58 =	vshrl.u32 v55, $0x3;
	[tilespmem:v43+s28+$0x0] =	vst.idx.msk $0xffff, v42  }
0x1a4: {  	v37 =	vadd.s32 v24, v37;
	v62 =	vshrl.u32 v47, $0x3;
	v61 =	vld [tilespmem:s15+$0x70];
	v41 =	vshll.u32 v58, v1;
	[tilespmem:v48+s28+$0x0] =	vst.idx.msk $0xffff, v46  }
0x1a5: {  	v36 =	vadd.s32 v28, v36;
	v45 =	vbroadcast v45, $0x0;
	v63 =	vld [tilespmem:s15+$0xB0];
	v41 =	vbroadcast v41, $0x0;
	[tilespmem:v51+s28+$0x0] =	vst.idx.msk $0xffff, v49  }
0x1a6: {  	v33 =	vadd.s32 v4, v33;
	s14 =	sadd.s32 $0x200, s15;
	v38 =	vshrl.u32 v38, $0x3;
	v55 =	vshll.u32 v53, v1;
	v48 =	vld [tilespmem:s15+$0xFFFFFF30];
	[tilespmem:v52+s28+$0x0] =	vst.idx.msk $0xffff, v50  }
0x1a7: {  	v40 =	vshll.u32 v57, v1;
	v47 =	vbroadcast v55, $0x0;
	v49 =	vld [tilespmem:s14+$0xC0];
	v50 =	vadd.s32 v29, v41;
	[tilespmem:v35+s28+$0x0] =	vst.idx.msk $0xffff, v56  }
0x1a8: {  	v42 =	vshll.u32 v60, v1;
	v40 =	vbroadcast v40, $0x0;
	v35 =	vld [tilespmem:s14+$0xFFFFFF00];
	v56 =	vadd.s32 v0, v45;
	[tilespmem:v34+s28+$0x0] =	vst.idx.msk $0xffff, v59  }
0x1a9: {  	v57 =	vld [tilespmem:s14+$0xFFFFFF40];
	v44 =	vshll.u32 v62, v1;
	v42 =	vbroadcast v42, $0x0;
	v58 =	vadd.s32 v5, v47;
	[tilespmem:v37+s28+$0x0] =	vst.idx.msk $0xffff, v61  }
0x1aa: {  	v38 =	vshll.u32 v38, v1;
	v44 =	vbroadcast v44, $0x0;
	v60 =	vadd.s32 v9, v40;
	v59 =	vld [tilespmem:s14+$0xFFFFFF80];
	[tilespmem:v36+s28+$0x0] =	vst.idx.msk $0xffff, v63  }
0x1ab: {  	v38 =	vbroadcast v38, $0x0;
	v62 =	vadd.s32 v13, v42;
	v61 =	vld [tilespmem:s14+$0xFFFFFFC0];
	[tilespmem:v33+s28+$0x0] =	vst.idx.msk $0xffff, v48  }
0x1ac: {  	v39 =	vshrl.u32 v39, $0x3;
	v63 =	vadd.s32 v17, v44;
	v33 =	vld [tilespmem:s14+$0x0];
	[tilespmem:v50+s28+$0x0] =	vst.idx.msk $0xffff, v49  }
0x1ad: {  	v39 =	vshll.u32 v39, v1;
	v34 =	vld [tilespmem:s14+$0x40];
	[tilespmem:v56+s28+$0x0] =	vst.idx.msk $0xffff, v35;
	v56 =	vadd.s32 v21, v38  }
0x1ae: {  	[tilespmem:v58+s28+$0x0] =	vst.idx.msk $0xffff, v57;
	v35 =	vbroadcast v39, $0x0;
	v49 =	vadd.s32 v30, v41;
	v39 =	vld [tilespmem:s14+$0xD0]  }
0x1af: {  	[tilespmem:v60+s28+$0x0] =	vst.idx.msk $0xffff, v59;
	v59 =	vld [tilespmem:s14+$0xFFFFFF50];
	v60 =	vadd.s32 v6, v47  }
0x1b0: {  	v57 =	vld [tilespmem:s14+$0x80];
	[tilespmem:v62+s28+$0x0] =	vst.idx.msk $0xffff, v61;
	v58 =	vadd.s32 v25, v35  }
0x1b1: {  	v61 =	vld [tilespmem:s14+$0xFFFFFF90];
	v62 =	vadd.s32 v10, v40;
	[tilespmem:v63+s28+$0x0] =	vst.idx.msk $0xffff, v33  }
0x1b2: {  	v33 =	vld [tilespmem:s14+$0xFFFFFFD0];
	v63 =	vadd.s32 v14, v42;
	[tilespmem:v56+s28+$0x0] =	vst.idx.msk $0xffff, v34  }
0x1b3: {  	v56 =	vadd.s32 v18, v44;
	[tilespmem:v49+s28+$0x0] =	vst.idx.msk $0xffff, v39;
	v49 =	vld [tilespmem:s14+$0x10]  }
0x1b4: {  	[tilespmem:v60+s28+$0x0] =	vst.idx.msk $0xffff, v59;
	v39 =	vadd.s32 v31, v41;
	v34 =	vld [tilespmem:s14+$0xE0]  }
0x1b5: {  	[tilespmem:v58+s28+$0x0] =	vst.idx.msk $0xffff, v57;
	v57 =	vld [tilespmem:s14+$0x50];
	v58 =	vadd.s32 v22, v38  }
0x1b6: {  	[tilespmem:v62+s28+$0x0] =	vst.idx.msk $0xffff, v61;
	v61 =	vld [tilespmem:s14+$0xFFFFFF10];
	v62 =	vadd.s32 v2, v45  }
0x1b7: {  	v60 =	vadd.s32 v26, v35;
	v59 =	vld [tilespmem:s14+$0x90];
	[tilespmem:v63+s28+$0x0] =	vst.idx.msk $0xffff, v33  }
0x1b8: {  	v55 =	vadd.s32 v11, v40;
	v54 =	vadd.s32 v32, v41;
	v41 =	vld [tilespmem:s14+$0xFFFFFFA0];
	[tilespmem:v56+s28+$0x0] =	vst.idx.msk $0xffff, v49  }
0x1b9: {  	v53 =	vadd.s32 v7, v47;
	v63 =	vld [tilespmem:s14+$0xFFFFFF60];
	[tilespmem:v39+s28+$0x0] =	vst.idx.msk $0xffff, v34  }
0x1ba: {  	v56 =	vld [tilespmem:s14+$0xFFFFFFE0];
	[tilespmem:v58+s28+$0x0] =	vst.idx.msk $0xffff, v57;
	v57 =	vadd.s32 v15, v42  }
0x1bb: {  	[tilespmem:v62+s28+$0x0] =	vst.idx.msk $0xffff, v61;
	v34 =	vld [tilespmem:s14+$0xF0]  }
0x1bc: {  	v58 =	vld [tilespmem:s14+$0x20];
	[tilespmem:v60+s28+$0x0] =	vst.idx.msk $0xffff, v59;
	v59 =	vadd.s32 v19, v44  }
0x1bd: {  	v61 =	vadd.s32 v23, v38;
	[tilespmem:v55+s28+$0x0] =	vst.idx.msk $0xffff, v41;
	v60 =	vld [tilespmem:s14+$0x60]  }
0x1be: {  	[tilespmem:v53+s28+$0x0] =	vst.idx.msk $0xffff, v63;
	v63 =	vadd.s32 v27, v35;
	v62 =	vld [tilespmem:s14+$0xA0]  }
0x1bf: {  	v47 =	vadd.s32 v8, v47;
	v55 =	vld [tilespmem:s14+$0xFFFFFF70];
	[tilespmem:v57+s28+$0x0] =	vst.idx.msk $0xffff, v56  }
0x1c0: {  	v53 =	vld [tilespmem:s14+$0xFFFFFF20];
	[tilespmem:v54+s28+$0x0] =	vst.idx.msk $0xffff, v34;
	v54 =	vadd.s32 v3, v45  }
0x1c1: {  	v40 =	vadd.s32 v12, v40;
	v56 =	vld [tilespmem:s14+$0xFFFFFFB0];
	[tilespmem:v59+s28+$0x0] =	vst.idx.msk $0xffff, v58  }
0x1c2: {  	v42 =	vadd.s32 v16, v42;
	v57 =	vld [tilespmem:s14+$0xFFFFFFF0];
	[tilespmem:v61+s28+$0x0] =	vst.idx.msk $0xffff, v60  }
0x1c3: {  	v59 =	vadd.s32 v20, v44;
	v58 =	vld [tilespmem:s14+$0x30];
	[tilespmem:v63+s28+$0x0] =	vst.idx.msk $0xffff, v62  }
0x1c4: {  	v38 =	vadd.s32 v24, v38;
	v60 =	vld [tilespmem:s14+$0x70];
	[tilespmem:v47+s28+$0x0] =	vst.idx.msk $0xffff, v55  }
0x1c5: {  	v35 =	vadd.s32 v28, v35;
	v61 =	vld [tilespmem:s14+$0xB0];
	[tilespmem:v54+s28+$0x0] =	vst.idx.msk $0xffff, v53  }
0x1c6: {  	v63 =	vadd.s32 v4, v45;
	[tilespmem:v40+s28+$0x0] =	vst.idx.msk $0xffff, v56;
	v62 =	vld [tilespmem:s14+$0xFFFFFF30]  }
0x1c7: {  	[tilespmem:v42+s28+$0x0] =	vst.idx.msk $0xffff, v57  }
0x1c8: {  	[tilespmem:v59+s28+$0x0] =	vst.idx.msk $0xffff, v58  }
0x1c9: {  	[tilespmem:v38+s28+$0x0] =	vst.idx.msk $0xffff, v60  }
0x1ca: {  	[tilespmem:v35+s28+$0x0] =	vst.idx.msk $0xffff, v61  }
0x1cb: {  	s0 =	simm.s32 $0xDD00;
	s15 =	sadd.s32 s12, s8;
	[tilespmem:v63+s28+$0x0] =	vst.idx.msk $0xffff, v62  }
0x1cc: {  	[hbm4b:s15+s3] =	stream.linear.scatter [tilespmem:s0], [sflag:$0x7], $0x80, $0x38;
	[tilespmem:$0x12100] =	vst v63  }
0x1cd: {  	s1 =	simm.s32 $0xDD88;
	s14 =	sadd.s32 $0x10, s15  }
0x1ce: {  	[hbm4b:s14+s3] =	stream.linear.scatter [tilespmem:s1], [sflag:$0x7], $0x80, $0x38;
	[tilespmem:$0x12100] =	vst v63  }
0x1cf: {  	s18 =	simm.s32 $0xDE10;
	s19 =	sadd.s32 $0x20, s15  }
0x1d0: {  	[hbm4b:s19+s3] =	stream.linear.scatter [tilespmem:s18], [sflag:$0x7], $0x80, $0x38;
	[tilespmem:$0x12100] =	vst v63  }
0x1d1: {  	s1 =	simm.s32 $0xDE98;
	s14 =	sadd.s32 $0x30, s15  }
0x1d2: {  	[hbm4b:s14+s3] =	stream.linear.scatter [tilespmem:s1], [sflag:$0x7], $0x80, $0x38;
	[tilespmem:$0x12100] =	vst v63  }
0x1d3: {  	s18 =	simm.s32 $0xDF20;
	s19 =	sadd.s32 $0x40, s15  }
0x1d4: {  	[hbm4b:s19+s3] =	stream.linear.scatter [tilespmem:s18], [sflag:$0x7], $0x80, $0x38;
	[tilespmem:$0x12100] =	vst v63  }
0x1d5: {  	s0 =	simm.s32 $0xE0B8;
	s1 =	simm.s32 $0xDFA8;
	s14 =	sadd.s32 $0x50, s15  }
0x1d6: {  	[hbm4b:s14+s3] =	stream.linear.scatter [tilespmem:s1], [sflag:$0x7], $0x80, $0x38;
	[tilespmem:$0x12100] =	vst v63  }
0x1d7: {  	s18 =	simm.s32 $0xE030;
	s19 =	sadd.s32 $0x60, s15;
	s14 =	simm.s32 $0x440  }
0x1d8: {  	[hbm4b:s19+s3] =	stream.linear.scatter [tilespmem:s18], [sflag:$0x7], $0x80, $0x38;
	[tilespmem:$0x12100] =	vst v63  }
0x1d9: {  	s1 =	simm.s32 $0x2200;
	s18 =	sadd.s32 $0x70, s15;
	s15 =	sadd.s32 $0x1000, s15  }
.LBB2_13:
0x1da: {  	[hbm4b:s18+s3] =	stream.linear.scatter [tilespmem:s0], [sflag:$0x7], $0x80, $0x38;
	[tilespmem:$0x12100] =	vst v63  }
0x1db: {  	s0 =	smov.u32 s14;
	s14 =	smov.u32 s1  }
0x1dc: {  	s19 =	sadd.s32 $0x1100, s1;
	s14 =	sshra.s32 s14, $0x2;
	s18 =	sadd.s32 $0xDD00, s0  }
0x1dd: {  	[hbm4b:s15+s3] =	stream.linear.scatter [tilespmem:s18], [sflag:$0x7], $0x80, $0x38;
	[tilespmem:$0x12100] =	vst v63  }
0x1de: {  	p1 =	sne.s32 s1, $0x7700;
	s1 =	sadd.s32 $0xDD88, s0;
	s18 =	sadd.s32 $0x10, s15  }
0x1df: {  	[hbm4b:s18+s3] =	stream.linear.scatter [tilespmem:s1], [sflag:$0x7], $0x80, $0x38;
	[tilespmem:$0x12100] =	vst v63  }
0x1e0: {  	s1 =	sadd.s32 $0xDE10, s0;
	s18 =	sadd.s32 $0x20, s15  }
0x1e1: {  	[hbm4b:s18+s3] =	stream.linear.scatter [tilespmem:s1], [sflag:$0x7], $0x80, $0x38;
	[tilespmem:$0x12100] =	vst v63  }
0x1e2: {  	s1 =	sadd.s32 $0xDE98, s0;
	s18 =	sadd.s32 $0x30, s15  }
0x1e3: {  	[hbm4b:s18+s3] =	stream.linear.scatter [tilespmem:s1], [sflag:$0x7], $0x80, $0x38;
	[tilespmem:$0x12100] =	vst v63  }
0x1e4: {  	s1 =	sadd.s32 $0xDF20, s0;
	s18 =	sadd.s32 $0x40, s15  }
0x1e5: {  	[hbm4b:s18+s3] =	stream.linear.scatter [tilespmem:s1], [sflag:$0x7], $0x80, $0x38;
	[tilespmem:$0x12100] =	vst v63  }
.Ltmp5:
0x1e6: {  	s1 =	sadd.s32 $0xDFA8, s0;
	s18 =	sadd.s32 $0x50, s15;
	(pc) =	sbr.rel @p1 .LBB2_13-.Ltmp5, $4  }
0x1e7: {  	[hbm4b:s18+s3] =	stream.linear.scatter [tilespmem:s1], [sflag:$0x7], $0x80, $0x38;
	[tilespmem:$0x12100] =	vst v63  }
0x1e8: {  	s1 =	sadd.s32 $0xE030, s0;
	s18 =	sadd.s32 $0x60, s15;
	s0 =	sadd.s32 $0xE0B8, s0  }
0x1e9: {  	[hbm4b:s18+s3] =	stream.linear.scatter [tilespmem:s1], [sflag:$0x7], $0x80, $0x38;
	[tilespmem:$0x12100] =	vst v63  }
0x1ea: {  	s18 =	sadd.s32 $0x70, s15;
	s15 =	sadd.s32 $0x1000, s15;
	s1 =	smov.u32 s19  }
0x1eb: {  	[hbm4b:s18+s3] =	stream.linear.scatter [tilespmem:s0], [sflag:$0x7], $0x80, $0x38;
	[tilespmem:$0x12100] =	vst v63  }
0x1ec: {  	s18 =	sadd.s32 $0xDD00, s14  }
0x1ed: {  	[hbm4b:s15+s3] =	stream.linear.scatter [tilespmem:s18], [sflag:$0x7], $0x80, $0x38;
	[tilespmem:$0x12100] =	vst v63  }
0x1ee: {  	s19 =	sadd.s32 $0xDD88, s14;
	s1 =	sadd.s32 $0x10, s15  }
0x1ef: {  	[hbm4b:s1+s3] =	stream.linear.scatter [tilespmem:s19], [sflag:$0x7], $0x80, $0x38;
	[tilespmem:$0x12100] =	vst v63  }
0x1f0: {  	s18 =	sadd.s32 $0xDE10, s14;
	s19 =	sadd.s32 $0x20, s15  }
0x1f1: {  	[hbm4b:s19+s3] =	stream.linear.scatter [tilespmem:s18], [sflag:$0x7], $0x80, $0x38;
	[tilespmem:$0x12100] =	vst v63  }
0x1f2: {  	s18 =	sadd.s32 $0xDE98, s14;
	s19 =	sadd.s32 $0x30, s15  }
0x1f3: {  	[hbm4b:s19+s3] =	stream.linear.scatter [tilespmem:s18], [sflag:$0x7], $0x80, $0x38;
	[tilespmem:$0x12100] =	vst v63  }
0x1f4: {  	s18 =	sadd.s32 $0xDF20, s14;
	s19 =	sadd.s32 $0x40, s15  }
0x1f5: {  	[hbm4b:s19+s3] =	stream.linear.scatter [tilespmem:s18], [sflag:$0x7], $0x80, $0x38;
	[tilespmem:$0x12100] =	vst v63  }
0x1f6: {  	p1 =	sne.s32 s20, $0xB;
	s18 =	sadd.s32 $0xDFA8, s14;
	s19 =	sadd.s32 $0x50, s15  }
0x1f7: {  	[hbm4b:s19+s3] =	stream.linear.scatter [tilespmem:s18], [sflag:$0x7], $0x80, $0x38;
	[tilespmem:$0x12100] =	vst v63  }
.Ltmp6:
0x1f8: {  	_ = 	snop;
	(pc) =	sbr.rel @p1 .LBB2_16-.Ltmp6, $4  }
0x1f9: {  	s18 =	sadd.s32 $0xE030, s14;
	s19 =	sadd.s32 $0x60, s15  }
0x1fa: {  	[hbm4b:s19+s3] =	stream.linear.scatter [tilespmem:s18], [sflag:$0x7], $0x80, $0x38;
	[tilespmem:$0x12100] =	vst v63  }
0x1fb: {  	s18 =	sadd.s32 $0xE0B8, s14;
	s19 =	sadd.s32 $0x70, s15  }
0x1fc: {  	[hbm4b:s19+s3] =	stream.linear.scatter [tilespmem:s18], [sflag:$0x7], $0x80, $0x38;
	[tilespmem:$0x12100] =	vst v63  }
.Ltmp7:
0x1fd: {  	(pc) =	sbr.rel .LBB2_17-.Ltmp7, $4  }
0x1fe: {  	_ = 	snop  }
0x1ff: {  	_ =	swait.ge [sflag:s29], $0x2000  }
0x200: {  	[sflag:s29] =	ssyncset.done $0x0  }
0x201: {  	[sflag:s29] =	ssyncadd.s32 $0xFFFFE000  }
.LBB2_16:
.Ltmp8:
0x202: {  	s0 =	sadd.s32 $0x300, s6;
	s1 =	simm.s32 $0x5900;
	(pc) =	sbr.rel @p0 .LBB2_18-.Ltmp8, $4  }
0x203: {  	[tilespmem:s1], [sflag:$0x3] =	stream.indirect.gather [hbm4b:s4+s13], $0x40, s0, s13, $0xb8;
	[tilespmem:$0x12100] =	vst v63  }
0x204: {  	_ =	swait.ge [sflag:s29], $0x2000  }
0x205: {  	[sflag:s29] =	ssyncset.done $0x0  }
0x206: {  	[sflag:s29] =	ssyncadd.s32 $0xFFFFE000  }
.LBB2_17:
0x207: {  	_ =	swait.ge [sflag:s30], $0x2000  }
0x208: {  	[sflag:s30] =	ssyncset.done $0x0  }
0x209: {  	[sflag:s30] =	ssyncadd.s32 $0xFFFFE000  }
.LBB2_18:
0x20a: {  	s0 =	simm.s32 $0x0;
	s18 =	simm.s32 $0x1;
	s1 =	simm.s32 $0x2  }
0x20b: {  	s19 =	simm.s32 $0x3;
	s15 =	simm.s32 $0x4;
	s14 =	simm.s32 $0x7;
	v33 =	vmov s0;
	v34 =	vmov s18;
	v35 =	vmov s1  }
0x20c: {  	v36 =	vmov s19;
	s18 =	simm.s32 $0x5;
	v37 =	vmov s15;
	v38 =	vmov s14  }
0x20d: {  	s19 =	simm.s32 $0x6;
	v33 =	vshrl.u32 v33, $0x3;
	v39 =	vmov s18;
	v38 =	vshrl.u32 v38, $0x3  }
0x20e: {  	v40 =	vmov s19;
	v34 =	vshrl.u32 v34, $0x3;
	v35 =	vshrl.u32 v35, $0x3  }
0x20f: {  	v36 =	vshrl.u32 v36, $0x3;
	v37 =	vshrl.u32 v37, $0x3;
	v38 =	vshll.u32 v38, v1  }
0x210: {  	v33 =	vshll.u32 v33, v1;
	v34 =	vshll.u32 v34, v1;
	v38 =	vbroadcast v38, $0x0  }
0x211: {  	s15 =	simm.s32 $0x7A00;
	v52 =	vshll.u32 v35, v1;
	v53 =	vshll.u32 v36, v1;
	v33 =	vbroadcast v33, $0x0  }
0x212: {  	v41 =	vld [tilespmem:s15+$0xC0];
	v54 =	vshll.u32 v37, v1;
	v45 =	vbroadcast v34, $0x0;
	v42 =	vadd.s32 v29, v38  }
0x213: {  	v43 =	vld [tilespmem:s15+$0xFFFFFF00];
	v55 =	vshrl.u32 v39, $0x3;
	v52 =	vbroadcast v52, $0x0;
	v44 =	vadd.s32 v0, v33  }
0x214: {  	v46 =	vld [tilespmem:s15+$0xFFFFFF40];
	v40 =	vshrl.u32 v40, $0x3;
	v35 =	vbroadcast v53, $0x0;
	v47 =	vadd.s32 v5, v45  }
0x215: {  	v48 =	vld [tilespmem:s15+$0xFFFFFF80];
	v34 =	vbroadcast v54, $0x0;
	v36 =	vshll.u32 v55, v1;
	v49 =	vadd.s32 v9, v52  }
0x216: {  	v39 =	vld [tilespmem:s15+$0xFFFFFFC0];
	v56 =	vshll.u32 v40, v1;
	v37 =	vbroadcast v36, $0x0;
	v50 =	vadd.s32 v13, v35  }
0x217: {  	v51 =	vld [tilespmem:s15+$0x0];
	v36 =	vbroadcast v56, $0x0;
	v53 =	vadd.s32 v17, v34;
	[tilespmem:v42+s31+$0x0] =	vst.idx.msk $0xffff, v41  }
0x218: {  	v59 =	vld [tilespmem:s15+$0x40];
	v60 =	vadd.s32 v21, v37;
	[tilespmem:v44+s31+$0x0] =	vst.idx.msk $0xffff, v43  }
0x219: {  	v61 =	vld [tilespmem:s15+$0x80];
	v62 =	vadd.s32 v25, v36;
	[tilespmem:v47+s31+$0x0] =	vst.idx.msk $0xffff, v46  }
0x21a: {  	v58 =	vadd.s32 v30, v38;
	[tilespmem:v49+s31+$0x0] =	vst.idx.msk $0xffff, v48;
	v57 =	vld [tilespmem:s15+$0xD0]  }
0x21b: {  	v63 =	vadd.s32 v6, v45;
	[tilespmem:v50+s31+$0x0] =	vst.idx.msk $0xffff, v39;
	v47 =	vld [tilespmem:s15+$0xFFFFFF50]  }
0x21c: {  	v55 =	vadd.s32 v10, v52;
	[tilespmem:v53+s31+$0x0] =	vst.idx.msk $0xffff, v51;
	v54 =	vld [tilespmem:s15+$0xFFFFFF90]  }
0x21d: {  	v56 =	vadd.s32 v14, v35;
	v50 =	vld [tilespmem:s15+$0xFFFFFFD0];
	[tilespmem:v60+s31+$0x0] =	vst.idx.msk $0xffff, v59  }
0x21e: {  	[tilespmem:v62+s31+$0x0] =	vst.idx.msk $0xffff, v61;
	v61 =	vld [tilespmem:s15+$0xFFFFFF10];
	v62 =	vadd.s32 v2, v33  }
0x21f: {  	v59 =	vadd.s32 v18, v34;
	[tilespmem:v58+s31+$0x0] =	vst.idx.msk $0xffff, v57;
	v58 =	vld [tilespmem:s15+$0x10]  }
0x220: {  	v57 =	vadd.s32 v31, v38;
	[tilespmem:v63+s31+$0x0] =	vst.idx.msk $0xffff, v47;
	v40 =	vld [tilespmem:s15+$0xE0]  }
0x221: {  	v46 =	vadd.s32 v22, v37;
	v44 =	vld [tilespmem:s15+$0x50];
	[tilespmem:v55+s31+$0x0] =	vst.idx.msk $0xffff, v54  }
0x222: {  	v60 =	vadd.s32 v26, v36;
	v63 =	vld [tilespmem:s15+$0x90];
	[tilespmem:v56+s31+$0x0] =	vst.idx.msk $0xffff, v50  }
0x223: {  	v51 =	vadd.s32 v7, v45;
	[tilespmem:v62+s31+$0x0] =	vst.idx.msk $0xffff, v61;
	v50 =	vld [tilespmem:s15+$0xFFFFFF60]  }
0x224: {  	v56 =	vadd.s32 v11, v52;
	v55 =	vld [tilespmem:s15+$0xFFFFFFA0];
	[tilespmem:v59+s31+$0x0] =	vst.idx.msk $0xffff, v58  }
0x225: {  	v58 =	vadd.s32 v15, v35;
	[tilespmem:v57+s31+$0x0] =	vst.idx.msk $0xffff, v40;
	v57 =	vld [tilespmem:s15+$0xFFFFFFE0]  }
0x226: {  	v38 =	vadd.s32 v32, v38;
	[tilespmem:v46+s31+$0x0] =	vst.idx.msk $0xffff, v44;
	v54 =	vld [tilespmem:s15+$0xF0]  }
0x227: {  	s14 =	simm.s32 $0x9;
	[tilespmem:v60+s31+$0x0] =	vst.idx.msk $0xffff, v63;
	v60 =	vadd.s32 v19, v34;
	v59 =	vld [tilespmem:s15+$0x20]  }
0x228: {  	v41 =	vadd.s32 v23, v37;
	v53 =	vmov s14;
	s14 =	simm.s32 $0xC;
	[tilespmem:v51+s31+$0x0] =	vst.idx.msk $0xffff, v50;
	v40 =	vld [tilespmem:s15+$0x60]  }
0x229: {  	s1 =	simm.s32 $0x8;
	s19 =	simm.s32 $0xB;
	v43 =	vadd.s32 v27, v36;
	v48 =	vadd.s32 v3, v33;
	v47 =	vmov s14;
	v42 =	vld [tilespmem:s15+$0xA0];
	[tilespmem:v56+s31+$0x0] =	vst.idx.msk $0xffff, v55  }
0x22a: {  	s18 =	simm.s32 $0xA;
	v52 =	vadd.s32 v12, v52;
	v44 =	vmov s19;
	v46 =	vld [tilespmem:s15+$0xFFFFFF20];
	v63 =	vmov s1;
	[tilespmem:v58+s31+$0x0] =	vst.idx.msk $0xffff, v57  }
0x22b: {  	s19 =	simm.s32 $0xE;
	v39 =	vshrl.u32 v63, $0x3;
	v51 =	vadd.s32 v8, v45;
	v49 =	vld [tilespmem:s15+$0xFFFFFF70];
	[tilespmem:v38+s31+$0x0] =	vst.idx.msk $0xffff, v54;
	v54 =	vmov s18;
	s18 =	simm.s32 $0xD  }
0x22c: {  	s14 =	simm.s32 $0x10;
	s1 =	simm.s32 $0xF;
	v45 =	vshll.u32 v39, v1;
	v39 =	vmov s19;
	v50 =	vld [tilespmem:s15+$0xFFFFFFB0];
	[tilespmem:v60+s31+$0x0] =	vst.idx.msk $0xffff, v59;
	v38 =	vmov s18  }
.LBB2_19:
0x22d: {  	p0 =	slt.u32 s14, $0x78;
	v53 =	vshrl.u32 v53, $0x3;
	v55 =	vmov s1;
	v56 =	vld [tilespmem:s15+$0xFFFFFFF0];
	v35 =	vadd.s32 v16, v35;
	[tilespmem:v41+s31+$0x0] =	vst.idx.msk $0xffff, v40  }
0x22e: {  	v40 =	vshrl.u32 v54, $0x3;
	v34 =	vadd.s32 v20, v34;
	v41 =	vshrl.u32 v55, $0x3;
	v54 =	vld [tilespmem:s15+$0x30];
	[tilespmem:v43+s31+$0x0] =	vst.idx.msk $0xffff, v42  }
0x22f: {  	v37 =	vadd.s32 v24, v37;
	v42 =	vshrl.u32 v44, $0x3;
	v41 =	vshll.u32 v41, v1;
	[tilespmem:v48+s31+$0x0] =	vst.idx.msk $0xffff, v46;
	v43 =	vld [tilespmem:s15+$0x70]  }
0x230: {  	v36 =	vadd.s32 v28, v36;
	v44 =	vshrl.u32 v47, $0x3;
	v41 =	vbroadcast v41, $0x0;
	[tilespmem:v51+s31+$0x0] =	vst.idx.msk $0xffff, v49;
	v46 =	vld [tilespmem:s15+$0xB0]  }
0x231: {  	v47 =	vshll.u32 v53, v1;
	v49 =	vadd.s32 v4, v33;
	v33 =	vbroadcast v45, $0x0;
	v48 =	vld [tilespmem:s15+$0xFFFFFF30];
	[tilespmem:v52+s31+$0x0] =	vst.idx.msk $0xffff, v50;
	s15 =	sadd.s32 $0x200, s15  }
0x232: {  	v40 =	vshll.u32 v40, v1;
	v45 =	vbroadcast v47, $0x0;
	v47 =	vld [tilespmem:s15+$0xC0];
	v50 =	vadd.s32 v29, v41;
	[tilespmem:v35+s31+$0x0] =	vst.idx.msk $0xffff, v56  }
0x233: {  	v55 =	vbroadcast v40, $0x0;
	v52 =	vadd.s32 v0, v33;
	v35 =	vshll.u32 v42, v1;
	v51 =	vld [tilespmem:s15+$0xFFFFFF00];
	[tilespmem:v34+s31+$0x0] =	vst.idx.msk $0xffff, v54  }
0x234: {  	v42 =	vadd.s32 v5, v45;
	v35 =	vbroadcast v35, $0x0;
	v34 =	vshll.u32 v44, v1;
	v40 =	vld [tilespmem:s15+$0xFFFFFF40];
	[tilespmem:v37+s31+$0x0] =	vst.idx.msk $0xffff, v43  }
0x235: {  	v44 =	vadd.s32 v9, v55;
	v34 =	vbroadcast v34, $0x0;
	v37 =	vshrl.u32 v38, $0x3;
	v43 =	vld [tilespmem:s15+$0xFFFFFF80];
	[tilespmem:v36+s31+$0x0] =	vst.idx.msk $0xffff, v46  }
0x236: {  	v39 =	vshrl.u32 v39, $0x3;
	v46 =	vadd.s32 v13, v35;
	v36 =	vshll.u32 v37, v1;
	v38 =	vld [tilespmem:s15+$0xFFFFFFC0];
	[tilespmem:v49+s31+$0x0] =	vst.idx.msk $0xffff, v48  }
0x237: {  	v49 =	vadd.s32 v17, v34;
	v37 =	vbroadcast v36, $0x0;
	v36 =	vshll.u32 v39, v1;
	v48 =	vld [tilespmem:s15+$0x0];
	[tilespmem:v50+s31+$0x0] =	vst.idx.msk $0xffff, v47  }
0x238: {  	v36 =	vbroadcast v36, $0x0;
	v47 =	vadd.s32 v30, v41;
	[tilespmem:v52+s31+$0x0] =	vst.idx.msk $0xffff, v51;
	v39 =	vld [tilespmem:s15+$0xD0]  }
0x239: {  	[tilespmem:v42+s31+$0x0] =	vst.idx.msk $0xffff, v40;
	v40 =	vld [tilespmem:s15+$0x40];
	v42 =	vadd.s32 v21, v37  }
0x23a: {  	[tilespmem:v44+s31+$0x0] =	vst.idx.msk $0xffff, v43;
	v43 =	vld [tilespmem:s15+$0x80];
	v44 =	vadd.s32 v25, v36  }
0x23b: {  	v51 =	vadd.s32 v6, v45;
	v50 =	vld [tilespmem:s15+$0xFFFFFF50];
	[tilespmem:v46+s31+$0x0] =	vst.idx.msk $0xffff, v38  }
0x23c: {  	v46 =	vadd.s32 v10, v55;
	v38 =	vld [tilespmem:s15+$0xFFFFFF90];
	[tilespmem:v49+s31+$0x0] =	vst.idx.msk $0xffff, v48  }
0x23d: {  	v49 =	vadd.s32 v14, v35;
	v48 =	vld [tilespmem:s15+$0xFFFFFFD0];
	[tilespmem:v47+s31+$0x0] =	vst.idx.msk $0xffff, v39  }
0x23e: {  	[tilespmem:v42+s31+$0x0] =	vst.idx.msk $0xffff, v40;
	v39 =	vld [tilespmem:s15+$0xE0];
	v40 =	vadd.s32 v31, v41  }
0x23f: {  	v47 =	vadd.s32 v18, v34;
	v42 =	vld [tilespmem:s15+$0x10];
	[tilespmem:v44+s31+$0x0] =	vst.idx.msk $0xffff, v43  }
0x240: {  	v44 =	vadd.s32 v22, v37;
	[tilespmem:v51+s31+$0x0] =	vst.idx.msk $0xffff, v50;
	v43 =	vld [tilespmem:s15+$0x50]  }
0x241: {  	[tilespmem:v46+s31+$0x0] =	vst.idx.msk $0xffff, v38;
	v38 =	vld [tilespmem:s15+$0x90];
	v46 =	vadd.s32 v26, v36  }
0x242: {  	v51 =	vadd.s32 v2, v33;
	v50 =	vld [tilespmem:s15+$0xFFFFFF10];
	[tilespmem:v49+s31+$0x0] =	vst.idx.msk $0xffff, v48  }
0x243: {  	v49 =	vadd.s32 v7, v45;
	v48 =	vld [tilespmem:s15+$0xFFFFFF60];
	[tilespmem:v40+s31+$0x0] =	vst.idx.msk $0xffff, v39  }
0x244: {  	[tilespmem:v47+s31+$0x0] =	vst.idx.msk $0xffff, v42;
	v39 =	vld [tilespmem:s15+$0xF0];
	v47 =	vadd.s32 v32, v41  }
0x245: {  	v56 =	vadd.s32 v11, v55;
	v52 =	vld [tilespmem:s15+$0xFFFFFFA0];
	[tilespmem:v44+s31+$0x0] =	vst.idx.msk $0xffff, v43  }
0x246: {  	v58 =	vadd.s32 v15, v35;
	v57 =	vld [tilespmem:s15+$0xFFFFFFE0];
	[tilespmem:v46+s31+$0x0] =	vst.idx.msk $0xffff, v38  }
0x247: {  	v60 =	vadd.s32 v19, v34;
	[tilespmem:v51+s31+$0x0] =	vst.idx.msk $0xffff, v50;
	v59 =	vld [tilespmem:s15+$0x20]  }
.Ltmp9:
0x248: {  	s0 =	sadd.s32 $0x1, s14;
	v41 =	vadd.s32 v23, v37;
	v38 =	vmov s14;
	[tilespmem:v49+s31+$0x0] =	vst.idx.msk $0xffff, v48;
	v40 =	vld [tilespmem:s15+$0x60];
	(pc) =	sbr.rel @p0 .LBB2_19-.Ltmp9, $4  }
0x249: {  	s1 =	sadd.s32 $0x3, s14;
	v53 =	vmov s0;
	s0 =	sadd.s32 $0x2, s14;
	v43 =	vadd.s32 v27, v36;
	v50 =	vshrl.u32 v38, $0x3;
	v42 =	vld [tilespmem:s15+$0xA0];
	[tilespmem:v47+s31+$0x0] =	vst.idx.msk $0xffff, v39  }
0x24a: {  	v54 =	vmov s0;
	s0 =	sadd.s32 $0x4, s14;
	v44 =	vmov s1;
	s1 =	sadd.s32 $0x5, s14;
	v48 =	vadd.s32 v3, v33;
	v46 =	vld [tilespmem:s15+$0xFFFFFF20];
	[tilespmem:v56+s31+$0x0] =	vst.idx.msk $0xffff, v52  }
0x24b: {  	v38 =	vmov s1;
	v51 =	vadd.s32 v8, v45;
	v47 =	vmov s0;
	s0 =	sadd.s32 $0x6, s14;
	v49 =	vld [tilespmem:s15+$0xFFFFFF70];
	[tilespmem:v58+s31+$0x0] =	vst.idx.msk $0xffff, v57  }
0x24c: {  	s1 =	sadd.s32 $0x7, s14;
	v45 =	vshll.u32 v50, v1;
	s14 =	sadd.s32 $0x8, s14;
	v39 =	vmov s0;
	v52 =	vadd.s32 v12, v55;
	v50 =	vld [tilespmem:s15+$0xFFFFFFB0];
	[tilespmem:v60+s31+$0x0] =	vst.idx.msk $0xffff, v59  }
0x24d: {  	_ =	sdelay $0x2  }
0x24e: {  	v53 =	vshrl.u32 v53, $0x3  }
0x24f: {  	v55 =	vmov s1;
	v56 =	vld [tilespmem:s15+$0xFFFFFFF0];
	v35 =	vadd.s32 v16, v35;
	[tilespmem:v41+s31+$0x0] =	vst.idx.msk $0xffff, v40;
	v57 =	vshrl.u32 v54, $0x3  }
0x250: {  	v59 =	vld [tilespmem:s15+$0x30];
	v34 =	vadd.s32 v20, v34;
	v60 =	vshrl.u32 v44, $0x3;
	v58 =	vshrl.u32 v55, $0x3;
	[tilespmem:v43+s31+$0x0] =	vst.idx.msk $0xffff, v42  }
0x251: {  	v37 =	vadd.s32 v24, v37;
	v62 =	vshrl.u32 v47, $0x3;
	v61 =	vld [tilespmem:s15+$0x70];
	v41 =	vshll.u32 v58, v1;
	[tilespmem:v48+s31+$0x0] =	vst.idx.msk $0xffff, v46  }
0x252: {  	v36 =	vadd.s32 v28, v36;
	v45 =	vbroadcast v45, $0x0;
	v63 =	vld [tilespmem:s15+$0xB0];
	v41 =	vbroadcast v41, $0x0;
	[tilespmem:v51+s31+$0x0] =	vst.idx.msk $0xffff, v49  }
0x253: {  	v33 =	vadd.s32 v4, v33;
	s14 =	sadd.s32 $0x200, s15;
	v38 =	vshrl.u32 v38, $0x3;
	v55 =	vshll.u32 v53, v1;
	v48 =	vld [tilespmem:s15+$0xFFFFFF30];
	[tilespmem:v52+s31+$0x0] =	vst.idx.msk $0xffff, v50  }
0x254: {  	v40 =	vshll.u32 v57, v1;
	v47 =	vbroadcast v55, $0x0;
	v49 =	vld [tilespmem:s14+$0xC0];
	v50 =	vadd.s32 v29, v41;
	[tilespmem:v35+s31+$0x0] =	vst.idx.msk $0xffff, v56  }
0x255: {  	v42 =	vshll.u32 v60, v1;
	v40 =	vbroadcast v40, $0x0;
	v35 =	vld [tilespmem:s14+$0xFFFFFF00];
	v56 =	vadd.s32 v0, v45;
	[tilespmem:v34+s31+$0x0] =	vst.idx.msk $0xffff, v59  }
0x256: {  	v57 =	vld [tilespmem:s14+$0xFFFFFF40];
	v44 =	vshll.u32 v62, v1;
	v42 =	vbroadcast v42, $0x0;
	v58 =	vadd.s32 v5, v47;
	[tilespmem:v37+s31+$0x0] =	vst.idx.msk $0xffff, v61  }
0x257: {  	v38 =	vshll.u32 v38, v1;
	v44 =	vbroadcast v44, $0x0;
	v60 =	vadd.s32 v9, v40;
	v59 =	vld [tilespmem:s14+$0xFFFFFF80];
	[tilespmem:v36+s31+$0x0] =	vst.idx.msk $0xffff, v63  }
0x258: {  	v38 =	vbroadcast v38, $0x0;
	v62 =	vadd.s32 v13, v42;
	v61 =	vld [tilespmem:s14+$0xFFFFFFC0];
	[tilespmem:v33+s31+$0x0] =	vst.idx.msk $0xffff, v48  }
0x259: {  	v39 =	vshrl.u32 v39, $0x3;
	v63 =	vadd.s32 v17, v44;
	v33 =	vld [tilespmem:s14+$0x0];
	[tilespmem:v50+s31+$0x0] =	vst.idx.msk $0xffff, v49  }
0x25a: {  	v39 =	vshll.u32 v39, v1;
	v34 =	vld [tilespmem:s14+$0x40];
	[tilespmem:v56+s31+$0x0] =	vst.idx.msk $0xffff, v35;
	v56 =	vadd.s32 v21, v38  }
0x25b: {  	[tilespmem:v58+s31+$0x0] =	vst.idx.msk $0xffff, v57;
	v35 =	vbroadcast v39, $0x0;
	v49 =	vadd.s32 v30, v41;
	v39 =	vld [tilespmem:s14+$0xD0]  }
0x25c: {  	[tilespmem:v60+s31+$0x0] =	vst.idx.msk $0xffff, v59;
	v59 =	vld [tilespmem:s14+$0xFFFFFF50];
	v60 =	vadd.s32 v6, v47  }
0x25d: {  	v57 =	vld [tilespmem:s14+$0x80];
	[tilespmem:v62+s31+$0x0] =	vst.idx.msk $0xffff, v61;
	v58 =	vadd.s32 v25, v35  }
0x25e: {  	v61 =	vld [tilespmem:s14+$0xFFFFFF90];
	v62 =	vadd.s32 v10, v40;
	[tilespmem:v63+s31+$0x0] =	vst.idx.msk $0xffff, v33  }
0x25f: {  	v33 =	vld [tilespmem:s14+$0xFFFFFFD0];
	v63 =	vadd.s32 v14, v42;
	[tilespmem:v56+s31+$0x0] =	vst.idx.msk $0xffff, v34  }
0x260: {  	v56 =	vadd.s32 v18, v44;
	[tilespmem:v49+s31+$0x0] =	vst.idx.msk $0xffff, v39;
	v49 =	vld [tilespmem:s14+$0x10]  }
0x261: {  	[tilespmem:v60+s31+$0x0] =	vst.idx.msk $0xffff, v59;
	v39 =	vadd.s32 v31, v41;
	v34 =	vld [tilespmem:s14+$0xE0]  }
0x262: {  	[tilespmem:v58+s31+$0x0] =	vst.idx.msk $0xffff, v57;
	v57 =	vld [tilespmem:s14+$0x50];
	v58 =	vadd.s32 v22, v38  }
0x263: {  	[tilespmem:v62+s31+$0x0] =	vst.idx.msk $0xffff, v61;
	v61 =	vld [tilespmem:s14+$0xFFFFFF10];
	v62 =	vadd.s32 v2, v45  }
0x264: {  	v60 =	vadd.s32 v26, v35;
	v59 =	vld [tilespmem:s14+$0x90];
	[tilespmem:v63+s31+$0x0] =	vst.idx.msk $0xffff, v33  }
0x265: {  	v55 =	vadd.s32 v11, v40;
	v54 =	vadd.s32 v32, v41;
	v41 =	vld [tilespmem:s14+$0xFFFFFFA0];
	[tilespmem:v56+s31+$0x0] =	vst.idx.msk $0xffff, v49  }
0x266: {  	v53 =	vadd.s32 v7, v47;
	v63 =	vld [tilespmem:s14+$0xFFFFFF60];
	[tilespmem:v39+s31+$0x0] =	vst.idx.msk $0xffff, v34  }
0x267: {  	v56 =	vld [tilespmem:s14+$0xFFFFFFE0];
	[tilespmem:v58+s31+$0x0] =	vst.idx.msk $0xffff, v57;
	v57 =	vadd.s32 v15, v42  }
0x268: {  	[tilespmem:v62+s31+$0x0] =	vst.idx.msk $0xffff, v61;
	v34 =	vld [tilespmem:s14+$0xF0]  }
0x269: {  	v58 =	vld [tilespmem:s14+$0x20];
	[tilespmem:v60+s31+$0x0] =	vst.idx.msk $0xffff, v59;
	v59 =	vadd.s32 v19, v44  }
0x26a: {  	v61 =	vadd.s32 v23, v38;
	[tilespmem:v55+s31+$0x0] =	vst.idx.msk $0xffff, v41;
	v60 =	vld [tilespmem:s14+$0x60]  }
0x26b: {  	[tilespmem:v53+s31+$0x0] =	vst.idx.msk $0xffff, v63;
	v63 =	vadd.s32 v27, v35;
	v62 =	vld [tilespmem:s14+$0xA0]  }
0x26c: {  	v47 =	vadd.s32 v8, v47;
	v55 =	vld [tilespmem:s14+$0xFFFFFF70];
	[tilespmem:v57+s31+$0x0] =	vst.idx.msk $0xffff, v56  }
0x26d: {  	v53 =	vld [tilespmem:s14+$0xFFFFFF20];
	[tilespmem:v54+s31+$0x0] =	vst.idx.msk $0xffff, v34;
	v54 =	vadd.s32 v3, v45  }
0x26e: {  	v40 =	vadd.s32 v12, v40;
	v56 =	vld [tilespmem:s14+$0xFFFFFFB0];
	[tilespmem:v59+s31+$0x0] =	vst.idx.msk $0xffff, v58  }
0x26f: {  	v42 =	vadd.s32 v16, v42;
	v57 =	vld [tilespmem:s14+$0xFFFFFFF0];
	[tilespmem:v61+s31+$0x0] =	vst.idx.msk $0xffff, v60  }
0x270: {  	v59 =	vadd.s32 v20, v44;
	v58 =	vld [tilespmem:s14+$0x30];
	[tilespmem:v63+s31+$0x0] =	vst.idx.msk $0xffff, v62  }
0x271: {  	v38 =	vadd.s32 v24, v38;
	v60 =	vld [tilespmem:s14+$0x70];
	[tilespmem:v47+s31+$0x0] =	vst.idx.msk $0xffff, v55  }
0x272: {  	v35 =	vadd.s32 v28, v35;
	v61 =	vld [tilespmem:s14+$0xB0];
	[tilespmem:v54+s31+$0x0] =	vst.idx.msk $0xffff, v53  }
0x273: {  	v63 =	vadd.s32 v4, v45;
	[tilespmem:v40+s31+$0x0] =	vst.idx.msk $0xffff, v56;
	v62 =	vld [tilespmem:s14+$0xFFFFFF30]  }
0x274: {  	[tilespmem:v42+s31+$0x0] =	vst.idx.msk $0xffff, v57  }
0x275: {  	[tilespmem:v59+s31+$0x0] =	vst.idx.msk $0xffff, v58  }
0x276: {  	[tilespmem:v38+s31+$0x0] =	vst.idx.msk $0xffff, v60  }
0x277: {  	[tilespmem:v35+s31+$0x0] =	vst.idx.msk $0xffff, v61  }
0x278: {  	s0 =	simm.s32 $0xFF00;
	s14 =	sadd.s32 s12, s9;
	[tilespmem:v63+s31+$0x0] =	vst.idx.msk $0xffff, v62  }
0x279: {  	[hbm4b:s14+s3] =	stream.linear.scatter [tilespmem:s0], [sflag:$0x8], $0x80, $0x38;
	[tilespmem:$0x12100] =	vst v63  }
0x27a: {  	s12 =	simm.s32 $0xFF88;
	s15 =	sadd.s32 $0x10, s14  }
0x27b: {  	[hbm4b:s15+s3] =	stream.linear.scatter [tilespmem:s12], [sflag:$0x8], $0x80, $0x38;
	[tilespmem:$0x12100] =	vst v63  }
0x27c: {  	s18 =	simm.s32 $0x10010;
	s1 =	simm.s32 $0x2200;
	s19 =	sadd.s32 $0x20, s14  }
0x27d: {  	[hbm4b:s19+s3] =	stream.linear.scatter [tilespmem:s18], [sflag:$0x8], $0x80, $0x38;
	[tilespmem:$0x12100] =	vst v63  }
0x27e: {  	s0 =	simm.s32 $0x102B8;
	s12 =	simm.s32 $0x10098;
	s15 =	sadd.s32 $0x30, s14  }
0x27f: {  	[hbm4b:s15+s3] =	stream.linear.scatter [tilespmem:s12], [sflag:$0x8], $0x80, $0x38;
	[tilespmem:$0x12100] =	vst v63  }
0x280: {  	s18 =	simm.s32 $0x10120;
	s19 =	sadd.s32 $0x40, s14;
	s12 =	simm.s32 $0x101A8  }
0x281: {  	[hbm4b:s19+s3] =	stream.linear.scatter [tilespmem:s18], [sflag:$0x8], $0x80, $0x38;
	[tilespmem:$0x12100] =	vst v63  }
0x282: {  	s15 =	sadd.s32 $0x50, s14;
	s18 =	simm.s32 $0x10230;
	s19 =	sadd.s32 $0x60, s14  }
0x283: {  	[hbm4b:s15+s3] =	stream.linear.scatter [tilespmem:s12], [sflag:$0x8], $0x80, $0x38;
	[tilespmem:$0x12100] =	vst v63  }
0x284: {  	s12 =	simm.s32 $0x440;
	s15 =	sadd.s32 $0x70, s14;
	s14 =	sadd.s32 $0x1000, s14  }
0x285: {  	[hbm4b:s19+s3] =	stream.linear.scatter [tilespmem:s18], [sflag:$0x8], $0x80, $0x38;
	[tilespmem:$0x12100] =	vst v63  }
.LBB2_21:
0x286: {  	[hbm4b:s15+s3] =	stream.linear.scatter [tilespmem:s0], [sflag:$0x8], $0x80, $0x38;
	[tilespmem:$0x12100] =	vst v63  }
0x287: {  	s0 =	smov.u32 s12;
	s12 =	smov.u32 s1  }
0x288: {  	s18 =	sadd.s32 $0x1100, s1;
	s12 =	sshra.s32 s12, $0x2;
	s15 =	sadd.s32 $0xFF00, s0  }
0x289: {  	[hbm4b:s14+s3] =	stream.linear.scatter [tilespmem:s15], [sflag:$0x8], $0x80, $0x38;
	[tilespmem:$0x12100] =	vst v63  }
0x28a: {  	p0 =	sne.s32 s1, $0x7700;
	s1 =	sadd.s32 $0xFF88, s0;
	s15 =	sadd.s32 $0x10, s14  }
0x28b: {  	[hbm4b:s15+s3] =	stream.linear.scatter [tilespmem:s1], [sflag:$0x8], $0x80, $0x38;
	[tilespmem:$0x12100] =	vst v63  }
0x28c: {  	s1 =	sadd.s32 $0x10010, s0;
	s15 =	sadd.s32 $0x20, s14  }
0x28d: {  	[hbm4b:s15+s3] =	stream.linear.scatter [tilespmem:s1], [sflag:$0x8], $0x80, $0x38;
	[tilespmem:$0x12100] =	vst v63  }
0x28e: {  	s1 =	sadd.s32 $0x10098, s0;
	s15 =	sadd.s32 $0x30, s14  }
0x28f: {  	[hbm4b:s15+s3] =	stream.linear.scatter [tilespmem:s1], [sflag:$0x8], $0x80, $0x38;
	[tilespmem:$0x12100] =	vst v63  }
0x290: {  	s1 =	sadd.s32 $0x10120, s0;
	s15 =	sadd.s32 $0x40, s14  }
0x291: {  	[hbm4b:s15+s3] =	stream.linear.scatter [tilespmem:s1], [sflag:$0x8], $0x80, $0x38;
	[tilespmem:$0x12100] =	vst v63  }
.Ltmp10:
0x292: {  	s1 =	sadd.s32 $0x101A8, s0;
	s15 =	sadd.s32 $0x50, s14;
	(pc) =	sbr.rel @p0 .LBB2_21-.Ltmp10, $4  }
0x293: {  	[hbm4b:s15+s3] =	stream.linear.scatter [tilespmem:s1], [sflag:$0x8], $0x80, $0x38;
	[tilespmem:$0x12100] =	vst v63  }
0x294: {  	s1 =	sadd.s32 $0x10230, s0;
	s15 =	sadd.s32 $0x60, s14;
	s0 =	sadd.s32 $0x102B8, s0  }
0x295: {  	[hbm4b:s15+s3] =	stream.linear.scatter [tilespmem:s1], [sflag:$0x8], $0x80, $0x38;
	[tilespmem:$0x12100] =	vst v63  }
0x296: {  	s15 =	sadd.s32 $0x70, s14;
	s14 =	sadd.s32 $0x1000, s14;
	s1 =	smov.u32 s18  }
0x297: {  	[hbm4b:s15+s3] =	stream.linear.scatter [tilespmem:s0], [sflag:$0x8], $0x80, $0x38;
	[tilespmem:$0x12100] =	vst v63  }
0x298: {  	s18 =	sadd.s32 $0xFF00, s12  }
0x299: {  	[hbm4b:s14+s3] =	stream.linear.scatter [tilespmem:s18], [sflag:$0x8], $0x80, $0x38;
	[tilespmem:$0x12100] =	vst v63  }
0x29a: {  	s19 =	sadd.s32 $0xFF88, s12;
	s1 =	sadd.s32 $0x10, s14  }
0x29b: {  	[hbm4b:s1+s3] =	stream.linear.scatter [tilespmem:s19], [sflag:$0x8], $0x80, $0x38;
	[tilespmem:$0x12100] =	vst v63  }
0x29c: {  	s15 =	sadd.s32 $0x20, s14;
	s1 =	sadd.s32 $0x10010, s12  }
0x29d: {  	[hbm4b:s15+s3] =	stream.linear.scatter [tilespmem:s1], [sflag:$0x8], $0x80, $0x38;
	[tilespmem:$0x12100] =	vst v63  }
0x29e: {  	s18 =	sadd.s32 $0x10098, s12;
	s19 =	sadd.s32 $0x30, s14  }
0x29f: {  	[hbm4b:s19+s3] =	stream.linear.scatter [tilespmem:s18], [sflag:$0x8], $0x80, $0x38;
	[tilespmem:$0x12100] =	vst v63  }
0x2a0: {  	s1 =	sadd.s32 $0x10120, s12;
	s15 =	sadd.s32 $0x40, s14  }
0x2a1: {  	[hbm4b:s15+s3] =	stream.linear.scatter [tilespmem:s1], [sflag:$0x8], $0x80, $0x38;
	[tilespmem:$0x12100] =	vst v63  }
0x2a2: {  	p0 =	seq.s32 s20, $0xB;
	s18 =	sadd.s32 $0x101A8, s12;
	s19 =	sadd.s32 $0x50, s14  }
0x2a3: {  	[hbm4b:s19+s3] =	stream.linear.scatter [tilespmem:s18], [sflag:$0x8], $0x80, $0x38;
	[tilespmem:$0x12100] =	vst v63  }
.Ltmp11:
0x2a4: {  	_ = 	snop;
	(pc) =	sbr.rel @p0 .LBB2_24-.Ltmp11, $4  }
0x2a5: {  	s1 =	sadd.s32 $0x10230, s12;
	s15 =	sadd.s32 $0x60, s14  }
0x2a6: {  	[hbm4b:s15+s3] =	stream.linear.scatter [tilespmem:s1], [sflag:$0x8], $0x80, $0x38;
	[tilespmem:$0x12100] =	vst v63  }
0x2a7: {  	s18 =	sadd.s32 $0x102B8, s12;
	s19 =	sadd.s32 $0x70, s14  }
0x2a8: {  	[hbm4b:s19+s3] =	stream.linear.scatter [tilespmem:s18], [sflag:$0x8], $0x80, $0x38;
	[tilespmem:$0x12100] =	vst v63  }
.Ltmp12:
0x2a9: {  	(pc) =	sbr.rel .LBB2_2-.Ltmp12, $3  }
0x2aa: {  	_ =	sdelay $0x1  }
0x2ab: {  	s0 =	sadd.s32 $0x380, s6;
	s20 =	sadd.s32 $0x1, s20  }
0x2ac: {  	[tilespmem:s21], [sflag:$0x4] =	stream.indirect.gather [hbm4b:s4+s13], $0x40, s0, s13, $0xb8;
	[tilespmem:$0x12100] =	vst v63  }
.LBB2_24:
0x2ad: {  	s0 =	simm.s32 $0x0;
	s12 =	simm.s32 $0x1;
	s1 =	simm.s32 $0x2  }
0x2ae: {  	s14 =	simm.s32 $0x3;
	s15 =	simm.s32 $0x4;
	s6 =	simm.s32 $0x7;
	v33 =	vmov s0;
	v34 =	vmov s12;
	v35 =	vmov s1  }
0x2af: {  	_ =	swait.ge [sflag:s22], $0x2000;
	s18 =	simm.s32 $0x5;
	s19 =	simm.s32 $0x6;
	v36 =	vmov s14;
	v37 =	vmov s15;
	v38 =	vmov s6  }
0x2b0: {  	[sflag:s22] =	ssyncset.done $0x0;
	v39 =	vmov s18;
	v40 =	vmov s19;
	v33 =	vshrl.u32 v33, $0x3  }
0x2b1: {  	s18 =	simm.s32 $0x5;
	[sflag:s22] =	ssyncadd.s32 $0xFFFFE000;
	v38 =	vshrl.u32 v38, $0x3;
	v34 =	vshrl.u32 v34, $0x3;
	v35 =	vshrl.u32 v35, $0x3  }
0x2b2: {  	v36 =	vshrl.u32 v36, $0x3;
	v37 =	vshrl.u32 v37, $0x3;
	_ =	swait.ge [sflag:s18], $0x2000;
	v38 =	vshll.u32 v38, v1  }
0x2b3: {  	v55 =	vshrl.u32 v39, $0x3;
	v33 =	vshll.u32 v33, v1;
	[sflag:s18] =	ssyncset.done $0x0;
	v38 =	vbroadcast v38, $0x0  }
0x2b4: {  	s6 =	simm.s32 $0x1A00;
	v40 =	vshrl.u32 v40, $0x3;
	v34 =	vshll.u32 v34, v1;
	v33 =	vbroadcast v33, $0x0;
	[sflag:s18] =	ssyncadd.s32 $0xFFFFE000  }
0x2b5: {  	v52 =	vshll.u32 v35, v1;
	v45 =	vbroadcast v34, $0x0;
	v41 =	vld [tilespmem:s6+$0xC0];
	v42 =	vadd.s32 v29, v38  }
0x2b6: {  	v53 =	vshll.u32 v36, v1;
	v52 =	vbroadcast v52, $0x0;
	v43 =	vld [tilespmem:s6+$0xFFFFFF00];
	v44 =	vadd.s32 v0, v33  }
0x2b7: {  	v54 =	vshll.u32 v37, v1;
	v35 =	vbroadcast v53, $0x0;
	v46 =	vld [tilespmem:s6+$0xFFFFFF40];
	v47 =	vadd.s32 v5, v45  }
0x2b8: {  	v36 =	vshll.u32 v55, v1;
	v34 =	vbroadcast v54, $0x0;
	v48 =	vld [tilespmem:s6+$0xFFFFFF80];
	v49 =	vadd.s32 v9, v52  }
0x2b9: {  	v56 =	vshll.u32 v40, v1;
	v37 =	vbroadcast v36, $0x0;
	v39 =	vld [tilespmem:s6+$0xFFFFFFC0];
	v50 =	vadd.s32 v13, v35  }
0x2ba: {  	v36 =	vbroadcast v56, $0x0;
	v51 =	vld [tilespmem:s6+$0x0];
	v53 =	vadd.s32 v17, v34;
	[tilespmem:v42+s23+$0x0] =	vst.idx.msk $0xffff, v41  }
0x2bb: {  	v59 =	vld [tilespmem:s6+$0x40];
	v60 =	vadd.s32 v21, v37;
	[tilespmem:v44+s23+$0x0] =	vst.idx.msk $0xffff, v43  }
0x2bc: {  	v61 =	vld [tilespmem:s6+$0x80];
	v62 =	vadd.s32 v25, v36;
	[tilespmem:v47+s23+$0x0] =	vst.idx.msk $0xffff, v46  }
0x2bd: {  	v58 =	vadd.s32 v30, v38;
	[tilespmem:v49+s23+$0x0] =	vst.idx.msk $0xffff, v48;
	v57 =	vld [tilespmem:s6+$0xD0]  }
0x2be: {  	v63 =	vadd.s32 v6, v45;
	[tilespmem:v50+s23+$0x0] =	vst.idx.msk $0xffff, v39;
	v47 =	vld [tilespmem:s6+$0xFFFFFF50]  }
0x2bf: {  	v55 =	vadd.s32 v10, v52;
	[tilespmem:v53+s23+$0x0] =	vst.idx.msk $0xffff, v51;
	v54 =	vld [tilespmem:s6+$0xFFFFFF90]  }
0x2c0: {  	v56 =	vadd.s32 v14, v35;
	[tilespmem:v60+s23+$0x0] =	vst.idx.msk $0xffff, v59;
	v50 =	vld [tilespmem:s6+$0xFFFFFFD0]  }
0x2c1: {  	[tilespmem:v62+s23+$0x0] =	vst.idx.msk $0xffff, v61;
	v46 =	vadd.s32 v22, v37;
	v44 =	vld [tilespmem:s6+$0x50]  }
0x2c2: {  	v59 =	vadd.s32 v18, v34;
	[tilespmem:v58+s23+$0x0] =	vst.idx.msk $0xffff, v57;
	v58 =	vld [tilespmem:s6+$0x10]  }
0x2c3: {  	v57 =	vadd.s32 v31, v38;
	[tilespmem:v63+s23+$0x0] =	vst.idx.msk $0xffff, v47;
	v40 =	vld [tilespmem:s6+$0xE0]  }
0x2c4: {  	v60 =	vadd.s32 v26, v36;
	[tilespmem:v55+s23+$0x0] =	vst.idx.msk $0xffff, v54;
	v63 =	vld [tilespmem:s6+$0x90]  }
0x2c5: {  	v62 =	vadd.s32 v2, v33;
	v61 =	vld [tilespmem:s6+$0xFFFFFF10];
	[tilespmem:v56+s23+$0x0] =	vst.idx.msk $0xffff, v50  }
0x2c6: {  	v51 =	vadd.s32 v7, v45;
	[tilespmem:v46+s23+$0x0] =	vst.idx.msk $0xffff, v44;
	v50 =	vld [tilespmem:s6+$0xFFFFFF60]  }
0x2c7: {  	v56 =	vadd.s32 v11, v52;
	v55 =	vld [tilespmem:s6+$0xFFFFFFA0];
	[tilespmem:v59+s23+$0x0] =	vst.idx.msk $0xffff, v58  }
0x2c8: {  	v58 =	vadd.s32 v15, v35;
	[tilespmem:v57+s23+$0x0] =	vst.idx.msk $0xffff, v40;
	v57 =	vld [tilespmem:s6+$0xFFFFFFE0]  }
0x2c9: {  	[tilespmem:v60+s23+$0x0] =	vst.idx.msk $0xffff, v63;
	v60 =	vadd.s32 v19, v34;
	v59 =	vld [tilespmem:s6+$0x20]  }
0x2ca: {  	s1 =	simm.s32 $0x9;
	v38 =	vadd.s32 v32, v38;
	[tilespmem:v62+s23+$0x0] =	vst.idx.msk $0xffff, v61;
	v54 =	vld [tilespmem:s6+$0xF0]  }
0x2cb: {  	s20 =	simm.s32 $0x8;
	v41 =	vadd.s32 v23, v37;
	v53 =	vmov s1;
	[tilespmem:v51+s23+$0x0] =	vst.idx.msk $0xffff, v50;
	v40 =	vld [tilespmem:s6+$0x60]  }
0x2cc: {  	s14 =	simm.s32 $0xB;
	s15 =	simm.s32 $0xC;
	v43 =	vadd.s32 v27, v36;
	v48 =	vadd.s32 v3, v33;
	v63 =	vmov s20;
	v42 =	vld [tilespmem:s6+$0xA0];
	[tilespmem:v56+s23+$0x0] =	vst.idx.msk $0xffff, v55  }
0x2cd: {  	v44 =	vmov s14;
	v47 =	vmov s15;
	v46 =	vld [tilespmem:s6+$0xFFFFFF20];
	s20 =	simm.s32 $0xE;
	v39 =	vshrl.u32 v63, $0x3;
	[tilespmem:v58+s23+$0x0] =	vst.idx.msk $0xffff, v57  }
0x2ce: {  	s12 =	simm.s32 $0xA;
	s19 =	simm.s32 $0xD;
	v51 =	vadd.s32 v8, v45;
	v49 =	vld [tilespmem:s6+$0xFFFFFF70];
	v45 =	vshll.u32 v39, v1;
	v39 =	vmov s20;
	[tilespmem:v60+s23+$0x0] =	vst.idx.msk $0xffff, v59  }
0x2cf: {  	s1 =	simm.s32 $0xF;
	v52 =	vadd.s32 v12, v52;
	v50 =	vld [tilespmem:s6+$0xFFFFFFB0];
	[tilespmem:v38+s23+$0x0] =	vst.idx.msk $0xffff, v54;
	v54 =	vmov s12;
	v38 =	vmov s19;
	s12 =	simm.s32 $0x10  }
.LBB2_25:
0x2d0: {  	p0 =	slt.u32 s12, $0x78;
	v53 =	vshrl.u32 v53, $0x3;
	v55 =	vmov s1;
	v56 =	vld [tilespmem:s6+$0xFFFFFFF0];
	v35 =	vadd.s32 v16, v35;
	[tilespmem:v41+s23+$0x0] =	vst.idx.msk $0xffff, v40  }
0x2d1: {  	v40 =	vshrl.u32 v54, $0x3;
	v34 =	vadd.s32 v20, v34;
	v41 =	vshrl.u32 v55, $0x3;
	v54 =	vld [tilespmem:s6+$0x30];
	[tilespmem:v43+s23+$0x0] =	vst.idx.msk $0xffff, v42  }
0x2d2: {  	v37 =	vadd.s32 v24, v37;
	v42 =	vshrl.u32 v44, $0x3;
	v41 =	vshll.u32 v41, v1;
	[tilespmem:v48+s23+$0x0] =	vst.idx.msk $0xffff, v46;
	v43 =	vld [tilespmem:s6+$0x70]  }
0x2d3: {  	v36 =	vadd.s32 v28, v36;
	v44 =	vshrl.u32 v47, $0x3;
	v41 =	vbroadcast v41, $0x0;
	[tilespmem:v51+s23+$0x0] =	vst.idx.msk $0xffff, v49;
	v46 =	vld [tilespmem:s6+$0xB0]  }
0x2d4: {  	v47 =	vshll.u32 v53, v1;
	v49 =	vadd.s32 v4, v33;
	v33 =	vbroadcast v45, $0x0;
	v48 =	vld [tilespmem:s6+$0xFFFFFF30];
	[tilespmem:v52+s23+$0x0] =	vst.idx.msk $0xffff, v50;
	s6 =	sadd.s32 $0x200, s6  }
0x2d5: {  	v40 =	vshll.u32 v40, v1;
	v45 =	vbroadcast v47, $0x0;
	v47 =	vld [tilespmem:s6+$0xC0];
	v50 =	vadd.s32 v29, v41;
	[tilespmem:v35+s23+$0x0] =	vst.idx.msk $0xffff, v56  }
0x2d6: {  	v55 =	vbroadcast v40, $0x0;
	v52 =	vadd.s32 v0, v33;
	v35 =	vshll.u32 v42, v1;
	v51 =	vld [tilespmem:s6+$0xFFFFFF00];
	[tilespmem:v34+s23+$0x0] =	vst.idx.msk $0xffff, v54  }
0x2d7: {  	v42 =	vadd.s32 v5, v45;
	v35 =	vbroadcast v35, $0x0;
	v34 =	vshll.u32 v44, v1;
	v40 =	vld [tilespmem:s6+$0xFFFFFF40];
	[tilespmem:v37+s23+$0x0] =	vst.idx.msk $0xffff, v43  }
0x2d8: {  	v44 =	vadd.s32 v9, v55;
	v34 =	vbroadcast v34, $0x0;
	v37 =	vshrl.u32 v38, $0x3;
	v43 =	vld [tilespmem:s6+$0xFFFFFF80];
	[tilespmem:v36+s23+$0x0] =	vst.idx.msk $0xffff, v46  }
0x2d9: {  	v39 =	vshrl.u32 v39, $0x3;
	v46 =	vadd.s32 v13, v35;
	v36 =	vshll.u32 v37, v1;
	v38 =	vld [tilespmem:s6+$0xFFFFFFC0];
	[tilespmem:v49+s23+$0x0] =	vst.idx.msk $0xffff, v48  }
0x2da: {  	v49 =	vadd.s32 v17, v34;
	v37 =	vbroadcast v36, $0x0;
	v36 =	vshll.u32 v39, v1;
	v48 =	vld [tilespmem:s6+$0x0];
	[tilespmem:v50+s23+$0x0] =	vst.idx.msk $0xffff, v47  }
0x2db: {  	v36 =	vbroadcast v36, $0x0;
	v47 =	vadd.s32 v30, v41;
	[tilespmem:v52+s23+$0x0] =	vst.idx.msk $0xffff, v51;
	v39 =	vld [tilespmem:s6+$0xD0]  }
0x2dc: {  	[tilespmem:v42+s23+$0x0] =	vst.idx.msk $0xffff, v40;
	v40 =	vld [tilespmem:s6+$0x40];
	v42 =	vadd.s32 v21, v37  }
0x2dd: {  	[tilespmem:v44+s23+$0x0] =	vst.idx.msk $0xffff, v43;
	v43 =	vld [tilespmem:s6+$0x80];
	v44 =	vadd.s32 v25, v36  }
0x2de: {  	v51 =	vadd.s32 v6, v45;
	v50 =	vld [tilespmem:s6+$0xFFFFFF50];
	[tilespmem:v46+s23+$0x0] =	vst.idx.msk $0xffff, v38  }
0x2df: {  	v46 =	vadd.s32 v10, v55;
	v38 =	vld [tilespmem:s6+$0xFFFFFF90];
	[tilespmem:v49+s23+$0x0] =	vst.idx.msk $0xffff, v48  }
0x2e0: {  	v49 =	vadd.s32 v14, v35;
	v48 =	vld [tilespmem:s6+$0xFFFFFFD0];
	[tilespmem:v47+s23+$0x0] =	vst.idx.msk $0xffff, v39  }
0x2e1: {  	[tilespmem:v42+s23+$0x0] =	vst.idx.msk $0xffff, v40;
	v39 =	vld [tilespmem:s6+$0xE0];
	v40 =	vadd.s32 v31, v41  }
0x2e2: {  	v47 =	vadd.s32 v18, v34;
	v42 =	vld [tilespmem:s6+$0x10];
	[tilespmem:v44+s23+$0x0] =	vst.idx.msk $0xffff, v43  }
0x2e3: {  	v44 =	vadd.s32 v22, v37;
	[tilespmem:v51+s23+$0x0] =	vst.idx.msk $0xffff, v50;
	v43 =	vld [tilespmem:s6+$0x50]  }
0x2e4: {  	[tilespmem:v46+s23+$0x0] =	vst.idx.msk $0xffff, v38;
	v38 =	vld [tilespmem:s6+$0x90];
	v46 =	vadd.s32 v26, v36  }
0x2e5: {  	v51 =	vadd.s32 v2, v33;
	v50 =	vld [tilespmem:s6+$0xFFFFFF10];
	[tilespmem:v49+s23+$0x0] =	vst.idx.msk $0xffff, v48  }
0x2e6: {  	v49 =	vadd.s32 v7, v45;
	v48 =	vld [tilespmem:s6+$0xFFFFFF60];
	[tilespmem:v40+s23+$0x0] =	vst.idx.msk $0xffff, v39  }
0x2e7: {  	[tilespmem:v47+s23+$0x0] =	vst.idx.msk $0xffff, v42;
	v39 =	vld [tilespmem:s6+$0xF0];
	v47 =	vadd.s32 v32, v41  }
0x2e8: {  	v56 =	vadd.s32 v11, v55;
	v52 =	vld [tilespmem:s6+$0xFFFFFFA0];
	[tilespmem:v44+s23+$0x0] =	vst.idx.msk $0xffff, v43  }
0x2e9: {  	v58 =	vadd.s32 v15, v35;
	v57 =	vld [tilespmem:s6+$0xFFFFFFE0];
	[tilespmem:v46+s23+$0x0] =	vst.idx.msk $0xffff, v38  }
0x2ea: {  	v60 =	vadd.s32 v19, v34;
	[tilespmem:v51+s23+$0x0] =	vst.idx.msk $0xffff, v50;
	v59 =	vld [tilespmem:s6+$0x20]  }
.Ltmp13:
0x2eb: {  	s0 =	sadd.s32 $0x1, s12;
	v41 =	vadd.s32 v23, v37;
	v38 =	vmov s12;
	[tilespmem:v49+s23+$0x0] =	vst.idx.msk $0xffff, v48;
	v40 =	vld [tilespmem:s6+$0x60];
	(pc) =	sbr.rel @p0 .LBB2_25-.Ltmp13, $4  }
0x2ec: {  	s1 =	sadd.s32 $0x3, s12;
	v53 =	vmov s0;
	s0 =	sadd.s32 $0x2, s12;
	v43 =	vadd.s32 v27, v36;
	v50 =	vshrl.u32 v38, $0x3;
	v42 =	vld [tilespmem:s6+$0xA0];
	[tilespmem:v47+s23+$0x0] =	vst.idx.msk $0xffff, v39  }
0x2ed: {  	v54 =	vmov s0;
	s0 =	sadd.s32 $0x4, s12;
	v44 =	vmov s1;
	s1 =	sadd.s32 $0x5, s12;
	v48 =	vadd.s32 v3, v33;
	v46 =	vld [tilespmem:s6+$0xFFFFFF20];
	[tilespmem:v56+s23+$0x0] =	vst.idx.msk $0xffff, v52  }
0x2ee: {  	v38 =	vmov s1;
	v51 =	vadd.s32 v8, v45;
	v47 =	vmov s0;
	s0 =	sadd.s32 $0x6, s12;
	v49 =	vld [tilespmem:s6+$0xFFFFFF70];
	[tilespmem:v58+s23+$0x0] =	vst.idx.msk $0xffff, v57  }
0x2ef: {  	s1 =	sadd.s32 $0x7, s12;
	v45 =	vshll.u32 v50, v1;
	s12 =	sadd.s32 $0x8, s12;
	v39 =	vmov s0;
	v52 =	vadd.s32 v12, v55;
	v50 =	vld [tilespmem:s6+$0xFFFFFFB0];
	[tilespmem:v60+s23+$0x0] =	vst.idx.msk $0xffff, v59  }
0x2f0: {  	_ =	sdelay $0x2  }
0x2f1: {  	v53 =	vshrl.u32 v53, $0x3  }
0x2f2: {  	v55 =	vmov s1;
	v56 =	vld [tilespmem:s6+$0xFFFFFFF0];
	v35 =	vadd.s32 v16, v35;
	[tilespmem:v41+s23+$0x0] =	vst.idx.msk $0xffff, v40;
	v57 =	vshrl.u32 v54, $0x3  }
0x2f3: {  	v59 =	vld [tilespmem:s6+$0x30];
	v34 =	vadd.s32 v20, v34;
	v60 =	vshrl.u32 v44, $0x3;
	v58 =	vshrl.u32 v55, $0x3;
	[tilespmem:v43+s23+$0x0] =	vst.idx.msk $0xffff, v42  }
0x2f4: {  	v37 =	vadd.s32 v24, v37;
	v62 =	vshrl.u32 v47, $0x3;
	v61 =	vld [tilespmem:s6+$0x70];
	v41 =	vshll.u32 v58, v1;
	[tilespmem:v48+s23+$0x0] =	vst.idx.msk $0xffff, v46  }
0x2f5: {  	v36 =	vadd.s32 v28, v36;
	v45 =	vbroadcast v45, $0x0;
	v63 =	vld [tilespmem:s6+$0xB0];
	v41 =	vbroadcast v41, $0x0;
	[tilespmem:v51+s23+$0x0] =	vst.idx.msk $0xffff, v49  }
0x2f6: {  	v33 =	vadd.s32 v4, v33;
	s1 =	sadd.s32 $0x200, s6;
	v38 =	vshrl.u32 v38, $0x3;
	v55 =	vshll.u32 v53, v1;
	v48 =	vld [tilespmem:s6+$0xFFFFFF30];
	[tilespmem:v52+s23+$0x0] =	vst.idx.msk $0xffff, v50  }
0x2f7: {  	v40 =	vshll.u32 v57, v1;
	v47 =	vbroadcast v55, $0x0;
	v49 =	vld [tilespmem:s1+$0xC0];
	v50 =	vadd.s32 v29, v41;
	[tilespmem:v35+s23+$0x0] =	vst.idx.msk $0xffff, v56  }
0x2f8: {  	v42 =	vshll.u32 v60, v1;
	v40 =	vbroadcast v40, $0x0;
	v35 =	vld [tilespmem:s1+$0xFFFFFF00];
	v56 =	vadd.s32 v0, v45;
	[tilespmem:v34+s23+$0x0] =	vst.idx.msk $0xffff, v59  }
0x2f9: {  	v57 =	vld [tilespmem:s1+$0xFFFFFF40];
	v44 =	vshll.u32 v62, v1;
	v42 =	vbroadcast v42, $0x0;
	v58 =	vadd.s32 v5, v47;
	[tilespmem:v37+s23+$0x0] =	vst.idx.msk $0xffff, v61  }
0x2fa: {  	v38 =	vshll.u32 v38, v1;
	v44 =	vbroadcast v44, $0x0;
	v60 =	vadd.s32 v9, v40;
	v59 =	vld [tilespmem:s1+$0xFFFFFF80];
	[tilespmem:v36+s23+$0x0] =	vst.idx.msk $0xffff, v63  }
0x2fb: {  	v38 =	vbroadcast v38, $0x0;
	v62 =	vadd.s32 v13, v42;
	v61 =	vld [tilespmem:s1+$0xFFFFFFC0];
	[tilespmem:v33+s23+$0x0] =	vst.idx.msk $0xffff, v48  }
0x2fc: {  	v39 =	vshrl.u32 v39, $0x3;
	v63 =	vadd.s32 v17, v44;
	v33 =	vld [tilespmem:s1+$0x0];
	[tilespmem:v50+s23+$0x0] =	vst.idx.msk $0xffff, v49  }
0x2fd: {  	v39 =	vshll.u32 v39, v1;
	v34 =	vld [tilespmem:s1+$0x40];
	[tilespmem:v56+s23+$0x0] =	vst.idx.msk $0xffff, v35;
	v56 =	vadd.s32 v21, v38  }
0x2fe: {  	[tilespmem:v58+s23+$0x0] =	vst.idx.msk $0xffff, v57;
	v35 =	vbroadcast v39, $0x0;
	v49 =	vadd.s32 v30, v41;
	v39 =	vld [tilespmem:s1+$0xD0]  }
0x2ff: {  	[tilespmem:v60+s23+$0x0] =	vst.idx.msk $0xffff, v59;
	v59 =	vld [tilespmem:s1+$0xFFFFFF50];
	v60 =	vadd.s32 v6, v47  }
0x300: {  	v57 =	vld [tilespmem:s1+$0x80];
	[tilespmem:v62+s23+$0x0] =	vst.idx.msk $0xffff, v61;
	v58 =	vadd.s32 v25, v35  }
0x301: {  	v61 =	vld [tilespmem:s1+$0xFFFFFF90];
	v62 =	vadd.s32 v10, v40;
	[tilespmem:v63+s23+$0x0] =	vst.idx.msk $0xffff, v33  }
0x302: {  	v33 =	vld [tilespmem:s1+$0xFFFFFFD0];
	v63 =	vadd.s32 v14, v42;
	[tilespmem:v56+s23+$0x0] =	vst.idx.msk $0xffff, v34  }
0x303: {  	v56 =	vadd.s32 v18, v44;
	[tilespmem:v49+s23+$0x0] =	vst.idx.msk $0xffff, v39;
	v49 =	vld [tilespmem:s1+$0x10]  }
0x304: {  	[tilespmem:v60+s23+$0x0] =	vst.idx.msk $0xffff, v59;
	v39 =	vadd.s32 v31, v41;
	v34 =	vld [tilespmem:s1+$0xE0]  }
0x305: {  	[tilespmem:v58+s23+$0x0] =	vst.idx.msk $0xffff, v57;
	v57 =	vld [tilespmem:s1+$0x50];
	v58 =	vadd.s32 v22, v38  }
0x306: {  	[tilespmem:v62+s23+$0x0] =	vst.idx.msk $0xffff, v61;
	v61 =	vld [tilespmem:s1+$0xFFFFFF10];
	v62 =	vadd.s32 v2, v45  }
0x307: {  	v60 =	vadd.s32 v26, v35;
	v59 =	vld [tilespmem:s1+$0x90];
	[tilespmem:v63+s23+$0x0] =	vst.idx.msk $0xffff, v33  }
0x308: {  	v55 =	vadd.s32 v11, v40;
	v54 =	vadd.s32 v32, v41;
	v41 =	vld [tilespmem:s1+$0xFFFFFFA0];
	[tilespmem:v56+s23+$0x0] =	vst.idx.msk $0xffff, v49  }
0x309: {  	v53 =	vadd.s32 v7, v47;
	v63 =	vld [tilespmem:s1+$0xFFFFFF60];
	[tilespmem:v39+s23+$0x0] =	vst.idx.msk $0xffff, v34  }
0x30a: {  	v56 =	vld [tilespmem:s1+$0xFFFFFFE0];
	[tilespmem:v58+s23+$0x0] =	vst.idx.msk $0xffff, v57;
	v57 =	vadd.s32 v15, v42  }
0x30b: {  	[tilespmem:v62+s23+$0x0] =	vst.idx.msk $0xffff, v61;
	v34 =	vld [tilespmem:s1+$0xF0]  }
0x30c: {  	v58 =	vld [tilespmem:s1+$0x20];
	[tilespmem:v60+s23+$0x0] =	vst.idx.msk $0xffff, v59;
	v59 =	vadd.s32 v19, v44  }
0x30d: {  	v61 =	vadd.s32 v23, v38;
	[tilespmem:v55+s23+$0x0] =	vst.idx.msk $0xffff, v41;
	v60 =	vld [tilespmem:s1+$0x60]  }
0x30e: {  	[tilespmem:v53+s23+$0x0] =	vst.idx.msk $0xffff, v63;
	v63 =	vadd.s32 v27, v35;
	v62 =	vld [tilespmem:s1+$0xA0]  }
0x30f: {  	v47 =	vadd.s32 v8, v47;
	v55 =	vld [tilespmem:s1+$0xFFFFFF70];
	[tilespmem:v57+s23+$0x0] =	vst.idx.msk $0xffff, v56  }
0x310: {  	v53 =	vld [tilespmem:s1+$0xFFFFFF20];
	[tilespmem:v54+s23+$0x0] =	vst.idx.msk $0xffff, v34;
	v54 =	vadd.s32 v3, v45  }
0x311: {  	v40 =	vadd.s32 v12, v40;
	v56 =	vld [tilespmem:s1+$0xFFFFFFB0];
	[tilespmem:v59+s23+$0x0] =	vst.idx.msk $0xffff, v58  }
0x312: {  	v42 =	vadd.s32 v16, v42;
	v57 =	vld [tilespmem:s1+$0xFFFFFFF0];
	[tilespmem:v61+s23+$0x0] =	vst.idx.msk $0xffff, v60  }
0x313: {  	v59 =	vadd.s32 v20, v44;
	v58 =	vld [tilespmem:s1+$0x30];
	[tilespmem:v63+s23+$0x0] =	vst.idx.msk $0xffff, v62  }
0x314: {  	v38 =	vadd.s32 v24, v38;
	v60 =	vld [tilespmem:s1+$0x70];
	[tilespmem:v47+s23+$0x0] =	vst.idx.msk $0xffff, v55  }
0x315: {  	v35 =	vadd.s32 v28, v35;
	v61 =	vld [tilespmem:s1+$0xB0];
	[tilespmem:v54+s23+$0x0] =	vst.idx.msk $0xffff, v53  }
0x316: {  	v63 =	vadd.s32 v4, v45;
	[tilespmem:v40+s23+$0x0] =	vst.idx.msk $0xffff, v56;
	v62 =	vld [tilespmem:s1+$0xFFFFFF30]  }
0x317: {  	[tilespmem:v42+s23+$0x0] =	vst.idx.msk $0xffff, v57  }
0x318: {  	[tilespmem:v59+s23+$0x0] =	vst.idx.msk $0xffff, v58  }
0x319: {  	[tilespmem:v38+s23+$0x0] =	vst.idx.msk $0xffff, v60  }
0x31a: {  	[tilespmem:v35+s23+$0x0] =	vst.idx.msk $0xffff, v61  }
0x31b: {  	s0 =	simm.s32 $0x9900;
	[tilespmem:v63+s23+$0x0] =	vst.idx.msk $0xffff, v62  }
0x31c: {  	[hbm4b:s10+s3] =	stream.linear.scatter [tilespmem:s0], [sflag:$0x5], $0x80, $0x38;
	[tilespmem:$0x12100] =	vst v63  }
0x31d: {  	s12 =	sadd.s32 $0x10, s10;
	s6 =	simm.s32 $0x9988  }
0x31e: {  	[hbm4b:s12+s3] =	stream.linear.scatter [tilespmem:s6], [sflag:$0x5], $0x80, $0x38;
	[tilespmem:$0x12100] =	vst v63  }
0x31f: {  	s14 =	simm.s32 $0x9A10;
	s15 =	sadd.s32 $0x20, s10  }
0x320: {  	[hbm4b:s15+s3] =	stream.linear.scatter [tilespmem:s14], [sflag:$0x5], $0x80, $0x38;
	[tilespmem:$0x12100] =	vst v63  }
0x321: {  	s19 =	simm.s32 $0x9A98;
	s20 =	sadd.s32 $0x30, s10  }
0x322: {  	[hbm4b:s20+s3] =	stream.linear.scatter [tilespmem:s19], [sflag:$0x5], $0x80, $0x38;
	[tilespmem:$0x12100] =	vst v63  }
0x323: {  	s1 =	simm.s32 $0x2200;
	s6 =	simm.s32 $0x9B20;
	s12 =	sadd.s32 $0x40, s10  }
0x324: {  	[hbm4b:s12+s3] =	stream.linear.scatter [tilespmem:s6], [sflag:$0x5], $0x80, $0x38;
	[tilespmem:$0x12100] =	vst v63  }
0x325: {  	s0 =	simm.s32 $0x9CB8;
	s14 =	simm.s32 $0x9BA8;
	s15 =	sadd.s32 $0x50, s10  }
0x326: {  	[hbm4b:s15+s3] =	stream.linear.scatter [tilespmem:s14], [sflag:$0x5], $0x80, $0x38;
	[tilespmem:$0x12100] =	vst v63  }
0x327: {  	s19 =	simm.s32 $0x9C30;
	s20 =	sadd.s32 $0x60, s10;
	s6 =	simm.s32 $0x440  }
0x328: {  	[hbm4b:s20+s3] =	stream.linear.scatter [tilespmem:s19], [sflag:$0x5], $0x80, $0x38;
	[tilespmem:$0x12100] =	vst v63  }
0x329: {  	s12 =	sadd.s32 $0x1000, s10;
	s14 =	sadd.s32 $0x70, s10;
	s19 =	simm.s32 $0x6  }
.LBB2_27:
0x32a: {  	[hbm4b:s14+s3] =	stream.linear.scatter [tilespmem:s0], [sflag:$0x5], $0x80, $0x38;
	[tilespmem:$0x12100] =	vst v63  }
0x32b: {  	s0 =	smov.u32 s6;
	s6 =	smov.u32 s1  }
0x32c: {  	s15 =	sadd.s32 $0x1100, s1;
	s6 =	sshra.s32 s6, $0x2;
	s14 =	sadd.s32 $0x9900, s0  }
0x32d: {  	[hbm4b:s12+s3] =	stream.linear.scatter [tilespmem:s14], [sflag:$0x5], $0x80, $0x38;
	[tilespmem:$0x12100] =	vst v63  }
0x32e: {  	p0 =	sne.s32 s1, $0x7700;
	s1 =	sadd.s32 $0x9988, s0;
	s14 =	sadd.s32 $0x10, s12  }
0x32f: {  	[hbm4b:s14+s3] =	stream.linear.scatter [tilespmem:s1], [sflag:$0x5], $0x80, $0x38;
	[tilespmem:$0x12100] =	vst v63  }
0x330: {  	s1 =	sadd.s32 $0x9A10, s0;
	s14 =	sadd.s32 $0x20, s12  }
0x331: {  	[hbm4b:s14+s3] =	stream.linear.scatter [tilespmem:s1], [sflag:$0x5], $0x80, $0x38;
	[tilespmem:$0x12100] =	vst v63  }
0x332: {  	s1 =	sadd.s32 $0x9A98, s0;
	s14 =	sadd.s32 $0x30, s12  }
0x333: {  	[hbm4b:s14+s3] =	stream.linear.scatter [tilespmem:s1], [sflag:$0x5], $0x80, $0x38;
	[tilespmem:$0x12100] =	vst v63  }
0x334: {  	s1 =	sadd.s32 $0x9B20, s0;
	s14 =	sadd.s32 $0x40, s12  }
0x335: {  	[hbm4b:s14+s3] =	stream.linear.scatter [tilespmem:s1], [sflag:$0x5], $0x80, $0x38;
	[tilespmem:$0x12100] =	vst v63  }
.Ltmp14:
0x336: {  	s1 =	sadd.s32 $0x9BA8, s0;
	s14 =	sadd.s32 $0x50, s12;
	(pc) =	sbr.rel @p0 .LBB2_27-.Ltmp14, $4  }
0x337: {  	[hbm4b:s14+s3] =	stream.linear.scatter [tilespmem:s1], [sflag:$0x5], $0x80, $0x38;
	[tilespmem:$0x12100] =	vst v63  }
0x338: {  	s1 =	sadd.s32 $0x9C30, s0;
	s14 =	sadd.s32 $0x60, s12;
	s0 =	sadd.s32 $0x9CB8, s0  }
0x339: {  	[hbm4b:s14+s3] =	stream.linear.scatter [tilespmem:s1], [sflag:$0x5], $0x80, $0x38;
	[tilespmem:$0x12100] =	vst v63  }
0x33a: {  	s14 =	sadd.s32 $0x70, s12;
	s12 =	sadd.s32 $0x1000, s12;
	s1 =	smov.u32 s15  }
0x33b: {  	[hbm4b:s14+s3] =	stream.linear.scatter [tilespmem:s0], [sflag:$0x5], $0x80, $0x38;
	[tilespmem:$0x12100] =	vst v63  }
0x33c: {  	s15 =	sadd.s32 $0x9900, s6  }
0x33d: {  	[hbm4b:s12+s3] =	stream.linear.scatter [tilespmem:s15], [sflag:$0x5], $0x80, $0x38;
	[tilespmem:$0x12100] =	vst v63  }
0x33e: {  	s20 =	sadd.s32 $0x9988, s6;
	s1 =	sadd.s32 $0x10, s12  }
0x33f: {  	[hbm4b:s1+s3] =	stream.linear.scatter [tilespmem:s20], [sflag:$0x5], $0x80, $0x38;
	[tilespmem:$0x12100] =	vst v63  }
0x340: {  	s14 =	sadd.s32 $0x20, s12;
	s1 =	sadd.s32 $0x9A10, s6  }
0x341: {  	[hbm4b:s14+s3] =	stream.linear.scatter [tilespmem:s1], [sflag:$0x5], $0x80, $0x38;
	[tilespmem:$0x12100] =	vst v63  }
0x342: {  	s15 =	sadd.s32 $0x9A98, s6;
	s20 =	sadd.s32 $0x30, s12  }
0x343: {  	[hbm4b:s20+s3] =	stream.linear.scatter [tilespmem:s15], [sflag:$0x5], $0x80, $0x38;
	[tilespmem:$0x12100] =	vst v63  }
0x344: {  	s1 =	sadd.s32 $0x9B20, s6;
	s14 =	sadd.s32 $0x40, s12;
	s15 =	sadd.s32 $0x9BA8, s6  }
0x345: {  	[hbm4b:s14+s3] =	stream.linear.scatter [tilespmem:s1], [sflag:$0x5], $0x80, $0x38;
	[tilespmem:$0x12100] =	vst v63  }
0x346: {  	s20 =	sadd.s32 $0x50, s12;
	s1 =	sadd.s32 $0x9C30, s6;
	s14 =	sadd.s32 $0x60, s12  }
0x347: {  	[hbm4b:s20+s3] =	stream.linear.scatter [tilespmem:s15], [sflag:$0x5], $0x80, $0x38;
	[tilespmem:$0x12100] =	vst v63  }
0x348: {  	s15 =	sadd.s32 $0x9CB8, s6;
	s20 =	sadd.s32 $0x70, s12;
	s12 =	simm.s32 $0x2  }
0x349: {  	[hbm4b:s14+s3] =	stream.linear.scatter [tilespmem:s1], [sflag:$0x5], $0x80, $0x38;
	[tilespmem:$0x12100] =	vst v63  }
0x34a: {  	s6 =	simm.s32 $0x1;
	v35 =	vmov s12;
	s12 =	simm.s32 $0x5;
	s1 =	simm.s32 $0x0  }
0x34b: {  	v34 =	vmov s6;
	v39 =	vmov s12;
	[hbm4b:s20+s3] =	stream.linear.scatter [tilespmem:s15], [sflag:$0x5], $0x80, $0x38;
	[tilespmem:$0x12100] =	vst v63  }
0x34c: {  	s14 =	simm.s32 $0x3;
	v34 =	vshrl.u32 v34, $0x3;
	v35 =	vshrl.u32 v35, $0x3;
	v33 =	vmov s1;
	s20 =	simm.s32 $0x7;
	_ =	swait.ge [sflag:s24], $0x2000  }
0x34d: {  	v36 =	vmov s14;
	v34 =	vshll.u32 v34, v1;
	v38 =	vmov s20;
	[sflag:s24] =	ssyncset.done $0x0  }
0x34e: {  	s14 =	simm.s32 $0x6;
	v52 =	vshll.u32 v35, v1;
	v55 =	vshrl.u32 v39, $0x3;
	v38 =	vshrl.u32 v38, $0x3;
	[sflag:s24] =	ssyncadd.s32 $0xFFFFE000  }
0x34f: {  	v33 =	vshrl.u32 v33, $0x3;
	v40 =	vmov s14;
	v38 =	vshll.u32 v38, v1;
	_ =	swait.ge [sflag:s19], $0x2000  }
0x350: {  	v45 =	vbroadcast v34, $0x0;
	v33 =	vshll.u32 v33, v1;
	v38 =	vbroadcast v38, $0x0;
	[sflag:s19] =	ssyncset.done $0x0  }
0x351: {  	s6 =	simm.s32 $0x3A00;
	s15 =	simm.s32 $0x4;
	v36 =	vshrl.u32 v36, $0x3;
	v52 =	vbroadcast v52, $0x0;
	v33 =	vbroadcast v33, $0x0;
	[sflag:s19] =	ssyncadd.s32 $0xFFFFE000  }
0x352: {  	v37 =	vmov s15;
	v53 =	vshll.u32 v36, v1;
	v42 =	vadd.s32 v29, v38;
	v41 =	vld [tilespmem:s6+$0xC0]  }
0x353: {  	v36 =	vshll.u32 v55, v1;
	v37 =	vshrl.u32 v37, $0x3;
	v44 =	vadd.s32 v0, v33;
	v43 =	vld [tilespmem:s6+$0xFFFFFF00]  }
0x354: {  	v47 =	vadd.s32 v5, v45;
	v35 =	vbroadcast v53, $0x0;
	v54 =	vshll.u32 v37, v1;
	v46 =	vld [tilespmem:s6+$0xFFFFFF40]  }
0x355: {  	v40 =	vshrl.u32 v40, $0x3;
	v49 =	vadd.s32 v9, v52;
	v34 =	vbroadcast v54, $0x0;
	v48 =	vld [tilespmem:s6+$0xFFFFFF80]  }
0x356: {  	v56 =	vshll.u32 v40, v1;
	v37 =	vbroadcast v36, $0x0;
	v50 =	vadd.s32 v13, v35;
	v39 =	vld [tilespmem:s6+$0xFFFFFFC0]  }
0x357: {  	v36 =	vbroadcast v56, $0x0;
	v53 =	vadd.s32 v17, v34;
	v51 =	vld [tilespmem:s6+$0x0];
	[tilespmem:v42+s25+$0x0] =	vst.idx.msk $0xffff, v41  }
0x358: {  	v60 =	vadd.s32 v21, v37;
	v59 =	vld [tilespmem:s6+$0x40];
	[tilespmem:v44+s25+$0x0] =	vst.idx.msk $0xffff, v43  }
0x359: {  	v62 =	vadd.s32 v25, v36;
	v61 =	vld [tilespmem:s6+$0x80];
	[tilespmem:v47+s25+$0x0] =	vst.idx.msk $0xffff, v46  }
0x35a: {  	v58 =	vadd.s32 v30, v38;
	[tilespmem:v49+s25+$0x0] =	vst.idx.msk $0xffff, v48;
	v57 =	vld [tilespmem:s6+$0xD0]  }
0x35b: {  	v63 =	vadd.s32 v6, v45;
	[tilespmem:v50+s25+$0x0] =	vst.idx.msk $0xffff, v39;
	v47 =	vld [tilespmem:s6+$0xFFFFFF50]  }
0x35c: {  	v55 =	vadd.s32 v10, v52;
	[tilespmem:v53+s25+$0x0] =	vst.idx.msk $0xffff, v51;
	v54 =	vld [tilespmem:s6+$0xFFFFFF90]  }
0x35d: {  	v56 =	vadd.s32 v14, v35;
	[tilespmem:v60+s25+$0x0] =	vst.idx.msk $0xffff, v59;
	v50 =	vld [tilespmem:s6+$0xFFFFFFD0]  }
0x35e: {  	[tilespmem:v62+s25+$0x0] =	vst.idx.msk $0xffff, v61;
	v46 =	vadd.s32 v22, v37;
	v44 =	vld [tilespmem:s6+$0x50]  }
0x35f: {  	v59 =	vadd.s32 v18, v34;
	[tilespmem:v58+s25+$0x0] =	vst.idx.msk $0xffff, v57;
	v58 =	vld [tilespmem:s6+$0x10]  }
0x360: {  	v57 =	vadd.s32 v31, v38;
	[tilespmem:v63+s25+$0x0] =	vst.idx.msk $0xffff, v47;
	v40 =	vld [tilespmem:s6+$0xE0]  }
0x361: {  	v60 =	vadd.s32 v26, v36;
	[tilespmem:v55+s25+$0x0] =	vst.idx.msk $0xffff, v54;
	v63 =	vld [tilespmem:s6+$0x90]  }
0x362: {  	v62 =	vadd.s32 v2, v33;
	v61 =	vld [tilespmem:s6+$0xFFFFFF10];
	[tilespmem:v56+s25+$0x0] =	vst.idx.msk $0xffff, v50  }
0x363: {  	v51 =	vadd.s32 v7, v45;
	[tilespmem:v46+s25+$0x0] =	vst.idx.msk $0xffff, v44;
	v50 =	vld [tilespmem:s6+$0xFFFFFF60]  }
0x364: {  	v56 =	vadd.s32 v11, v52;
	v55 =	vld [tilespmem:s6+$0xFFFFFFA0];
	[tilespmem:v59+s25+$0x0] =	vst.idx.msk $0xffff, v58  }
0x365: {  	v58 =	vadd.s32 v15, v35;
	[tilespmem:v57+s25+$0x0] =	vst.idx.msk $0xffff, v40;
	v57 =	vld [tilespmem:s6+$0xFFFFFFE0]  }
0x366: {  	[tilespmem:v60+s25+$0x0] =	vst.idx.msk $0xffff, v63;
	v60 =	vadd.s32 v19, v34;
	v59 =	vld [tilespmem:s6+$0x20]  }
0x367: {  	s20 =	simm.s32 $0x9;
	v38 =	vadd.s32 v32, v38;
	[tilespmem:v62+s25+$0x0] =	vst.idx.msk $0xffff, v61;
	v54 =	vld [tilespmem:s6+$0xF0]  }
0x368: {  	s15 =	simm.s32 $0x8;
	v41 =	vadd.s32 v23, v37;
	v53 =	vmov s20;
	[tilespmem:v51+s25+$0x0] =	vst.idx.msk $0xffff, v50;
	v40 =	vld [tilespmem:s6+$0x60]  }
0x369: {  	s12 =	simm.s32 $0xB;
	s14 =	simm.s32 $0xC;
	v43 =	vadd.s32 v27, v36;
	v48 =	vadd.s32 v3, v33;
	v63 =	vmov s15;
	v42 =	vld [tilespmem:s6+$0xA0];
	[tilespmem:v56+s25+$0x0] =	vst.idx.msk $0xffff, v55  }
0x36a: {  	s20 =	simm.s32 $0xE;
	v44 =	vmov s12;
	v47 =	vmov s14;
	v46 =	vld [tilespmem:s6+$0xFFFFFF20];
	v39 =	vshrl.u32 v63, $0x3;
	[tilespmem:v58+s25+$0x0] =	vst.idx.msk $0xffff, v57  }
0x36b: {  	s1 =	simm.s32 $0xA;
	s15 =	simm.s32 $0xD;
	v51 =	vadd.s32 v8, v45;
	v49 =	vld [tilespmem:s6+$0xFFFFFF70];
	v45 =	vshll.u32 v39, v1;
	v39 =	vmov s20;
	[tilespmem:v60+s25+$0x0] =	vst.idx.msk $0xffff, v59  }
0x36c: {  	s12 =	simm.s32 $0x10;
	v52 =	vadd.s32 v12, v52;
	v50 =	vld [tilespmem:s6+$0xFFFFFFB0];
	[tilespmem:v38+s25+$0x0] =	vst.idx.msk $0xffff, v54;
	v54 =	vmov s1;
	v38 =	vmov s15;
	s1 =	simm.s32 $0xF  }
.LBB2_29:
0x36d: {  	p0 =	slt.u32 s12, $0x78;
	v53 =	vshrl.u32 v53, $0x3;
	v55 =	vmov s1;
	v56 =	vld [tilespmem:s6+$0xFFFFFFF0];
	v35 =	vadd.s32 v16, v35;
	[tilespmem:v41+s25+$0x0] =	vst.idx.msk $0xffff, v40  }
0x36e: {  	v40 =	vshrl.u32 v54, $0x3;
	v34 =	vadd.s32 v20, v34;
	v41 =	vshrl.u32 v55, $0x3;
	v54 =	vld [tilespmem:s6+$0x30];
	[tilespmem:v43+s25+$0x0] =	vst.idx.msk $0xffff, v42  }
0x36f: {  	v37 =	vadd.s32 v24, v37;
	v42 =	vshrl.u32 v44, $0x3;
	v41 =	vshll.u32 v41, v1;
	[tilespmem:v48+s25+$0x0] =	vst.idx.msk $0xffff, v46;
	v43 =	vld [tilespmem:s6+$0x70]  }
0x370: {  	v36 =	vadd.s32 v28, v36;
	v44 =	vshrl.u32 v47, $0x3;
	v41 =	vbroadcast v41, $0x0;
	[tilespmem:v51+s25+$0x0] =	vst.idx.msk $0xffff, v49;
	v46 =	vld [tilespmem:s6+$0xB0]  }
0x371: {  	v47 =	vshll.u32 v53, v1;
	v49 =	vadd.s32 v4, v33;
	v33 =	vbroadcast v45, $0x0;
	v48 =	vld [tilespmem:s6+$0xFFFFFF30];
	[tilespmem:v52+s25+$0x0] =	vst.idx.msk $0xffff, v50;
	s6 =	sadd.s32 $0x200, s6  }
0x372: {  	v40 =	vshll.u32 v40, v1;
	v45 =	vbroadcast v47, $0x0;
	v47 =	vld [tilespmem:s6+$0xC0];
	v50 =	vadd.s32 v29, v41;
	[tilespmem:v35+s25+$0x0] =	vst.idx.msk $0xffff, v56  }
0x373: {  	v55 =	vbroadcast v40, $0x0;
	v52 =	vadd.s32 v0, v33;
	v35 =	vshll.u32 v42, v1;
	v51 =	vld [tilespmem:s6+$0xFFFFFF00];
	[tilespmem:v34+s25+$0x0] =	vst.idx.msk $0xffff, v54  }
0x374: {  	v42 =	vadd.s32 v5, v45;
	v35 =	vbroadcast v35, $0x0;
	v34 =	vshll.u32 v44, v1;
	v40 =	vld [tilespmem:s6+$0xFFFFFF40];
	[tilespmem:v37+s25+$0x0] =	vst.idx.msk $0xffff, v43  }
0x375: {  	v44 =	vadd.s32 v9, v55;
	v34 =	vbroadcast v34, $0x0;
	v37 =	vshrl.u32 v38, $0x3;
	v43 =	vld [tilespmem:s6+$0xFFFFFF80];
	[tilespmem:v36+s25+$0x0] =	vst.idx.msk $0xffff, v46  }
0x376: {  	v39 =	vshrl.u32 v39, $0x3;
	v46 =	vadd.s32 v13, v35;
	v36 =	vshll.u32 v37, v1;
	v38 =	vld [tilespmem:s6+$0xFFFFFFC0];
	[tilespmem:v49+s25+$0x0] =	vst.idx.msk $0xffff, v48  }
0x377: {  	v49 =	vadd.s32 v17, v34;
	v37 =	vbroadcast v36, $0x0;
	v36 =	vshll.u32 v39, v1;
	v48 =	vld [tilespmem:s6+$0x0];
	[tilespmem:v50+s25+$0x0] =	vst.idx.msk $0xffff, v47  }
0x378: {  	v36 =	vbroadcast v36, $0x0;
	v47 =	vadd.s32 v30, v41;
	[tilespmem:v52+s25+$0x0] =	vst.idx.msk $0xffff, v51;
	v39 =	vld [tilespmem:s6+$0xD0]  }
0x379: {  	[tilespmem:v42+s25+$0x0] =	vst.idx.msk $0xffff, v40;
	v40 =	vld [tilespmem:s6+$0x40];
	v42 =	vadd.s32 v21, v37  }
0x37a: {  	[tilespmem:v44+s25+$0x0] =	vst.idx.msk $0xffff, v43;
	v43 =	vld [tilespmem:s6+$0x80];
	v44 =	vadd.s32 v25, v36  }
0x37b: {  	v51 =	vadd.s32 v6, v45;
	v50 =	vld [tilespmem:s6+$0xFFFFFF50];
	[tilespmem:v46+s25+$0x0] =	vst.idx.msk $0xffff, v38  }
0x37c: {  	v46 =	vadd.s32 v10, v55;
	v38 =	vld [tilespmem:s6+$0xFFFFFF90];
	[tilespmem:v49+s25+$0x0] =	vst.idx.msk $0xffff, v48  }
0x37d: {  	v49 =	vadd.s32 v14, v35;
	v48 =	vld [tilespmem:s6+$0xFFFFFFD0];
	[tilespmem:v47+s25+$0x0] =	vst.idx.msk $0xffff, v39  }
0x37e: {  	[tilespmem:v42+s25+$0x0] =	vst.idx.msk $0xffff, v40;
	v39 =	vld [tilespmem:s6+$0xE0];
	v40 =	vadd.s32 v31, v41  }
0x37f: {  	v47 =	vadd.s32 v18, v34;
	v42 =	vld [tilespmem:s6+$0x10];
	[tilespmem:v44+s25+$0x0] =	vst.idx.msk $0xffff, v43  }
0x380: {  	v44 =	vadd.s32 v22, v37;
	[tilespmem:v51+s25+$0x0] =	vst.idx.msk $0xffff, v50;
	v43 =	vld [tilespmem:s6+$0x50]  }
0x381: {  	[tilespmem:v46+s25+$0x0] =	vst.idx.msk $0xffff, v38;
	v38 =	vld [tilespmem:s6+$0x90];
	v46 =	vadd.s32 v26, v36  }
0x382: {  	v51 =	vadd.s32 v2, v33;
	v50 =	vld [tilespmem:s6+$0xFFFFFF10];
	[tilespmem:v49+s25+$0x0] =	vst.idx.msk $0xffff, v48  }
0x383: {  	v49 =	vadd.s32 v7, v45;
	v48 =	vld [tilespmem:s6+$0xFFFFFF60];
	[tilespmem:v40+s25+$0x0] =	vst.idx.msk $0xffff, v39  }
0x384: {  	[tilespmem:v47+s25+$0x0] =	vst.idx.msk $0xffff, v42;
	v39 =	vld [tilespmem:s6+$0xF0];
	v47 =	vadd.s32 v32, v41  }
0x385: {  	v56 =	vadd.s32 v11, v55;
	v52 =	vld [tilespmem:s6+$0xFFFFFFA0];
	[tilespmem:v44+s25+$0x0] =	vst.idx.msk $0xffff, v43  }
0x386: {  	v58 =	vadd.s32 v15, v35;
	v57 =	vld [tilespmem:s6+$0xFFFFFFE0];
	[tilespmem:v46+s25+$0x0] =	vst.idx.msk $0xffff, v38  }
0x387: {  	v60 =	vadd.s32 v19, v34;
	[tilespmem:v51+s25+$0x0] =	vst.idx.msk $0xffff, v50;
	v59 =	vld [tilespmem:s6+$0x20]  }
.Ltmp15:
0x388: {  	s0 =	sadd.s32 $0x1, s12;
	v41 =	vadd.s32 v23, v37;
	v38 =	vmov s12;
	[tilespmem:v49+s25+$0x0] =	vst.idx.msk $0xffff, v48;
	v40 =	vld [tilespmem:s6+$0x60];
	(pc) =	sbr.rel @p0 .LBB2_29-.Ltmp15, $4  }
0x389: {  	s1 =	sadd.s32 $0x3, s12;
	v53 =	vmov s0;
	s0 =	sadd.s32 $0x2, s12;
	v43 =	vadd.s32 v27, v36;
	v50 =	vshrl.u32 v38, $0x3;
	v42 =	vld [tilespmem:s6+$0xA0];
	[tilespmem:v47+s25+$0x0] =	vst.idx.msk $0xffff, v39  }
0x38a: {  	v54 =	vmov s0;
	s0 =	sadd.s32 $0x4, s12;
	v44 =	vmov s1;
	s1 =	sadd.s32 $0x5, s12;
	v48 =	vadd.s32 v3, v33;
	v46 =	vld [tilespmem:s6+$0xFFFFFF20];
	[tilespmem:v56+s25+$0x0] =	vst.idx.msk $0xffff, v52  }
0x38b: {  	v38 =	vmov s1;
	v51 =	vadd.s32 v8, v45;
	v47 =	vmov s0;
	s0 =	sadd.s32 $0x6, s12;
	v49 =	vld [tilespmem:s6+$0xFFFFFF70];
	[tilespmem:v58+s25+$0x0] =	vst.idx.msk $0xffff, v57  }
0x38c: {  	s1 =	sadd.s32 $0x7, s12;
	v45 =	vshll.u32 v50, v1;
	s12 =	sadd.s32 $0x8, s12;
	v39 =	vmov s0;
	v52 =	vadd.s32 v12, v55;
	v50 =	vld [tilespmem:s6+$0xFFFFFFB0];
	[tilespmem:v60+s25+$0x0] =	vst.idx.msk $0xffff, v59  }
0x38d: {  	_ =	sdelay $0x2  }
0x38e: {  	v53 =	vshrl.u32 v53, $0x3  }
0x38f: {  	v55 =	vmov s1;
	v56 =	vld [tilespmem:s6+$0xFFFFFFF0];
	v35 =	vadd.s32 v16, v35;
	[tilespmem:v41+s25+$0x0] =	vst.idx.msk $0xffff, v40;
	v57 =	vshrl.u32 v54, $0x3  }
0x390: {  	v59 =	vld [tilespmem:s6+$0x30];
	v34 =	vadd.s32 v20, v34;
	v60 =	vshrl.u32 v44, $0x3;
	v58 =	vshrl.u32 v55, $0x3;
	[tilespmem:v43+s25+$0x0] =	vst.idx.msk $0xffff, v42  }
0x391: {  	v37 =	vadd.s32 v24, v37;
	v62 =	vshrl.u32 v47, $0x3;
	v61 =	vld [tilespmem:s6+$0x70];
	v41 =	vshll.u32 v58, v1;
	[tilespmem:v48+s25+$0x0] =	vst.idx.msk $0xffff, v46  }
0x392: {  	v36 =	vadd.s32 v28, v36;
	v45 =	vbroadcast v45, $0x0;
	v63 =	vld [tilespmem:s6+$0xB0];
	v41 =	vbroadcast v41, $0x0;
	[tilespmem:v51+s25+$0x0] =	vst.idx.msk $0xffff, v49  }
0x393: {  	v33 =	vadd.s32 v4, v33;
	s0 =	sadd.s32 $0x200, s6;
	v38 =	vshrl.u32 v38, $0x3;
	v55 =	vshll.u32 v53, v1;
	v48 =	vld [tilespmem:s6+$0xFFFFFF30];
	[tilespmem:v52+s25+$0x0] =	vst.idx.msk $0xffff, v50  }
0x394: {  	v40 =	vshll.u32 v57, v1;
	v47 =	vbroadcast v55, $0x0;
	v49 =	vld [tilespmem:s0+$0xC0];
	v50 =	vadd.s32 v29, v41;
	[tilespmem:v35+s25+$0x0] =	vst.idx.msk $0xffff, v56  }
0x395: {  	v42 =	vshll.u32 v60, v1;
	v40 =	vbroadcast v40, $0x0;
	v35 =	vld [tilespmem:s0+$0xFFFFFF00];
	v56 =	vadd.s32 v0, v45;
	[tilespmem:v34+s25+$0x0] =	vst.idx.msk $0xffff, v59  }
0x396: {  	v57 =	vld [tilespmem:s0+$0xFFFFFF40];
	v44 =	vshll.u32 v62, v1;
	v42 =	vbroadcast v42, $0x0;
	v58 =	vadd.s32 v5, v47;
	[tilespmem:v37+s25+$0x0] =	vst.idx.msk $0xffff, v61  }
0x397: {  	v38 =	vshll.u32 v38, v1;
	v44 =	vbroadcast v44, $0x0;
	v60 =	vadd.s32 v9, v40;
	v59 =	vld [tilespmem:s0+$0xFFFFFF80];
	[tilespmem:v36+s25+$0x0] =	vst.idx.msk $0xffff, v63  }
0x398: {  	v38 =	vbroadcast v38, $0x0;
	v62 =	vadd.s32 v13, v42;
	v61 =	vld [tilespmem:s0+$0xFFFFFFC0];
	[tilespmem:v33+s25+$0x0] =	vst.idx.msk $0xffff, v48  }
0x399: {  	v39 =	vshrl.u32 v39, $0x3;
	v63 =	vadd.s32 v17, v44;
	v33 =	vld [tilespmem:s0+$0x0];
	[tilespmem:v50+s25+$0x0] =	vst.idx.msk $0xffff, v49  }
0x39a: {  	v39 =	vshll.u32 v39, v1;
	v34 =	vld [tilespmem:s0+$0x40];
	[tilespmem:v56+s25+$0x0] =	vst.idx.msk $0xffff, v35;
	v56 =	vadd.s32 v21, v38  }
0x39b: {  	[tilespmem:v58+s25+$0x0] =	vst.idx.msk $0xffff, v57;
	v35 =	vbroadcast v39, $0x0;
	v49 =	vadd.s32 v30, v41;
	v39 =	vld [tilespmem:s0+$0xD0]  }
0x39c: {  	[tilespmem:v60+s25+$0x0] =	vst.idx.msk $0xffff, v59;
	v59 =	vld [tilespmem:s0+$0xFFFFFF50];
	v60 =	vadd.s32 v6, v47  }
0x39d: {  	v57 =	vld [tilespmem:s0+$0x80];
	[tilespmem:v62+s25+$0x0] =	vst.idx.msk $0xffff, v61;
	v58 =	vadd.s32 v25, v35  }
0x39e: {  	v61 =	vld [tilespmem:s0+$0xFFFFFF90];
	v62 =	vadd.s32 v10, v40;
	[tilespmem:v63+s25+$0x0] =	vst.idx.msk $0xffff, v33  }
0x39f: {  	v33 =	vld [tilespmem:s0+$0xFFFFFFD0];
	v63 =	vadd.s32 v14, v42;
	[tilespmem:v56+s25+$0x0] =	vst.idx.msk $0xffff, v34  }
0x3a0: {  	v56 =	vadd.s32 v18, v44;
	[tilespmem:v49+s25+$0x0] =	vst.idx.msk $0xffff, v39;
	v49 =	vld [tilespmem:s0+$0x10]  }
0x3a1: {  	[tilespmem:v60+s25+$0x0] =	vst.idx.msk $0xffff, v59;
	v39 =	vadd.s32 v31, v41;
	v34 =	vld [tilespmem:s0+$0xE0]  }
0x3a2: {  	[tilespmem:v58+s25+$0x0] =	vst.idx.msk $0xffff, v57;
	v57 =	vld [tilespmem:s0+$0x50];
	v58 =	vadd.s32 v22, v38  }
0x3a3: {  	[tilespmem:v62+s25+$0x0] =	vst.idx.msk $0xffff, v61;
	v61 =	vld [tilespmem:s0+$0xFFFFFF10];
	v62 =	vadd.s32 v2, v45  }
0x3a4: {  	v60 =	vadd.s32 v26, v35;
	v59 =	vld [tilespmem:s0+$0x90];
	[tilespmem:v63+s25+$0x0] =	vst.idx.msk $0xffff, v33  }
0x3a5: {  	v55 =	vadd.s32 v11, v40;
	v54 =	vadd.s32 v32, v41;
	v41 =	vld [tilespmem:s0+$0xFFFFFFA0];
	[tilespmem:v56+s25+$0x0] =	vst.idx.msk $0xffff, v49  }
0x3a6: {  	v53 =	vadd.s32 v7, v47;
	v63 =	vld [tilespmem:s0+$0xFFFFFF60];
	[tilespmem:v39+s25+$0x0] =	vst.idx.msk $0xffff, v34  }
0x3a7: {  	v56 =	vld [tilespmem:s0+$0xFFFFFFE0];
	[tilespmem:v58+s25+$0x0] =	vst.idx.msk $0xffff, v57;
	v57 =	vadd.s32 v15, v42  }
0x3a8: {  	[tilespmem:v62+s25+$0x0] =	vst.idx.msk $0xffff, v61;
	v34 =	vld [tilespmem:s0+$0xF0]  }
0x3a9: {  	v58 =	vld [tilespmem:s0+$0x20];
	[tilespmem:v60+s25+$0x0] =	vst.idx.msk $0xffff, v59;
	v59 =	vadd.s32 v19, v44  }
0x3aa: {  	v61 =	vadd.s32 v23, v38;
	[tilespmem:v55+s25+$0x0] =	vst.idx.msk $0xffff, v41;
	v60 =	vld [tilespmem:s0+$0x60]  }
0x3ab: {  	[tilespmem:v53+s25+$0x0] =	vst.idx.msk $0xffff, v63;
	v63 =	vadd.s32 v27, v35;
	v62 =	vld [tilespmem:s0+$0xA0]  }
0x3ac: {  	v47 =	vadd.s32 v8, v47;
	v55 =	vld [tilespmem:s0+$0xFFFFFF70];
	[tilespmem:v57+s25+$0x0] =	vst.idx.msk $0xffff, v56  }
0x3ad: {  	v53 =	vld [tilespmem:s0+$0xFFFFFF20];
	[tilespmem:v54+s25+$0x0] =	vst.idx.msk $0xffff, v34;
	v54 =	vadd.s32 v3, v45  }
0x3ae: {  	v40 =	vadd.s32 v12, v40;
	v56 =	vld [tilespmem:s0+$0xFFFFFFB0];
	[tilespmem:v59+s25+$0x0] =	vst.idx.msk $0xffff, v58  }
0x3af: {  	v42 =	vadd.s32 v16, v42;
	v57 =	vld [tilespmem:s0+$0xFFFFFFF0];
	[tilespmem:v61+s25+$0x0] =	vst.idx.msk $0xffff, v60  }
0x3b0: {  	v59 =	vadd.s32 v20, v44;
	v58 =	vld [tilespmem:s0+$0x30];
	[tilespmem:v63+s25+$0x0] =	vst.idx.msk $0xffff, v62  }
0x3b1: {  	v38 =	vadd.s32 v24, v38;
	v60 =	vld [tilespmem:s0+$0x70];
	[tilespmem:v47+s25+$0x0] =	vst.idx.msk $0xffff, v55  }
0x3b2: {  	v35 =	vadd.s32 v28, v35;
	v61 =	vld [tilespmem:s0+$0xB0];
	[tilespmem:v54+s25+$0x0] =	vst.idx.msk $0xffff, v53  }
0x3b3: {  	v63 =	vadd.s32 v4, v45;
	[tilespmem:v40+s25+$0x0] =	vst.idx.msk $0xffff, v56;
	v62 =	vld [tilespmem:s0+$0xFFFFFF30]  }
0x3b4: {  	[tilespmem:v42+s25+$0x0] =	vst.idx.msk $0xffff, v57  }
0x3b5: {  	[tilespmem:v59+s25+$0x0] =	vst.idx.msk $0xffff, v58  }
0x3b6: {  	[tilespmem:v38+s25+$0x0] =	vst.idx.msk $0xffff, v60  }
0x3b7: {  	[tilespmem:v35+s25+$0x0] =	vst.idx.msk $0xffff, v61  }
0x3b8: {  	s0 =	simm.s32 $0xBB00;
	[tilespmem:v63+s25+$0x0] =	vst.idx.msk $0xffff, v62  }
0x3b9: {  	[hbm4b:s11+s3] =	stream.linear.scatter [tilespmem:s0], [sflag:$0x6], $0x80, $0x38;
	[tilespmem:$0x12100] =	vst v63  }
0x3ba: {  	s1 =	simm.s32 $0xBB88;
	s6 =	sadd.s32 $0x10, s11  }
0x3bb: {  	[hbm4b:s6+s3] =	stream.linear.scatter [tilespmem:s1], [sflag:$0x6], $0x80, $0x38;
	[tilespmem:$0x12100] =	vst v63  }
0x3bc: {  	s12 =	simm.s32 $0xBC10;
	s14 =	sadd.s32 $0x20, s11;
	s15 =	simm.s32 $0xBC98  }
0x3bd: {  	[hbm4b:s14+s3] =	stream.linear.scatter [tilespmem:s12], [sflag:$0x6], $0x80, $0x38;
	[tilespmem:$0x12100] =	vst v63  }
0x3be: {  	s20 =	sadd.s32 $0x30, s11;
	s0 =	simm.s32 $0xBEB8;
	s1 =	simm.s32 $0xBD20  }
0x3bf: {  	[hbm4b:s20+s3] =	stream.linear.scatter [tilespmem:s15], [sflag:$0x6], $0x80, $0x38;
	[tilespmem:$0x12100] =	vst v63  }
0x3c0: {  	s6 =	sadd.s32 $0x40, s11;
	s12 =	simm.s32 $0xBDA8;
	s14 =	sadd.s32 $0x50, s11  }
0x3c1: {  	[hbm4b:s6+s3] =	stream.linear.scatter [tilespmem:s1], [sflag:$0x6], $0x80, $0x38;
	[tilespmem:$0x12100] =	vst v63  }
0x3c2: {  	s15 =	simm.s32 $0xBE30;
	s20 =	sadd.s32 $0x60, s11;
	s6 =	simm.s32 $0x440  }
0x3c3: {  	[hbm4b:s14+s3] =	stream.linear.scatter [tilespmem:s12], [sflag:$0x6], $0x80, $0x38;
	[tilespmem:$0x12100] =	vst v63  }
0x3c4: {  	s1 =	simm.s32 $0x2200;
	s14 =	sadd.s32 $0x70, s11;
	s12 =	sadd.s32 $0x1000, s11  }
0x3c5: {  	[hbm4b:s20+s3] =	stream.linear.scatter [tilespmem:s15], [sflag:$0x6], $0x80, $0x38;
	[tilespmem:$0x12100] =	vst v63  }
.LBB2_31:
0x3c6: {  	[hbm4b:s14+s3] =	stream.linear.scatter [tilespmem:s0], [sflag:$0x6], $0x80, $0x38;
	[tilespmem:$0x12100] =	vst v63  }
0x3c7: {  	s0 =	smov.u32 s6;
	s6 =	smov.u32 s1  }
0x3c8: {  	s15 =	sadd.s32 $0x1100, s1;
	s6 =	sshra.s32 s6, $0x2;
	s14 =	sadd.s32 $0xBB00, s0  }
0x3c9: {  	[hbm4b:s12+s3] =	stream.linear.scatter [tilespmem:s14], [sflag:$0x6], $0x80, $0x38;
	[tilespmem:$0x12100] =	vst v63  }
0x3ca: {  	p0 =	sne.s32 s1, $0x7700;
	s1 =	sadd.s32 $0xBB88, s0;
	s14 =	sadd.s32 $0x10, s12  }
0x3cb: {  	[hbm4b:s14+s3] =	stream.linear.scatter [tilespmem:s1], [sflag:$0x6], $0x80, $0x38;
	[tilespmem:$0x12100] =	vst v63  }
0x3cc: {  	s1 =	sadd.s32 $0xBC10, s0;
	s14 =	sadd.s32 $0x20, s12  }
0x3cd: {  	[hbm4b:s14+s3] =	stream.linear.scatter [tilespmem:s1], [sflag:$0x6], $0x80, $0x38;
	[tilespmem:$0x12100] =	vst v63  }
0x3ce: {  	s1 =	sadd.s32 $0xBC98, s0;
	s14 =	sadd.s32 $0x30, s12  }
0x3cf: {  	[hbm4b:s14+s3] =	stream.linear.scatter [tilespmem:s1], [sflag:$0x6], $0x80, $0x38;
	[tilespmem:$0x12100] =	vst v63  }
0x3d0: {  	s1 =	sadd.s32 $0xBD20, s0;
	s14 =	sadd.s32 $0x40, s12  }
0x3d1: {  	[hbm4b:s14+s3] =	stream.linear.scatter [tilespmem:s1], [sflag:$0x6], $0x80, $0x38;
	[tilespmem:$0x12100] =	vst v63  }
.Ltmp16:
0x3d2: {  	s1 =	sadd.s32 $0xBDA8, s0;
	s14 =	sadd.s32 $0x50, s12;
	(pc) =	sbr.rel @p0 .LBB2_31-.Ltmp16, $4  }
0x3d3: {  	[hbm4b:s14+s3] =	stream.linear.scatter [tilespmem:s1], [sflag:$0x6], $0x80, $0x38;
	[tilespmem:$0x12100] =	vst v63  }
0x3d4: {  	s1 =	sadd.s32 $0xBE30, s0;
	s14 =	sadd.s32 $0x60, s12;
	s0 =	sadd.s32 $0xBEB8, s0  }
0x3d5: {  	[hbm4b:s14+s3] =	stream.linear.scatter [tilespmem:s1], [sflag:$0x6], $0x80, $0x38;
	[tilespmem:$0x12100] =	vst v63  }
0x3d6: {  	s14 =	sadd.s32 $0x70, s12;
	s12 =	sadd.s32 $0x1000, s12;
	s1 =	smov.u32 s15  }
0x3d7: {  	[hbm4b:s14+s3] =	stream.linear.scatter [tilespmem:s0], [sflag:$0x6], $0x80, $0x38;
	[tilespmem:$0x12100] =	vst v63  }
0x3d8: {  	s1 =	sadd.s32 $0xBB00, s6  }
0x3d9: {  	[hbm4b:s12+s3] =	stream.linear.scatter [tilespmem:s1], [sflag:$0x6], $0x80, $0x38;
	[tilespmem:$0x12100] =	vst v63  }
0x3da: {  	s14 =	sadd.s32 $0xBB88, s6;
	s1 =	sadd.s32 $0x10, s12  }
0x3db: {  	[hbm4b:s1+s3] =	stream.linear.scatter [tilespmem:s14], [sflag:$0x6], $0x80, $0x38;
	[tilespmem:$0x12100] =	vst v63  }
0x3dc: {  	s15 =	sadd.s32 $0xBC10, s6;
	s20 =	sadd.s32 $0x20, s12  }
0x3dd: {  	[hbm4b:s20+s3] =	stream.linear.scatter [tilespmem:s15], [sflag:$0x6], $0x80, $0x38;
	[tilespmem:$0x12100] =	vst v63  }
0x3de: {  	s1 =	sadd.s32 $0xBC98, s6;
	s14 =	sadd.s32 $0x30, s12  }
0x3df: {  	[hbm4b:s14+s3] =	stream.linear.scatter [tilespmem:s1], [sflag:$0x6], $0x80, $0x38;
	[tilespmem:$0x12100] =	vst v63  }
0x3e0: {  	s15 =	sadd.s32 $0xBD20, s6;
	s20 =	sadd.s32 $0x40, s12  }
0x3e1: {  	[hbm4b:s20+s3] =	stream.linear.scatter [tilespmem:s15], [sflag:$0x6], $0x80, $0x38;
	[tilespmem:$0x12100] =	vst v63  }
0x3e2: {  	s1 =	sadd.s32 $0xBDA8, s6;
	s14 =	sadd.s32 $0x50, s12  }
0x3e3: {  	[hbm4b:s14+s3] =	stream.linear.scatter [tilespmem:s1], [sflag:$0x6], $0x80, $0x38;
	[tilespmem:$0x12100] =	vst v63  }
0x3e4: {  	s15 =	sadd.s32 $0xBE30, s6;
	s20 =	sadd.s32 $0x60, s12  }
0x3e5: {  	[hbm4b:s20+s3] =	stream.linear.scatter [tilespmem:s15], [sflag:$0x6], $0x80, $0x38;
	[tilespmem:$0x12100] =	vst v63  }
0x3e6: {  	s6 =	sadd.s32 $0xBEB8, s6;
	s14 =	sadd.s32 $0x70, s12;
	s15 =	simm.s32 $0x7  }
0x3e7: {  	[hbm4b:s14+s3] =	stream.linear.scatter [tilespmem:s6], [sflag:$0x6], $0x80, $0x38;
	[tilespmem:$0x12100] =	vst v63  }
0x3e8: {  	_ =	swait.ge [sflag:s15], $0x2000  }
0x3e9: {  	[sflag:s15] =	ssyncset.done $0x0  }
0x3ea: {  	[sflag:s15] =	ssyncadd.s32 $0xFFFFE000  }
0x3eb: {  	_ =	swait.ge [sflag:s30], $0x2000  }
0x3ec: {  	[sflag:s30] =	ssyncset.done $0x0  }
0x3ed: {  	[sflag:s30] =	ssyncadd.s32 $0xFFFFE000  }
0x3ee: {  	_ =	swait.ge [sflag:s18], $0x2000  }
0x3ef: {  	[sflag:s18] =	ssyncset.done $0x0  }
0x3f0: {  	[sflag:s18] =	ssyncadd.s32 $0xFFFFE000  }
0x3f1: {  	_ =	swait.ge [sflag:s19], $0x2000  }
0x3f2: {  	s18 =	rddreg [dreg:$0x5]  }
0x3f3: {  	s20 =	rddreg [dreg:$0x4];
	s1 =	sadd.s32 $0x1, s18  }
0x3f4: {  	p0 =	sne.s32 s1, s20  }
.Ltmp17:
0x3f5: {  	_ = 	snop;
	(pc) =	sbr.rel @p0 .LBB2_1-.Ltmp17, $3  }
0x3f6: {  	_ =	sdelay $0x1  }
0x3f7: {  	[sflag:s19] =	ssyncset.done $0x0  }
0x3f8: {  	[sflag:s19] =	ssyncadd.s32 $0xFFFFE000  }
0x3f9: {  	_ =	sfence.sel $0x180000  }
0x3fa: {  	[bflag:$0x0] =	sbarrier.arrive $0xFFFF  }
0x3fb: {  	_ =	strace $0x90000047  }
0x3fc: {  	s0 =	stileid.u32;
	[bflag:$0x2] =	sbarrier.arrive $0xFFFF  }
0x3fd: {  	p0 =	sne.s32 s0, $0x0;
	s0 =	rddreg [dreg:$0x2]  }
0x3fe: {  	s0 =	sadd.s32 @!p0 $0x100000, s0  }
0x3ff: {  	[sflag:s0] =	ssyncadd.tile.s32 @!p0 $0x1;
	_ =	shalt  }
.Lfunc_end2:
_tile_overlayer_lowered:
.L_overlay_start_2:
0x400: {  	(tag) =	ssettag $0x2  }
0x401: {  	s0 =	rddreg [dreg:$0x0];
	s2 =	stileid.u32  }
0x402: {  	s1 =	rddreg [dreg:$0x1];
	p0 =	sne.s32 s2, $0x0  }
0x403: {  	s3 =	rddreg [dreg:$0x2];
	[bflag:$0x3] =	sbarrier.arrive $0xFFFF;
	s2 =	simm.s32 @!p0 $0x1C09  }
0x404: {  	[timem:s3], [sflag:s2] =	dma.local @!p0 [hbm:s0], s1  }
0x405: {  	s0 =	simm.s32 @!p0 $0x9  }
0x406: {  	_ =	swait.ge @!p0 [sflag:s0], s1  }
0x407: {  	s1 =	ssub.s32 @!p0 $0x0, s1;
	[sflag:s0] =	ssyncset.done @!p0 $0x0  }
0x408: {  	[sflag:s0] =	ssyncadd.s32 @!p0 s1  }
0x409: {  	[bflag:$0x3] =	sbarrier.arrive $0xFFFF  }
0x40a: {  	_ =	shalt  }

</sc_bundles>
